<compile_context>
chip_gen: v7x
topology: tpu7x:2x2x1
jax: 0.10.2.dev20260603
libtpu: 0.0.44.dev20260713+nightly
codegen_flags: <defaults>
</compile_context>

<pallas_src>
import jax
import jax.numpy as jnp
from jax import lax
from jax.experimental import pallas as pl
from jax.experimental.pallas import tpu as pltpu
import jax.experimental.pallas.tpu_sc as plsc

N = 98304
D = 256
S = 32768
NC = 2
NS = 16
NW = NC * NS
L = 16

CHUNK = N // NW
BINS_PER_W = N // NW
CAP2 = 320
SLOTS = NW * CAP2

ROWS_PER_W = N // NW
WIN = 128
N_WIN = ROWS_PER_W // WIN

_I17 = (1 << 17) - 1
_I12 = (1 << 12) - 1


def _route_body(keys_hbm, stage_hbm, cnt_hbm, keys_v, stage_v, cnt_v):
    wid = lax.axis_index("s") * NC + lax.axis_index("c")
    iota = jnp.arange(L, dtype=jnp.int32)
    ones = jnp.ones((L,), jnp.int32)
    zeros = jnp.zeros((L,), jnp.int32)

    pltpu.sync_copy(keys_hbm.at[pl.ds(wid * CHUNK, CHUNK)], keys_v)
    cnt_v[pl.ds(0, L)] = zeros
    cnt_v[pl.ds(L, L)] = zeros

    def rbody(j, _):
        v = keys_v[pl.ds(j * L, L)]
        d = ((v >> 7) * 683) >> 14
        occ, _ = plsc.scan_count(d)
        cbase = plsc.load_gather(cnt_v, [d])
        pos = d * CAP2 + cbase + occ - 1
        packed = ((v - d * BINS_PER_W) << 17) | (wid * CHUNK + j * L + iota)
        plsc.store_scatter(stage_v, [pos], packed)
        plsc.addupdate_scatter(cnt_v, [d], ones)
        return 0

    lax.fori_loop(0, CHUNK // L, rbody, 0)

    pltpu.sync_copy(stage_v, stage_hbm.at[pl.ds(wid * SLOTS, SLOTS)])
    pltpu.sync_copy(cnt_v, cnt_hbm.at[pl.ds(wid * NW, NW)])


def _place_body(stage_hbm, cnt_hbm, ret_hbm, slots_v, cnt_all_v,
                hist_v, start_v, sbuf_v, sem):
    wid = lax.axis_index("s") * NC + lax.axis_index("c")
    iota = jnp.arange(L, dtype=jnp.int32)
    ones = jnp.ones((L,), jnp.int32)
    zeros = jnp.zeros((L,), jnp.int32)

    pltpu.sync_copy(cnt_hbm, cnt_all_v)

    cps = [
        pltpu.async_copy(
            stage_hbm.at[pl.ds(s * SLOTS + wid * CAP2, CAP2)],
            slots_v.at[pl.ds(s * CAP2, CAP2)], sem)
        for s in range(NW)
    ]

    @plsc.parallel_loop(0, (NW * NW) // L, unroll=8, carry=zeros)
    def acc(j, carry):
        c = cnt_all_v[pl.ds(j * L, L)]
        dst = (j * L + iota) & (NW - 1)
        return carry + jnp.where(dst < wid, c, 0)

    base = jnp.sum(acc)

    @plsc.parallel_loop(0, BINS_PER_W // L, unroll=8)
    def _zero(j):
        hist_v[pl.ds(j * L, L)] = zeros

    for c in cps:
        c.wait()

    hi_off = (wid >> 4) << 4
    lane = wid & (L - 1)

    def slot_count(s):
        cv = cnt_all_v[pl.ds(s * NW + hi_off, L)]
        return jnp.sum(jnp.where(iota == lane, cv, 0))

    def hpass(s, _):
        c_s = slot_count(s)

        def hv(j, _):
            p = slots_v[pl.ds(s * CAP2 + j * L, L)]
            valid = (j * L + iota) < c_s
            lb = jnp.where(valid, p >> 17, 0)
            plsc.addupdate_scatter(hist_v, [lb], ones, mask=valid)
            return 0

        lax.fori_loop(0, (c_s + L - 1) // L, hv, 0)
        return 0

    lax.fori_loop(0, NW, hpass, 0)

    @plsc.parallel_loop(0, BINS_PER_W // L, unroll=8, carry=jnp.int32(0))
    def _cum(j, carry):
        h = hist_v[pl.ds(j * L, L)]
        cs = plsc.cumsum(h)
        start_v[pl.ds(j * L, L)] = cs - h + carry
        return carry + jnp.sum(h)

    def ppass(s, _):
        c_s = slot_count(s)

        def pv(j, _):
            p = slots_v[pl.ds(s * CAP2 + j * L, L)]
            valid = (j * L + iota) < c_s
            lb = jnp.where(valid, p >> 17, 0)
            il = (p & _I17) - s * CHUNK
            occ, _ = plsc.scan_count(lb, mask=valid)
            st = plsc.load_gather(start_v, [lb])
            pos = base + st + occ - 1
            plsc.addupdate_scatter(start_v, [lb], ones, mask=valid)
            sp = s * CAP2 + j * L + iota
            plsc.store_scatter(sbuf_v, [sp], (pos << 12) | il, mask=valid)
            return 0

        lax.fori_loop(0, (c_s + L - 1) // L, pv, 0)
        return 0

    lax.fori_loop(0, NW, ppass, 0)

    pltpu.sync_copy(sbuf_v, ret_hbm.at[pl.ds(wid * SLOTS, SLOTS)])


def _rows_body(asc_hbm, cru_hbm, des_hbm, ret_hbm, cnt_hbm, out_hbm,
               ret_v, cnt_all_v, rank_v, idx_v, rows_v, sem):
    wid = lax.axis_index("s") * NC + lax.axis_index("c")
    iota = jnp.arange(L, dtype=jnp.int32)
    row0 = wid * ROWS_PER_W

    pltpu.sync_copy(cnt_hbm, cnt_all_v)

    cps = [
        pltpu.async_copy(
            ret_hbm.at[pl.ds(s * SLOTS + wid * CAP2, CAP2)],
            ret_v.at[pl.ds(s * CAP2, CAP2)], sem)
        for s in range(NW)
    ]
    for c in cps:
        c.wait()

    def upass(s, _):
        cv = cnt_all_v[pl.ds(wid * NW + ((s >> 4) << 4), L)]
        c_s = jnp.sum(jnp.where(iota == (s & (L - 1)), cv, 0))

        def uv(j, _):
            q = ret_v[pl.ds(s * CAP2 + j * L, L)]
            valid = (j * L + iota) < c_s
            il = jnp.where(valid, q & _I12, 0)
            plsc.store_scatter(rank_v, [il], q >> 12, mask=valid)
            return 0

        lax.fori_loop(0, (c_s + L - 1) // L, uv, 0)
        return 0

    lax.fori_loop(0, NW, upass, 0)

    def win(w, _):
        start = row0 + w * WIN

        def cpy(k, _):
            idx_v[pl.ds(k * L, L)] = rank_v[pl.ds(w * WIN + k * L, L)]
            return 0

        lax.fori_loop(0, WIN // L, cpy, 0)

        src = start // S
        local = start - src * S

        @pl.when(src == 0)
        def _():
            pltpu.sync_copy(asc_hbm.at[pl.ds(local, WIN)], rows_v)

        @pl.when(src == 1)
        def _():
            pltpu.sync_copy(cru_hbm.at[pl.ds(local, WIN)], rows_v)

        @pl.when(src == 2)
        def _():
            pltpu.sync_copy(des_hbm.at[pl.ds(local, WIN)], rows_v)

        pltpu.async_copy(rows_v, out_hbm.at[idx_v], sem).wait()
        return 0

    lax.fori_loop(0, N_WIN, win, 0)


def kernel(asc_dec, cru_dec, des_dec, concat_index):
    mesh = plsc.VectorSubcoreMesh(core_axis_name="c", subcore_axis_name="s")

    route_k = pl.kernel(
        _route_body,
        mesh=mesh,
        out_type=(
            jax.ShapeDtypeStruct((NW * SLOTS,), jnp.int32),
            jax.ShapeDtypeStruct((NW * NW,), jnp.int32),
        ),
        scratch_types=[
            pltpu.VMEM((CHUNK,), jnp.int32),
            pltpu.VMEM((SLOTS,), jnp.int32),
            pltpu.VMEM((NW,), jnp.int32),
        ],
        compiler_params=pltpu.CompilerParams(needs_layout_passes=False),
    )
    stage, cnts = route_k(concat_index)

    place_k = pl.kernel(
        _place_body,
        mesh=mesh,
        out_type=jax.ShapeDtypeStruct((NW * SLOTS,), jnp.int32),
        scratch_types=[
            pltpu.VMEM((SLOTS,), jnp.int32),
            pltpu.VMEM((NW * NW,), jnp.int32),
            pltpu.VMEM((BINS_PER_W,), jnp.int32),
            pltpu.VMEM((BINS_PER_W,), jnp.int32),
            pltpu.VMEM((SLOTS,), jnp.int32),
            pltpu.SemaphoreType.DMA,
        ],
        compiler_params=pltpu.CompilerParams(needs_layout_passes=False),
    )
    ret = place_k(stage, cnts)

    rows_k = pl.kernel(
        _rows_body,
        mesh=mesh,
        out_type=jax.ShapeDtypeStruct((N, D), jnp.float32),
        scratch_types=[
            pltpu.VMEM((SLOTS,), jnp.int32),
            pltpu.VMEM((NW * NW,), jnp.int32),
            pltpu.VMEM((CHUNK,), jnp.int32),
            pltpu.VMEM((WIN,), jnp.int32),
            pltpu.VMEM((WIN, D), jnp.float32),
            pltpu.SemaphoreType.DMA,
        ],
        compiler_params=pltpu.CompilerParams(needs_layout_passes=False),
    )
    return rows_k(asc_dec, cru_dec, des_dec, ret, cnts)

# --- scband reference (transcript-rebuilt; emitter-appended) ---
"""Pipeline reference for scband-concatenate-33861522161791 (READ-ONLY COPY).

The authoritative reference and input builder live on the scoring server;
editing this copy changes nothing except your own understanding.
"""

import jax, jax.numpy as jnp
import numpy as np


def setup_inputs(seed: int = 0) -> dict:
    key = jax.random.key(seed)
    k1, k2, k3, k4 = jax.random.split(key, 4)
    asc_dec = jax.random.normal(k1, (32768, 256), dtype=jnp.float32)
    cru_dec = jax.random.normal(k2, (32768, 256), dtype=jnp.float32)
    des_dec = jax.random.normal(k3, (32768, 256), dtype=jnp.float32)
    concat_index = jax.random.randint(k4, (98304,), 0, 98304, dtype=jnp.int32)
    return {
        "asc_dec": asc_dec,
        "cru_dec": cru_dec,
        "des_dec": des_dec,
        "concat_index": concat_index,
    }


def reference(asc_dec, cru_dec, des_dec, concat_index):
    # concat along axis 0 (matches tf.keras Concatenate(axis=0) usage in call)
    concat_dec = jnp.concatenate([asc_dec, cru_dec, des_dec], axis=0)
    # tf.gather(concat_dec, tf.argsort(concat_index), axis=0)
    order = jnp.argsort(concat_index)
    return jnp.take(concat_dec, order, axis=0)

if __name__ == "__main__":
    import jax
    _d = setup_inputs()
    print(jax.jit(kernel)(*tuple(_d.values())))

</pallas_src>

<mosaic_0001>
#map = affine_map<(d0, d1) -> (0)>
module attributes {stable_mosaic.version = 14 : i64} {
  func.func @_place_body(%arg0: i32, %arg1: i32, %arg2: memref<327680xi32, #tpu.memory_space<hbm>>, %arg3: memref<1024xi32, #tpu.memory_space<hbm>>, %arg4: memref<327680xi32, #tpu.memory_space<hbm>>, %arg5: memref<10240xi32, #tpu.memory_space<vmem>>, %arg6: memref<1024xi32, #tpu.memory_space<vmem>>, %arg7: memref<3072xi32, #tpu.memory_space<vmem>>, %arg8: memref<3072xi32, #tpu.memory_space<vmem>>, %arg9: memref<10240xi32, #tpu.memory_space<vmem>>, %arg10: memref<!tpu.dma_semaphore, #tpu.memory_space<semaphore_mem>>) attributes {dimension_semantics = [#tpu.dimension_semantics<core_parallel>, #tpu.dimension_semantics<subcore_parallel>], iteration_bounds = array<i64: 2, 16>, scalar_prefetch = 0 : i64, scratch_operands = 6 : i64, tpu.core_type = #tpu.core_type<sc_vector_subcore>, window_params = [{transform_indices = #map}, {transform_indices = #map}, {transform_indices = #map}]} {
    %mul3A = arith.constant 2 : i32
    %mul3A_0 = arith.muli %arg1, %mul3A : i32
    %add3A = arith.addi %mul3A_0, %arg0 : i32
    %iota3A = tpu.iota {dimensions = array<i32: 0>} : vector<16xi32>
    %broadcast_in_dim3A = arith.constant 1 : i32
    %broadcast_in_dim3A_1 = vector.broadcast %broadcast_in_dim3A : i32 to vector<16xi32>
    %broadcast_in_dim3A_2 = arith.constant 0 : i32
    %broadcast_in_dim3A_3 = vector.broadcast %broadcast_in_dim3A_2 : i32 to vector<16xi32>
    "tpu.region"() ({
      %run_scoped3A = tpu.sem_alloc : memref<!tpu.dma_semaphore, #tpu.memory_space<semaphore_mem>>
      tpu.enqueue_dma source(%arg3 : memref<1024xi32, #tpu.memory_space<hbm>>) target(%arg6 : memref<1024xi32, #tpu.memory_space<vmem>>) target_semaphore(%run_scoped3A : memref<!tpu.dma_semaphore, #tpu.memory_space<semaphore_mem>>)
      tpu.wait_dma2 semaphore(%run_scoped3A : memref<!tpu.dma_semaphore, #tpu.memory_space<semaphore_mem>>) src(%arg3 : memref<1024xi32, #tpu.memory_space<hbm>>) dst(%arg6 : memref<1024xi32, #tpu.memory_space<vmem>>)
      tpu.yield
    }) : () -> ()
    %mul3A_4 = arith.constant 320 : i32
    %mul3A_5 = arith.muli %add3A, %mul3A_4 : i32
    %add3A_6 = arith.constant 0 : i32
    %add3A_7 = arith.addi %add3A_6, %mul3A_5 : i32
    %dma_start3A = arith.constant 0 : i32
    %dma_start3A_8 = tpu.memref_slice %arg5[%dma_start3A] : memref<10240xi32, #tpu.memory_space<vmem>> -> memref<320xi32, #tpu.memory_space<vmem>>
    %dma_start3A_9 = tpu.memref_slice %arg2[%add3A_7] : memref<327680xi32, #tpu.memory_space<hbm>> -> memref<320xi32, #tpu.memory_space<hbm>>
    %dma_start3A_10 = arith.constant 0 : i32
    %dma_start3A_11 = tpu.memref_slice %arg5[%dma_start3A_10] : memref<10240xi32, #tpu.memory_space<vmem>> -> memref<320xi32, #tpu.memory_space<vmem>>
    %dma_start3A_12 = tpu.memref_slice %arg2[%add3A_7] : memref<327680xi32, #tpu.memory_space<hbm>> -> memref<320xi32, #tpu.memory_space<hbm>>
    tpu.enqueue_dma source(%dma_start3A_12 : memref<320xi32, #tpu.memory_space<hbm>>) target(%dma_start3A_11 : memref<320xi32, #tpu.memory_space<vmem>>) target_semaphore(%arg10 : memref<!tpu.dma_semaphore, #tpu.memory_space<semaphore_mem>>)
    %mul3A_13 = arith.constant 320 : i32
    %mul3A_14 = arith.muli %add3A, %mul3A_13 : i32
    %add3A_15 = arith.constant 10240 : i32
    %add3A_16 = arith.addi %add3A_15, %mul3A_14 : i32
    %dma_start3A_17 = arith.constant 320 : i32
    %dma_start3A_18 = tpu.memref_slice %arg5[%dma_start3A_17] : memref<10240xi32, #tpu.memory_space<vmem>> -> memref<320xi32, #tpu.memory_space<vmem>>
    %dma_start3A_19 = tpu.memref_slice %arg2[%add3A_16] : memref<327680xi32, #tpu.memory_space<hbm>> -> memref<320xi32, #tpu.memory_space<hbm>>
    %dma_start3A_20 = arith.constant 320 : i32
    %dma_start3A_21 = tpu.memref_slice %arg5[%dma_start3A_20] : memref<10240xi32, #tpu.memory_space<vmem>> -> memref<320xi32, #tpu.memory_space<vmem>>
    %dma_start3A_22 = tpu.memref_slice %arg2[%add3A_16] : memref<327680xi32, #tpu.memory_space<hbm>> -> memref<320xi32, #tpu.memory_space<hbm>>
    tpu.enqueue_dma source(%dma_start3A_22 : memref<320xi32, #tpu.memory_space<hbm>>) target(%dma_start3A_21 : memref<320xi32, #tpu.memory_space<vmem>>) target_semaphore(%arg10 : memref<!tpu.dma_semaphore, #tpu.memory_space<semaphore_mem>>)
    %mul3A_23 = arith.constant 320 : i32
    %mul3A_24 = arith.muli %add3A, %mul3A_23 : i32
    %add3A_25 = arith.constant 20480 : i32
    %add3A_26 = arith.addi %add3A_25, %mul3A_24 : i32
    %dma_start3A_27 = arith.constant 640 : i32
    %dma_start3A_28 = tpu.memref_slice %arg5[%dma_start3A_27] : memref<10240xi32, #tpu.memory_space<vmem>> -> memref<320xi32, #tpu.memory_space<vmem>>
    %dma_start3A_29 = tpu.memref_slice %arg2[%add3A_26] : memref<327680xi32, #tpu.memory_space<hbm>> -> memref<320xi32, #tpu.memory_space<hbm>>
    %dma_start3A_30 = arith.constant 640 : i32
    %dma_start3A_31 = tpu.memref_slice %arg5[%dma_start3A_30] : memref<10240xi32, #tpu.memory_space<vmem>> -> memref<320xi32, #tpu.memory_space<vmem>>
    %dma_start3A_32 = tpu.memref_slice %arg2[%add3A_26] : memref<327680xi32, #tpu.memory_space<hbm>> -> memref<320xi32, #tpu.memory_space<hbm>>
    tpu.enqueue_dma source(%dma_start3A_32 : memref<320xi32, #tpu.memory_space<hbm>>) target(%dma_start3A_31 : memref<320xi32, #tpu.memory_space<vmem>>) target_semaphore(%arg10 : memref<!tpu.dma_semaphore, #tpu.memory_space<semaphore_mem>>)
    %mul3A_33 = arith.constant 320 : i32
    %mul3A_34 = arith.muli %add3A, %mul3A_33 : i32
    %add3A_35 = arith.constant 30720 : i32
    %add3A_36 = arith.addi %add3A_35, %mul3A_34 : i32
    %dma_start3A_37 = arith.constant 960 : i32
    %dma_start3A_38 = tpu.memref_slice %arg5[%dma_start3A_37] : memref<10240xi32, #tpu.memory_space<vmem>> -> memref<320xi32, #tpu.memory_space<vmem>>
    %dma_start3A_39 = tpu.memref_slice %arg2[%add3A_36] : memref<327680xi32, #tpu.memory_space<hbm>> -> memref<320xi32, #tpu.memory_space<hbm>>
    %dma_start3A_40 = arith.constant 960 : i32
    %dma_start3A_41 = tpu.memref_slice %arg5[%dma_start3A_40] : memref<10240xi32, #tpu.memory_space<vmem>> -> memref<320xi32, #tpu.memory_space<vmem>>
    %dma_start3A_42 = tpu.memref_slice %arg2[%add3A_36] : memref<327680xi32, #tpu.memory_space<hbm>> -> memref<320xi32, #tpu.memory_space<hbm>>
    tpu.enqueue_dma source(%dma_start3A_42 : memref<320xi32, #tpu.memory_space<hbm>>) target(%dma_start3A_41 : memref<320xi32, #tpu.memory_space<vmem>>) target_semaphore(%arg10 : memref<!tpu.dma_semaphore, #tpu.memory_space<semaphore_mem>>)
    %mul3A_43 = arith.constant 320 : i32
    %mul3A_44 = arith.muli %add3A, %mul3A_43 : i32
    %add3A_45 = arith.constant 40960 : i32
    %add3A_46 = arith.addi %add3A_45, %mul3A_44 : i32
    %dma_start3A_47 = arith.constant 1280 : i32
    %dma_start3A_48 = tpu.memref_slice %arg5[%dma_start3A_47] : memref<10240xi32, #tpu.memory_space<vmem>> -> memref<320xi32, #tpu.memory_space<vmem>>
    %dma_start3A_49 = tpu.memref_slice %arg2[%add3A_46] : memref<327680xi32, #tpu.memory_space<hbm>> -> memref<320xi32, #tpu.memory_space<hbm>>
    %dma_start3A_50 = arith.constant 1280 : i32
    %dma_start3A_51 = tpu.memref_slice %arg5[%dma_start3A_50] : memref<10240xi32, #tpu.memory_space<vmem>> -> memref<320xi32, #tpu.memory_space<vmem>>
    %dma_start3A_52 = tpu.memref_slice %arg2[%add3A_46] : memref<327680xi32, #tpu.memory_space<hbm>> -> memref<320xi32, #tpu.memory_space<hbm>>
    tpu.enqueue_dma source(%dma_start3A_52 : memref<320xi32, #tpu.memory_space<hbm>>) target(%dma_start3A_51 : memref<320xi32, #tpu.memory_space<vmem>>) target_semaphore(%arg10 : memref<!tpu.dma_semaphore, #tpu.memory_space<semaphore_mem>>)
    %mul3A_53 = arith.constant 320 : i32
    %mul3A_54 = arith.muli %add3A, %mul3A_53 : i32
    %add3A_55 = arith.constant 51200 : i32
    %add3A_56 = arith.addi %add3A_55, %mul3A_54 : i32
    %dma_start3A_57 = arith.constant 1600 : i32
    %dma_start3A_58 = tpu.memref_slice %arg5[%dma_start3A_57] : memref<10240xi32, #tpu.memory_space<vmem>> -> memref<320xi32, #tpu.memory_space<vmem>>
    %dma_start3A_59 = tpu.memref_slice %arg2[%add3A_56] : memref<327680xi32, #tpu.memory_space<hbm>> -> memref<320xi32, #tpu.memory_space<hbm>>
    %dma_start3A_60 = arith.constant 1600 : i32
    %dma_start3A_61 = tpu.memref_slice %arg5[%dma_start3A_60] : memref<10240xi32, #tpu.memory_space<vmem>> -> memref<320xi32, #tpu.memory_space<vmem>>
    %dma_start3A_62 = tpu.memref_slice %arg2[%add3A_56] : memref<327680xi32, #tpu.memory_space<hbm>> -> memref<320xi32, #tpu.memory_space<hbm>>
    tpu.enqueue_dma source(%dma_start3A_62 : memref<320xi32, #tpu.memory_space<hbm>>) target(%dma_start3A_61 : memref<320xi32, #tpu.memory_space<vmem>>) target_semaphore(%arg10 : memref<!tpu.dma_semaphore, #tpu.memory_space<semaphore_mem>>)
    %mul3A_63 = arith.constant 320 : i32
    %mul3A_64 = arith.muli %add3A, %mul3A_63 : i32
    %add3A_65 = arith.constant 61440 : i32
    %add3A_66 = arith.addi %add3A_65, %mul3A_64 : i32
    %dma_start3A_67 = arith.constant 1920 : i32
    %dma_start3A_68 = tpu.memref_slice %arg5[%dma_start3A_67] : memref<10240xi32, #tpu.memory_space<vmem>> -> memref<320xi32, #tpu.memory_space<vmem>>
    %dma_start3A_69 = tpu.memref_slice %arg2[%add3A_66] : memref<327680xi32, #tpu.memory_space<hbm>> -> memref<320xi32, #tpu.memory_space<hbm>>
    %dma_start3A_70 = arith.constant 1920 : i32
    %dma_start3A_71 = tpu.memref_slice %arg5[%dma_start3A_70] : memref<10240xi32, #tpu.memory_space<vmem>> -> memref<320xi32, #tpu.memory_space<vmem>>
    %dma_start3A_72 = tpu.memref_slice %arg2[%add3A_66] : memref<327680xi32, #tpu.memory_space<hbm>> -> memref<320xi32, #tpu.memory_space<hbm>>
    tpu.enqueue_dma source(%dma_start3A_72 : memref<320xi32, #tpu.memory_space<hbm>>) target(%dma_start3A_71 : memref<320xi32, #tpu.memory_space<vmem>>) target_semaphore(%arg10 : memref<!tpu.dma_semaphore, #tpu.memory_space<semaphore_mem>>)
    %mul3A_73 = arith.constant 320 : i32
    %mul3A_74 = arith.muli %add3A, %mul3A_73 : i32
    %add3A_75 = arith.constant 71680 : i32
    %add3A_76 = arith.addi %add3A_75, %mul3A_74 : i32
    %dma_start3A_77 = arith.constant 2240 : i32
    %dma_start3A_78 = tpu.memref_slice %arg5[%dma_start3A_77] : memref<10240xi32, #tpu.memory_space<vmem>> -> memref<320xi32, #tpu.memory_space<vmem>>
    %dma_start3A_79 = tpu.memref_slice %arg2[%add3A_76] : memref<327680xi32, #tpu.memory_space<hbm>> -> memref<320xi32, #tpu.memory_space<hbm>>
    %dma_start3A_80 = arith.constant 2240 : i32
    %dma_start3A_81 = tpu.memref_slice %arg5[%dma_start3A_80] : memref<10240xi32, #tpu.memory_space<vmem>> -> memref<320xi32, #tpu.memory_space<vmem>>
    %dma_start3A_82 = tpu.memref_slice %arg2[%add3A_76] : memref<327680xi32, #tpu.memory_space<hbm>> -> memref<320xi32, #tpu.memory_space<hbm>>
    tpu.enqueue_dma source(%dma_start3A_82 : memref<320xi32, #tpu.memory_space<hbm>>) target(%dma_start3A_81 : memref<320xi32, #tpu.memory_space<vmem>>) target_semaphore(%arg10 : memref<!tpu.dma_semaphore, #tpu.memory_space<semaphore_mem>>)
    %mul3A_83 = arith.constant 320 : i32
    %mul3A_84 = arith.muli %add3A, %mul3A_83 : i32
    %add3A_85 = arith.constant 81920 : i32
    %add3A_86 = arith.addi %add3A_85, %mul3A_84 : i32
    %dma_start3A_87 = arith.constant 2560 : i32
    %dma_start3A_88 = tpu.memref_slice %arg5[%dma_start3A_87] : memref<10240xi32, #tpu.memory_space<vmem>> -> memref<320xi32, #tpu.memory_space<vmem>>
    %dma_start3A_89 = tpu.memref_slice %arg2[%add3A_86] : memref<327680xi32, #tpu.memory_space<hbm>> -> memref<320xi32, #tpu.memory_space<hbm>>
    %dma_start3A_90 = arith.constant 2560 : i32
    %dma_start3A_91 = tpu.memref_slice %arg5[%dma_start3A_90] : memref<10240xi32, #tpu.memory_space<vmem>> -> memref<320xi32, #tpu.memory_space<vmem>>
    %dma_start3A_92 = tpu.memref_slice %arg2[%add3A_86] : memref<327680xi32, #tpu.memory_space<hbm>> -> memref<320xi32, #tpu.memory_space<hbm>>
    tpu.enqueue_dma source(%dma_start3A_92 : memref<320xi32, #tpu.memory_space<hbm>>) target(%dma_start3A_91 : memref<320xi32, #tpu.memory_space<vmem>>) target_semaphore(%arg10 : memref<!tpu.dma_semaphore, #tpu.memory_space<semaphore_mem>>)
    %mul3A_93 = arith.constant 320 : i32
    %mul3A_94 = arith.muli %add3A, %mul3A_93 : i32
    %add3A_95 = arith.constant 92160 : i32
    %add3A_96 = arith.addi %add3A_95, %mul3A_94 : i32
    %dma_start3A_97 = arith.constant 2880 : i32
    %dma_start3A_98 = tpu.memref_slice %arg5[%dma_start3A_97] : memref<10240xi32, #tpu.memory_space<vmem>> -> memref<320xi32, #tpu.memory_space<vmem>>
    %dma_start3A_99 = tpu.memref_slice %arg2[%add3A_96] : memref<327680xi32, #tpu.memory_space<hbm>> -> memref<320xi32, #tpu.memory_space<hbm>>
    %dma_start3A_100 = arith.constant 2880 : i32
    %dma_start3A_101 = tpu.memref_slice %arg5[%dma_start3A_100] : memref<10240xi32, #tpu.memory_space<vmem>> -> memref<320xi32, #tpu.memory_space<vmem>>
    %dma_start3A_102 = tpu.memref_slice %arg2[%add3A_96] : memref<327680xi32, #tpu.memory_space<hbm>> -> memref<320xi32, #tpu.memory_space<hbm>>
    tpu.enqueue_dma source(%dma_start3A_102 : memref<320xi32, #tpu.memory_space<hbm>>) target(%dma_start3A_101 : memref<320xi32, #tpu.memory_space<vmem>>) target_semaphore(%arg10 : memref<!tpu.dma_semaphore, #tpu.memory_space<semaphore_mem>>)
    %mul3A_103 = arith.constant 320 : i32
    %mul3A_104 = arith.muli %add3A, %mul3A_103 : i32
    %add3A_105 = arith.constant 102400 : i32
    %add3A_106 = arith.addi %add3A_105, %mul3A_104 : i32
    %dma_start3A_107 = arith.constant 3200 : i32
    %dma_start3A_108 = tpu.memref_slice %arg5[%dma_start3A_107] : memref<10240xi32, #tpu.memory_space<vmem>> -> memref<320xi32, #tpu.memory_space<vmem>>
    %dma_start3A_109 = tpu.memref_slice %arg2[%add3A_106] : memref<327680xi32, #tpu.memory_space<hbm>> -> memref<320xi32, #tpu.memory_space<hbm>>
    %dma_start3A_110 = arith.constant 3200 : i32
    %dma_start3A_111 = tpu.memref_slice %arg5[%dma_start3A_110] : memref<10240xi32, #tpu.memory_space<vmem>> -> memref<320xi32, #tpu.memory_space<vmem>>
    %dma_start3A_112 = tpu.memref_slice %arg2[%add3A_106] : memref<327680xi32, #tpu.memory_space<hbm>> -> memref<320xi32, #tpu.memory_space<hbm>>
    tpu.enqueue_dma source(%dma_start3A_112 : memref<320xi32, #tpu.memory_space<hbm>>) target(%dma_start3A_111 : memref<320xi32, #tpu.memory_space<vmem>>) target_semaphore(%arg10 : memref<!tpu.dma_semaphore, #tpu.memory_space<semaphore_mem>>)
    %mul3A_113 = arith.constant 320 : i32
    %mul3A_114 = arith.muli %add3A, %mul3A_113 : i32
    %add3A_115 = arith.constant 112640 : i32
    %add3A_116 = arith.addi %add3A_115, %mul3A_114 : i32
    %dma_start3A_117 = arith.constant 3520 : i32
    %dma_start3A_118 = tpu.memref_slice %arg5[%dma_start3A_117] : memref<10240xi32, #tpu.memory_space<vmem>> -> memref<320xi32, #tpu.memory_space<vmem>>
    %dma_start3A_119 = tpu.memref_slice %arg2[%add3A_116] : memref<327680xi32, #tpu.memory_space<hbm>> -> memref<320xi32, #tpu.memory_space<hbm>>
    %dma_start3A_120 = arith.constant 3520 : i32
    %dma_start3A_121 = tpu.memref_slice %arg5[%dma_start3A_120] : memref<10240xi32, #tpu.memory_space<vmem>> -> memref<320xi32, #tpu.memory_space<vmem>>
    %dma_start3A_122 = tpu.memref_slice %arg2[%add3A_116] : memref<327680xi32, #tpu.memory_space<hbm>> -> memref<320xi32, #tpu.memory_space<hbm>>
    tpu.enqueue_dma source(%dma_start3A_122 : memref<320xi32, #tpu.memory_space<hbm>>) target(%dma_start3A_121 : memref<320xi32, #tpu.memory_space<vmem>>) target_semaphore(%arg10 : memref<!tpu.dma_semaphore, #tpu.memory_space<semaphore_mem>>)
    %mul3A_123 = arith.constant 320 : i32
    %mul3A_124 = arith.muli %add3A, %mul3A_123 : i32
    %add3A_125 = arith.constant 122880 : i32
    %add3A_126 = arith.addi %add3A_125, %mul3A_124 : i32
    %dma_start3A_127 = arith.constant 3840 : i32
    %dma_start3A_128 = tpu.memref_slice %arg5[%dma_start3A_127] : memref<10240xi32, #tpu.memory_space<vmem>> -> memref<320xi32, #tpu.memory_space<vmem>>
    %dma_start3A_129 = tpu.memref_slice %arg2[%add3A_126] : memref<327680xi32, #tpu.memory_space<hbm>> -> memref<320xi32, #tpu.memory_space<hbm>>
    %dma_start3A_130 = arith.constant 3840 : i32
    %dma_start3A_131 = tpu.memref_slice %arg5[%dma_start3A_130] : memref<10240xi32, #tpu.memory_space<vmem>> -> memref<320xi32, #tpu.memory_space<vmem>>
    %dma_start3A_132 = tpu.memref_slice %arg2[%add3A_126] : memref<327680xi32, #tpu.memory_space<hbm>> -> memref<320xi32, #tpu.memory_space<hbm>>
    tpu.enqueue_dma source(%dma_start3A_132 : memref<320xi32, #tpu.memory_space<hbm>>) target(%dma_start3A_131 : memref<320xi32, #tpu.memory_space<vmem>>) target_semaphore(%arg10 : memref<!tpu.dma_semaphore, #tpu.memory_space<semaphore_mem>>)
    %mul3A_133 = arith.constant 320 : i32
    %mul3A_134 = arith.muli %add3A, %mul3A_133 : i32
    %add3A_135 = arith.constant 133120 : i32
    %add3A_136 = arith.addi %add3A_135, %mul3A_134 : i32
    %dma_start3A_137 = arith.constant 4160 : i32
    %dma_start3A_138 = tpu.memref_slice %arg5[%dma_start3A_137] : memref<10240xi32, #tpu.memory_space<vmem>> -> memref<320xi32, #tpu.memory_space<vmem>>
    %dma_start3A_139 = tpu.memref_slice %arg2[%add3A_136] : memref<327680xi32, #tpu.memory_space<hbm>> -> memref<320xi32, #tpu.memory_space<hbm>>
    %dma_start3A_140 = arith.constant 4160 : i32
    %dma_start3A_141 = tpu.memref_slice %arg5[%dma_start3A_140] : memref<10240xi32, #tpu.memory_space<vmem>> -> memref<320xi32, #tpu.memory_space<vmem>>
    %dma_start3A_142 = tpu.memref_slice %arg2[%add3A_136] : memref<327680xi32, #tpu.memory_space<hbm>> -> memref<320xi32, #tpu.memory_space<hbm>>
    tpu.enqueue_dma source(%dma_start3A_142 : memref<320xi32, #tpu.memory_space<hbm>>) target(%dma_start3A_141 : memref<320xi32, #tpu.memory_space<vmem>>) target_semaphore(%arg10 : memref<!tpu.dma_semaphore, #tpu.memory_space<semaphore_mem>>)
    %mul3A_143 = arith.constant 320 : i32
    %mul3A_144 = arith.muli %add3A, %mul3A_143 : i32
    %add3A_145 = arith.constant 143360 : i32
    %add3A_146 = arith.addi %add3A_145, %mul3A_144 : i32
    %dma_start3A_147 = arith.constant 4480 : i32
    %dma_start3A_148 = tpu.memref_slice %arg5[%dma_start3A_147] : memref<10240xi32, #tpu.memory_space<vmem>> -> memref<320xi32, #tpu.memory_space<vmem>>
    %dma_start3A_149 = tpu.memref_slice %arg2[%add3A_146] : memref<327680xi32, #tpu.memory_space<hbm>> -> memref<320xi32, #tpu.memory_space<hbm>>
    %dma_start3A_150 = arith.constant 4480 : i32
    %dma_start3A_151 = tpu.memref_slice %arg5[%dma_start3A_150] : memref<10240xi32, #tpu.memory_space<vmem>> -> memref<320xi32, #tpu.memory_space<vmem>>
    %dma_start3A_152 = tpu.memref_slice %arg2[%add3A_146] : memref<327680xi32, #tpu.memory_space<hbm>> -> memref<320xi32, #tpu.memory_space<hbm>>
    tpu.enqueue_dma source(%dma_start3A_152 : memref<320xi32, #tpu.memory_space<hbm>>) target(%dma_start3A_151 : memref<320xi32, #tpu.memory_space<vmem>>) target_semaphore(%arg10 : memref<!tpu.dma_semaphore, #tpu.memory_space<semaphore_mem>>)
    %mul3A_153 = arith.constant 320 : i32
    %mul3A_154 = arith.muli %add3A, %mul3A_153 : i32
    %add3A_155 = arith.constant 153600 : i32
    %add3A_156 = arith.addi %add3A_155, %mul3A_154 : i32
    %dma_start3A_157 = arith.constant 4800 : i32
    %dma_start3A_158 = tpu.memref_slice %arg5[%dma_start3A_157] : memref<10240xi32, #tpu.memory_space<vmem>> -> memref<320xi32, #tpu.memory_space<vmem>>
    %dma_start3A_159 = tpu.memref_slice %arg2[%add3A_156] : memref<327680xi32, #tpu.memory_space<hbm>> -> memref<320xi32, #tpu.memory_space<hbm>>
    %dma_start3A_160 = arith.constant 4800 : i32
    %dma_start3A_161 = tpu.memref_slice %arg5[%dma_start3A_160] : memref<10240xi32, #tpu.memory_space<vmem>> -> memref<320xi32, #tpu.memory_space<vmem>>
    %dma_start3A_162 = tpu.memref_slice %arg2[%add3A_156] : memref<327680xi32, #tpu.memory_space<hbm>> -> memref<320xi32, #tpu.memory_space<hbm>>
    tpu.enqueue_dma source(%dma_start3A_162 : memref<320xi32, #tpu.memory_space<hbm>>) target(%dma_start3A_161 : memref<320xi32, #tpu.memory_space<vmem>>) target_semaphore(%arg10 : memref<!tpu.dma_semaphore, #tpu.memory_space<semaphore_mem>>)
    %mul3A_163 = arith.constant 320 : i32
    %mul3A_164 = arith.muli %add3A, %mul3A_163 : i32
    %add3A_165 = arith.constant 163840 : i32
    %add3A_166 = arith.addi %add3A_165, %mul3A_164 : i32
    %dma_start3A_167 = arith.constant 5120 : i32
    %dma_start3A_168 = tpu.memref_slice %arg5[%dma_start3A_167] : memref<10240xi32, #tpu.memory_space<vmem>> -> memref<320xi32, #tpu.memory_space<vmem>>
    %dma_start3A_169 = tpu.memref_slice %arg2[%add3A_166] : memref<327680xi32, #tpu.memory_space<hbm>> -> memref<320xi32, #tpu.memory_space<hbm>>
    %dma_start3A_170 = arith.constant 5120 : i32
    %dma_start3A_171 = tpu.memref_slice %arg5[%dma_start3A_170] : memref<10240xi32, #tpu.memory_space<vmem>> -> memref<320xi32, #tpu.memory_space<vmem>>
    %dma_start3A_172 = tpu.memref_slice %arg2[%add3A_166] : memref<327680xi32, #tpu.memory_space<hbm>> -> memref<320xi32, #tpu.memory_space<hbm>>
    tpu.enqueue_dma source(%dma_start3A_172 : memref<320xi32, #tpu.memory_space<hbm>>) target(%dma_start3A_171 : memref<320xi32, #tpu.memory_space<vmem>>) target_semaphore(%arg10 : memref<!tpu.dma_semaphore, #tpu.memory_space<semaphore_mem>>)
    %mul3A_173 = arith.constant 320 : i32
    %mul3A_174 = arith.muli %add3A, %mul3A_173 : i32
    %add3A_175 = arith.constant 174080 : i32
    %add3A_176 = arith.addi %add3A_175, %mul3A_174 : i32
    %dma_start3A_177 = arith.constant 5440 : i32
    %dma_start3A_178 = tpu.memref_slice %arg5[%dma_start3A_177] : memref<10240xi32, #tpu.memory_space<vmem>> -> memref<320xi32, #tpu.memory_space<vmem>>
    %dma_start3A_179 = tpu.memref_slice %arg2[%add3A_176] : memref<327680xi32, #tpu.memory_space<hbm>> -> memref<320xi32, #tpu.memory_space<hbm>>
    %dma_start3A_180 = arith.constant 5440 : i32
    %dma_start3A_181 = tpu.memref_slice %arg5[%dma_start3A_180] : memref<10240xi32, #tpu.memory_space<vmem>> -> memref<320xi32, #tpu.memory_space<vmem>>
    %dma_start3A_182 = tpu.memref_slice %arg2[%add3A_176] : memref<327680xi32, #tpu.memory_space<hbm>> -> memref<320xi32, #tpu.memory_space<hbm>>
    tpu.enqueue_dma source(%dma_start3A_182 : memref<320xi32, #tpu.memory_space<hbm>>) target(%dma_start3A_181 : memref<320xi32, #tpu.memory_space<vmem>>) target_semaphore(%arg10 : memref<!tpu.dma_semaphore, #tpu.memory_space<semaphore_mem>>)
    %mul3A_183 = arith.constant 320 : i32
    %mul3A_184 = arith.muli %add3A, %mul3A_183 : i32
    %add3A_185 = arith.constant 184320 : i32
    %add3A_186 = arith.addi %add3A_185, %mul3A_184 : i32
    %dma_start3A_187 = arith.constant 5760 : i32
    %dma_start3A_188 = tpu.memref_slice %arg5[%dma_start3A_187] : memref<10240xi32, #tpu.memory_space<vmem>> -> memref<320xi32, #tpu.memory_space<vmem>>
    %dma_start3A_189 = tpu.memref_slice %arg2[%add3A_186] : memref<327680xi32, #tpu.memory_space<hbm>> -> memref<320xi32, #tpu.memory_space<hbm>>
    %dma_start3A_190 = arith.constant 5760 : i32
    %dma_start3A_191 = tpu.memref_slice %arg5[%dma_start3A_190] : memref<10240xi32, #tpu.memory_space<vmem>> -> memref<320xi32, #tpu.memory_space<vmem>>
    %dma_start3A_192 = tpu.memref_slice %arg2[%add3A_186] : memref<327680xi32, #tpu.memory_space<hbm>> -> memref<320xi32, #tpu.memory_space<hbm>>
    tpu.enqueue_dma source(%dma_start3A_192 : memref<320xi32, #tpu.memory_space<hbm>>) target(%dma_start3A_191 : memref<320xi32, #tpu.memory_space<vmem>>) target_semaphore(%arg10 : memref<!tpu.dma_semaphore, #tpu.memory_space<semaphore_mem>>)
    %mul3A_193 = arith.constant 320 : i32
    %mul3A_194 = arith.muli %add3A, %mul3A_193 : i32
    %add3A_195 = arith.constant 194560 : i32
    %add3A_196 = arith.addi %add3A_195, %mul3A_194 : i32
    %dma_start3A_197 = arith.constant 6080 : i32
    %dma_start3A_198 = tpu.memref_slice %arg5[%dma_start3A_197] : memref<10240xi32, #tpu.memory_space<vmem>> -> memref<320xi32, #tpu.memory_space<vmem>>
    %dma_start3A_199 = tpu.memref_slice %arg2[%add3A_196] : memref<327680xi32, #tpu.memory_space<hbm>> -> memref<320xi32, #tpu.memory_space<hbm>>
    %dma_start3A_200 = arith.constant 6080 : i32
    %dma_start3A_201 = tpu.memref_slice %arg5[%dma_start3A_200] : memref<10240xi32, #tpu.memory_space<vmem>> -> memref<320xi32, #tpu.memory_space<vmem>>
    %dma_start3A_202 = tpu.memref_slice %arg2[%add3A_196] : memref<327680xi32, #tpu.memory_space<hbm>> -> memref<320xi32, #tpu.memory_space<hbm>>
    tpu.enqueue_dma source(%dma_start3A_202 : memref<320xi32, #tpu.memory_space<hbm>>) target(%dma_start3A_201 : memref<320xi32, #tpu.memory_space<vmem>>) target_semaphore(%arg10 : memref<!tpu.dma_semaphore, #tpu.memory_space<semaphore_mem>>)
    %mul3A_203 = arith.constant 320 : i32
    %mul3A_204 = arith.muli %add3A, %mul3A_203 : i32
    %add3A_205 = arith.constant 204800 : i32
    %add3A_206 = arith.addi %add3A_205, %mul3A_204 : i32
    %dma_start3A_207 = arith.constant 6400 : i32
    %dma_start3A_208 = tpu.memref_slice %arg5[%dma_start3A_207] : memref<10240xi32, #tpu.memory_space<vmem>> -> memref<320xi32, #tpu.memory_space<vmem>>
    %dma_start3A_209 = tpu.memref_slice %arg2[%add3A_206] : memref<327680xi32, #tpu.memory_space<hbm>> -> memref<320xi32, #tpu.memory_space<hbm>>
    %dma_start3A_210 = arith.constant 6400 : i32
    %dma_start3A_211 = tpu.memref_slice %arg5[%dma_start3A_210] : memref<10240xi32, #tpu.memory_space<vmem>> -> memref<320xi32, #tpu.memory_space<vmem>>
    %dma_start3A_212 = tpu.memref_slice %arg2[%add3A_206] : memref<327680xi32, #tpu.memory_space<hbm>> -> memref<320xi32, #tpu.memory_space<hbm>>
    tpu.enqueue_dma source(%dma_start3A_212 : memref<320xi32, #tpu.memory_space<hbm>>) target(%dma_start3A_211 : memref<320xi32, #tpu.memory_space<vmem>>) target_semaphore(%arg10 : memref<!tpu.dma_semaphore, #tpu.memory_space<semaphore_mem>>)
    %mul3A_213 = arith.constant 320 : i32
    %mul3A_214 = arith.muli %add3A, %mul3A_213 : i32
    %add3A_215 = arith.constant 215040 : i32
    %add3A_216 = arith.addi %add3A_215, %mul3A_214 : i32
    %dma_start3A_217 = arith.constant 6720 : i32
    %dma_start3A_218 = tpu.memref_slice %arg5[%dma_start3A_217] : memref<10240xi32, #tpu.memory_space<vmem>> -> memref<320xi32, #tpu.memory_space<vmem>>
    %dma_start3A_219 = tpu.memref_slice %arg2[%add3A_216] : memref<327680xi32, #tpu.memory_space<hbm>> -> memref<320xi32, #tpu.memory_space<hbm>>
    %dma_start3A_220 = arith.constant 6720 : i32
    %dma_start3A_221 = tpu.memref_slice %arg5[%dma_start3A_220] : memref<10240xi32, #tpu.memory_space<vmem>> -> memref<320xi32, #tpu.memory_space<vmem>>
    %dma_start3A_222 = tpu.memref_slice %arg2[%add3A_216] : memref<327680xi32, #tpu.memory_space<hbm>> -> memref<320xi32, #tpu.memory_space<hbm>>
    tpu.enqueue_dma source(%dma_start3A_222 : memref<320xi32, #tpu.memory_space<hbm>>) target(%dma_start3A_221 : memref<320xi32, #tpu.memory_space<vmem>>) target_semaphore(%arg10 : memref<!tpu.dma_semaphore, #tpu.memory_space<semaphore_mem>>)
    %mul3A_223 = arith.constant 320 : i32
    %mul3A_224 = arith.muli %add3A, %mul3A_223 : i32
    %add3A_225 = arith.constant 225280 : i32
    %add3A_226 = arith.addi %add3A_225, %mul3A_224 : i32
    %dma_start3A_227 = arith.constant 7040 : i32
    %dma_start3A_228 = tpu.memref_slice %arg5[%dma_start3A_227] : memref<10240xi32, #tpu.memory_space<vmem>> -> memref<320xi32, #tpu.memory_space<vmem>>
    %dma_start3A_229 = tpu.memref_slice %arg2[%add3A_226] : memref<327680xi32, #tpu.memory_space<hbm>> -> memref<320xi32, #tpu.memory_space<hbm>>
    %dma_start3A_230 = arith.constant 7040 : i32
    %dma_start3A_231 = tpu.memref_slice %arg5[%dma_start3A_230] : memref<10240xi32, #tpu.memory_space<vmem>> -> memref<320xi32, #tpu.memory_space<vmem>>
    %dma_start3A_232 = tpu.memref_slice %arg2[%add3A_226] : memref<327680xi32, #tpu.memory_space<hbm>> -> memref<320xi32, #tpu.memory_space<hbm>>
    tpu.enqueue_dma source(%dma_start3A_232 : memref<320xi32, #tpu.memory_space<hbm>>) target(%dma_start3A_231 : memref<320xi32, #tpu.memory_space<vmem>>) target_semaphore(%arg10 : memref<!tpu.dma_semaphore, #tpu.memory_space<semaphore_mem>>)
    %mul3A_233 = arith.constant 320 : i32
    %mul3A_234 = arith.muli %add3A, %mul3A_233 : i32
    %add3A_235 = arith.constant 235520 : i32
    %add3A_236 = arith.addi %add3A_235, %mul3A_234 : i32
    %dma_start3A_237 = arith.constant 7360 : i32
    %dma_start3A_238 = tpu.memref_slice %arg5[%dma_start3A_237] : memref<10240xi32, #tpu.memory_space<vmem>> -> memref<320xi32, #tpu.memory_space<vmem>>
    %dma_start3A_239 = tpu.memref_slice %arg2[%add3A_236] : memref<327680xi32, #tpu.memory_space<hbm>> -> memref<320xi32, #tpu.memory_space<hbm>>
    %dma_start3A_240 = arith.constant 7360 : i32
    %dma_start3A_241 = tpu.memref_slice %arg5[%dma_start3A_240] : memref<10240xi32, #tpu.memory_space<vmem>> -> memref<320xi32, #tpu.memory_space<vmem>>
    %dma_start3A_242 = tpu.memref_slice %arg2[%add3A_236] : memref<327680xi32, #tpu.memory_space<hbm>> -> memref<320xi32, #tpu.memory_space<hbm>>
    tpu.enqueue_dma source(%dma_start3A_242 : memref<320xi32, #tpu.memory_space<hbm>>) target(%dma_start3A_241 : memref<320xi32, #tpu.memory_space<vmem>>) target_semaphore(%arg10 : memref<!tpu.dma_semaphore, #tpu.memory_space<semaphore_mem>>)
    %mul3A_243 = arith.constant 320 : i32
    %mul3A_244 = arith.muli %add3A, %mul3A_243 : i32
    %add3A_245 = arith.constant 245760 : i32
    %add3A_246 = arith.addi %add3A_245, %mul3A_244 : i32
    %dma_start3A_247 = arith.constant 7680 : i32
    %dma_start3A_248 = tpu.memref_slice %arg5[%dma_start3A_247] : memref<10240xi32, #tpu.memory_space<vmem>> -> memref<320xi32, #tpu.memory_space<vmem>>
    %dma_start3A_249 = tpu.memref_slice %arg2[%add3A_246] : memref<327680xi32, #tpu.memory_space<hbm>> -> memref<320xi32, #tpu.memory_space<hbm>>
    %dma_start3A_250 = arith.constant 7680 : i32
    %dma_start3A_251 = tpu.memref_slice %arg5[%dma_start3A_250] : memref<10240xi32, #tpu.memory_space<vmem>> -> memref<320xi32, #tpu.memory_space<vmem>>
    %dma_start3A_252 = tpu.memref_slice %arg2[%add3A_246] : memref<327680xi32, #tpu.memory_space<hbm>> -> memref<320xi32, #tpu.memory_space<hbm>>
    tpu.enqueue_dma source(%dma_start3A_252 : memref<320xi32, #tpu.memory_space<hbm>>) target(%dma_start3A_251 : memref<320xi32, #tpu.memory_space<vmem>>) target_semaphore(%arg10 : memref<!tpu.dma_semaphore, #tpu.memory_space<semaphore_mem>>)
    %mul3A_253 = arith.constant 320 : i32
    %mul3A_254 = arith.muli %add3A, %mul3A_253 : i32
    %add3A_255 = arith.constant 256000 : i32
    %add3A_256 = arith.addi %add3A_255, %mul3A_254 : i32
    %dma_start3A_257 = arith.constant 8000 : i32
    %dma_start3A_258 = tpu.memref_slice %arg5[%dma_start3A_257] : memref<10240xi32, #tpu.memory_space<vmem>> -> memref<320xi32, #tpu.memory_space<vmem>>
    %dma_start3A_259 = tpu.memref_slice %arg2[%add3A_256] : memref<327680xi32, #tpu.memory_space<hbm>> -> memref<320xi32, #tpu.memory_space<hbm>>
    %dma_start3A_260 = arith.constant 8000 : i32
    %dma_start3A_261 = tpu.memref_slice %arg5[%dma_start3A_260] : memref<10240xi32, #tpu.memory_space<vmem>> -> memref<320xi32, #tpu.memory_space<vmem>>
    %dma_start3A_262 = tpu.memref_slice %arg2[%add3A_256] : memref<327680xi32, #tpu.memory_space<hbm>> -> memref<320xi32, #tpu.memory_space<hbm>>
    tpu.enqueue_dma source(%dma_start3A_262 : memref<320xi32, #tpu.memory_space<hbm>>) target(%dma_start3A_261 : memref<320xi32, #tpu.memory_space<vmem>>) target_semaphore(%arg10 : memref<!tpu.dma_semaphore, #tpu.memory_space<semaphore_mem>>)
    %mul3A_263 = arith.constant 320 : i32
    %mul3A_264 = arith.muli %add3A, %mul3A_263 : i32
    %add3A_265 = arith.constant 266240 : i32
    %add3A_266 = arith.addi %add3A_265, %mul3A_264 : i32
    %dma_start3A_267 = arith.constant 8320 : i32
    %dma_start3A_268 = tpu.memref_slice %arg5[%dma_start3A_267] : memref<10240xi32, #tpu.memory_space<vmem>> -> memref<320xi32, #tpu.memory_space<vmem>>
    %dma_start3A_269 = tpu.memref_slice %arg2[%add3A_266] : memref<327680xi32, #tpu.memory_space<hbm>> -> memref<320xi32, #tpu.memory_space<hbm>>
    %dma_start3A_270 = arith.constant 8320 : i32
    %dma_start3A_271 = tpu.memref_slice %arg5[%dma_start3A_270] : memref<10240xi32, #tpu.memory_space<vmem>> -> memref<320xi32, #tpu.memory_space<vmem>>
    %dma_start3A_272 = tpu.memref_slice %arg2[%add3A_266] : memref<327680xi32, #tpu.memory_space<hbm>> -> memref<320xi32, #tpu.memory_space<hbm>>
    tpu.enqueue_dma source(%dma_start3A_272 : memref<320xi32, #tpu.memory_space<hbm>>) target(%dma_start3A_271 : memref<320xi32, #tpu.memory_space<vmem>>) target_semaphore(%arg10 : memref<!tpu.dma_semaphore, #tpu.memory_space<semaphore_mem>>)
    %mul3A_273 = arith.constant 320 : i32
    %mul3A_274 = arith.muli %add3A, %mul3A_273 : i32
    %add3A_275 = arith.constant 276480 : i32
    %add3A_276 = arith.addi %add3A_275, %mul3A_274 : i32
    %dma_start3A_277 = arith.constant 8640 : i32
    %dma_start3A_278 = tpu.memref_slice %arg5[%dma_start3A_277] : memref<10240xi32, #tpu.memory_space<vmem>> -> memref<320xi32, #tpu.memory_space<vmem>>
    %dma_start3A_279 = tpu.memref_slice %arg2[%add3A_276] : memref<327680xi32, #tpu.memory_space<hbm>> -> memref<320xi32, #tpu.memory_space<hbm>>
    %dma_start3A_280 = arith.constant 8640 : i32
    %dma_start3A_281 = tpu.memref_slice %arg5[%dma_start3A_280] : memref<10240xi32, #tpu.memory_space<vmem>> -> memref<320xi32, #tpu.memory_space<vmem>>
    %dma_start3A_282 = tpu.memref_slice %arg2[%add3A_276] : memref<327680xi32, #tpu.memory_space<hbm>> -> memref<320xi32, #tpu.memory_space<hbm>>
    tpu.enqueue_dma source(%dma_start3A_282 : memref<320xi32, #tpu.memory_space<hbm>>) target(%dma_start3A_281 : memref<320xi32, #tpu.memory_space<vmem>>) target_semaphore(%arg10 : memref<!tpu.dma_semaphore, #tpu.memory_space<semaphore_mem>>)
    %mul3A_283 = arith.constant 320 : i32
    %mul3A_284 = arith.muli %add3A, %mul3A_283 : i32
    %add3A_285 = arith.constant 286720 : i32
    %add3A_286 = arith.addi %add3A_285, %mul3A_284 : i32
    %dma_start3A_287 = arith.constant 8960 : i32
    %dma_start3A_288 = tpu.memref_slice %arg5[%dma_start3A_287] : memref<10240xi32, #tpu.memory_space<vmem>> -> memref<320xi32, #tpu.memory_space<vmem>>
    %dma_start3A_289 = tpu.memref_slice %arg2[%add3A_286] : memref<327680xi32, #tpu.memory_space<hbm>> -> memref<320xi32, #tpu.memory_space<hbm>>
    %dma_start3A_290 = arith.constant 8960 : i32
    %dma_start3A_291 = tpu.memref_slice %arg5[%dma_start3A_290] : memref<10240xi32, #tpu.memory_space<vmem>> -> memref<320xi32, #tpu.memory_space<vmem>>
    %dma_start3A_292 = tpu.memref_slice %arg2[%add3A_286] : memref<327680xi32, #tpu.memory_space<hbm>> -> memref<320xi32, #tpu.memory_space<hbm>>
    tpu.enqueue_dma source(%dma_start3A_292 : memref<320xi32, #tpu.memory_space<hbm>>) target(%dma_start3A_291 : memref<320xi32, #tpu.memory_space<vmem>>) target_semaphore(%arg10 : memref<!tpu.dma_semaphore, #tpu.memory_space<semaphore_mem>>)
    %mul3A_293 = arith.constant 320 : i32
    %mul3A_294 = arith.muli %add3A, %mul3A_293 : i32
    %add3A_295 = arith.constant 296960 : i32
    %add3A_296 = arith.addi %add3A_295, %mul3A_294 : i32
    %dma_start3A_297 = arith.constant 9280 : i32
    %dma_start3A_298 = tpu.memref_slice %arg5[%dma_start3A_297] : memref<10240xi32, #tpu.memory_space<vmem>> -> memref<320xi32, #tpu.memory_space<vmem>>
    %dma_start3A_299 = tpu.memref_slice %arg2[%add3A_296] : memref<327680xi32, #tpu.memory_space<hbm>> -> memref<320xi32, #tpu.memory_space<hbm>>
    %dma_start3A_300 = arith.constant 9280 : i32
    %dma_start3A_301 = tpu.memref_slice %arg5[%dma_start3A_300] : memref<10240xi32, #tpu.memory_space<vmem>> -> memref<320xi32, #tpu.memory_space<vmem>>
    %dma_start3A_302 = tpu.memref_slice %arg2[%add3A_296] : memref<327680xi32, #tpu.memory_space<hbm>> -> memref<320xi32, #tpu.memory_space<hbm>>
    tpu.enqueue_dma source(%dma_start3A_302 : memref<320xi32, #tpu.memory_space<hbm>>) target(%dma_start3A_301 : memref<320xi32, #tpu.memory_space<vmem>>) target_semaphore(%arg10 : memref<!tpu.dma_semaphore, #tpu.memory_space<semaphore_mem>>)
    %mul3A_303 = arith.constant 320 : i32
    %mul3A_304 = arith.muli %add3A, %mul3A_303 : i32
    %add3A_305 = arith.constant 307200 : i32
    %add3A_306 = arith.addi %add3A_305, %mul3A_304 : i32
    %dma_start3A_307 = arith.constant 9600 : i32
    %dma_start3A_308 = tpu.memref_slice %arg5[%dma_start3A_307] : memref<10240xi32, #tpu.memory_space<vmem>> -> memref<320xi32, #tpu.memory_space<vmem>>
    %dma_start3A_309 = tpu.memref_slice %arg2[%add3A_306] : memref<327680xi32, #tpu.memory_space<hbm>> -> memref<320xi32, #tpu.memory_space<hbm>>
    %dma_start3A_310 = arith.constant 9600 : i32
    %dma_start3A_311 = tpu.memref_slice %arg5[%dma_start3A_310] : memref<10240xi32, #tpu.memory_space<vmem>> -> memref<320xi32, #tpu.memory_space<vmem>>
    %dma_start3A_312 = tpu.memref_slice %arg2[%add3A_306] : memref<327680xi32, #tpu.memory_space<hbm>> -> memref<320xi32, #tpu.memory_space<hbm>>
    tpu.enqueue_dma source(%dma_start3A_312 : memref<320xi32, #tpu.memory_space<hbm>>) target(%dma_start3A_311 : memref<320xi32, #tpu.memory_space<vmem>>) target_semaphore(%arg10 : memref<!tpu.dma_semaphore, #tpu.memory_space<semaphore_mem>>)
    %mul3A_313 = arith.constant 320 : i32
    %mul3A_314 = arith.muli %add3A, %mul3A_313 : i32
    %add3A_315 = arith.constant 317440 : i32
    %add3A_316 = arith.addi %add3A_315, %mul3A_314 : i32
    %dma_start3A_317 = arith.constant 9920 : i32
    %dma_start3A_318 = tpu.memref_slice %arg5[%dma_start3A_317] : memref<10240xi32, #tpu.memory_space<vmem>> -> memref<320xi32, #tpu.memory_space<vmem>>
    %dma_start3A_319 = tpu.memref_slice %arg2[%add3A_316] : memref<327680xi32, #tpu.memory_space<hbm>> -> memref<320xi32, #tpu.memory_space<hbm>>
    %dma_start3A_320 = arith.constant 9920 : i32
    %dma_start3A_321 = tpu.memref_slice %arg5[%dma_start3A_320] : memref<10240xi32, #tpu.memory_space<vmem>> -> memref<320xi32, #tpu.memory_space<vmem>>
    %dma_start3A_322 = tpu.memref_slice %arg2[%add3A_316] : memref<327680xi32, #tpu.memory_space<hbm>> -> memref<320xi32, #tpu.memory_space<hbm>>
    tpu.enqueue_dma source(%dma_start3A_322 : memref<320xi32, #tpu.memory_space<hbm>>) target(%dma_start3A_321 : memref<320xi32, #tpu.memory_space<vmem>>) target_semaphore(%arg10 : memref<!tpu.dma_semaphore, #tpu.memory_space<semaphore_mem>>)
    %parallel_loop3A = arith.constant 0 : i32
    %parallel_loop3A_323 = arith.constant 64 : i32
    %parallel_loop3A_324 = arith.constant 1 : i32
    %parallel_loop3A_325 = scf.for %parallel_loop3A_546 = %parallel_loop3A to %parallel_loop3A_323 step %parallel_loop3A_324 iter_args(%parallel_loop3A_547 = %broadcast_in_dim3A_3) -> (vector<16xi32>)  : i32 {
      %parallel_loop3A_548 = arith.constant 16 : i32
      %parallel_loop3A_549 = arith.muli %parallel_loop3A_546, %parallel_loop3A_548 : i32
      %parallel_loop3A_550 = arith.index_cast %parallel_loop3A_549 : i32 to index
      %parallel_loop3A_551 = tpu.vector_load %arg6[%parallel_loop3A_550] {strides = array<i32>} : memref<1024xi32, #tpu.memory_space<vmem>>, vector<16xi32>,
      %parallel_loop3A_552 = arith.constant 16 : i32
      %parallel_loop3A_553 = arith.muli %parallel_loop3A_546, %parallel_loop3A_552 : i32
      %parallel_loop3A_554 = vector.broadcast %parallel_loop3A_553 : i32 to vector<16xi32>
      %parallel_loop3A_555 = arith.addi %parallel_loop3A_554, %iota3A : vector<16xi32>
      %parallel_loop3A_556 = arith.constant 31 : i32
      %parallel_loop3A_557 = vector.broadcast %parallel_loop3A_556 : i32 to vector<16xi32>
      %parallel_loop3A_558 = arith.andi %parallel_loop3A_555, %parallel_loop3A_557 : vector<16xi32>
      %parallel_loop3A_559 = vector.broadcast %add3A : i32 to vector<16xi32>
      %parallel_loop3A_560 = arith.cmpi slt, %parallel_loop3A_558, %parallel_loop3A_559 : vector<16xi32>
      %parallel_loop3A_561 = arith.constant 0 : i32
      %parallel_loop3A_562 = vector.broadcast %parallel_loop3A_561 : i32 to vector<16xi32>
      %parallel_loop3A_563 = arith.select %parallel_loop3A_560, %parallel_loop3A_551, %parallel_loop3A_562 : vector<16xi1>, vector<16xi32>
      %parallel_loop3A_564 = arith.addi %parallel_loop3A_547, %parallel_loop3A_563 : vector<16xi32>
      scf.yield %parallel_loop3A_564 : vector<16xi32>
    } {sc.loop_unroll_factor = 8 : i64, sc.parallel_access}
    %reduce_sum3A = arith.constant true
    %reduce_sum3A_326 = vector.broadcast %reduce_sum3A : i1 to vector<16xi1>
    %reduce_sum3A_327 = tpu.scan <sum>, %parallel_loop3A_325 masked %reduce_sum3A_326 : vector<16xi32>, vector<16xi1> -> vector<16xi32>
    %reduce_sum3A_328 = vector.extract %reduce_sum3A_327[15] : i32 from vector<16xi32>
    %parallel_loop3A_329 = arith.constant 0 : i32
    %parallel_loop3A_330 = arith.constant 192 : i32
    %parallel_loop3A_331 = arith.constant 1 : i32
    scf.for %parallel_loop3A_546 = %parallel_loop3A_329 to %parallel_loop3A_330 step %parallel_loop3A_331  : i32 {
      %parallel_loop3A_547 = arith.constant 16 : i32
      %parallel_loop3A_548 = arith.muli %parallel_loop3A_546, %parallel_loop3A_547 : i32
      %parallel_loop3A_549 = arith.index_cast %parallel_loop3A_548 : i32 to index
      %parallel_loop3A_550 = tpu.vector_load %arg7[%parallel_loop3A_549] {strides = array<i32>} : memref<3072xi32, #tpu.memory_space<vmem>>, vector<16xi32>,
      tpu.vector_store %arg7[%parallel_loop3A_549], %broadcast_in_dim3A_3 {strides = array<i32>} : memref<3072xi32, #tpu.memory_space<vmem>>, vector<16xi32>,
    } {sc.loop_unroll_factor = 8 : i64, sc.parallel_access}
    %dma_wait3A = arith.constant 0 : i32
    %dma_wait3A_332 = tpu.memref_slice %arg5[%dma_wait3A] : memref<10240xi32, #tpu.memory_space<vmem>> -> memref<320xi32, #tpu.memory_space<vmem>>
    %dma_wait3A_333 = tpu.memref_slice %arg2[%add3A_7] : memref<327680xi32, #tpu.memory_space<hbm>> -> memref<320xi32, #tpu.memory_space<hbm>>
    %dma_wait3A_334 = arith.constant 0 : i32
    %dma_wait3A_335 = tpu.memref_slice %arg5[%dma_wait3A_334] : memref<10240xi32, #tpu.memory_space<vmem>> -> memref<320xi32, #tpu.memory_space<vmem>>
    %dma_wait3A_336 = tpu.memref_slice %arg2[%add3A_7] : memref<327680xi32, #tpu.memory_space<hbm>> -> memref<320xi32, #tpu.memory_space<hbm>>
    tpu.wait_dma2 semaphore(%arg10 : memref<!tpu.dma_semaphore, #tpu.memory_space<semaphore_mem>>) src(%dma_wait3A_336 : memref<320xi32, #tpu.memory_space<hbm>>) dst(%dma_wait3A_335 : memref<320xi32, #tpu.memory_space<vmem>>)
    %dma_wait3A_337 = arith.constant 320 : i32
    %dma_wait3A_338 = tpu.memref_slice %arg5[%dma_wait3A_337] : memref<10240xi32, #tpu.memory_space<vmem>> -> memref<320xi32, #tpu.memory_space<vmem>>
    %dma_wait3A_339 = tpu.memref_slice %arg2[%add3A_16] : memref<327680xi32, #tpu.memory_space<hbm>> -> memref<320xi32, #tpu.memory_space<hbm>>
    %dma_wait3A_340 = arith.constant 320 : i32
    %dma_wait3A_341 = tpu.memref_slice %arg5[%dma_wait3A_340] : memref<10240xi32, #tpu.memory_space<vmem>> -> memref<320xi32, #tpu.memory_space<vmem>>
    %dma_wait3A_342 = tpu.memref_slice %arg2[%add3A_16] : memref<327680xi32, #tpu.memory_space<hbm>> -> memref<320xi32, #tpu.memory_space<hbm>>
    tpu.wait_dma2 semaphore(%arg10 : memref<!tpu.dma_semaphore, #tpu.memory_space<semaphore_mem>>) src(%dma_wait3A_342 : memref<320xi32, #tpu.memory_space<hbm>>) dst(%dma_wait3A_341 : memref<320xi32, #tpu.memory_space<vmem>>)
    %dma_wait3A_343 = arith.constant 640 : i32
    %dma_wait3A_344 = tpu.memref_slice %arg5[%dma_wait3A_343] : memref<10240xi32, #tpu.memory_space<vmem>> -> memref<320xi32, #tpu.memory_space<vmem>>
    %dma_wait3A_345 = tpu.memref_slice %arg2[%add3A_26] : memref<327680xi32, #tpu.memory_space<hbm>> -> memref<320xi32, #tpu.memory_space<hbm>>
    %dma_wait3A_346 = arith.constant 640 : i32
    %dma_wait3A_347 = tpu.memref_slice %arg5[%dma_wait3A_346] : memref<10240xi32, #tpu.memory_space<vmem>> -> memref<320xi32, #tpu.memory_space<vmem>>
    %dma_wait3A_348 = tpu.memref_slice %arg2[%add3A_26] : memref<327680xi32, #tpu.memory_space<hbm>> -> memref<320xi32, #tpu.memory_space<hbm>>
    tpu.wait_dma2 semaphore(%arg10 : memref<!tpu.dma_semaphore, #tpu.memory_space<semaphore_mem>>) src(%dma_wait3A_348 : memref<320xi32, #tpu.memory_space<hbm>>) dst(%dma_wait3A_347 : memref<320xi32, #tpu.memory_space<vmem>>)
    %dma_wait3A_349 = arith.constant 960 : i32
    %dma_wait3A_350 = tpu.memref_slice %arg5[%dma_wait3A_349] : memref<10240xi32, #tpu.memory_space<vmem>> -> memref<320xi32, #tpu.memory_space<vmem>>
    %dma_wait3A_351 = tpu.memref_slice %arg2[%add3A_36] : memref<327680xi32, #tpu.memory_space<hbm>> -> memref<320xi32, #tpu.memory_space<hbm>>
    %dma_wait3A_352 = arith.constant 960 : i32
    %dma_wait3A_353 = tpu.memref_slice %arg5[%dma_wait3A_352] : memref<10240xi32, #tpu.memory_space<vmem>> -> memref<320xi32, #tpu.memory_space<vmem>>
    %dma_wait3A_354 = tpu.memref_slice %arg2[%add3A_36] : memref<327680xi32, #tpu.memory_space<hbm>> -> memref<320xi32, #tpu.memory_space<hbm>>
    tpu.wait_dma2 semaphore(%arg10 : memref<!tpu.dma_semaphore, #tpu.memory_space<semaphore_mem>>) src(%dma_wait3A_354 : memref<320xi32, #tpu.memory_space<hbm>>) dst(%dma_wait3A_353 : memref<320xi32, #tpu.memory_space<vmem>>)
    %dma_wait3A_355 = arith.constant 1280 : i32
    %dma_wait3A_356 = tpu.memref_slice %arg5[%dma_wait3A_355] : memref<10240xi32, #tpu.memory_space<vmem>> -> memref<320xi32, #tpu.memory_space<vmem>>
    %dma_wait3A_357 = tpu.memref_slice %arg2[%add3A_46] : memref<327680xi32, #tpu.memory_space<hbm>> -> memref<320xi32, #tpu.memory_space<hbm>>
    %dma_wait3A_358 = arith.constant 1280 : i32
    %dma_wait3A_359 = tpu.memref_slice %arg5[%dma_wait3A_358] : memref<10240xi32, #tpu.memory_space<vmem>> -> memref<320xi32, #tpu.memory_space<vmem>>
    %dma_wait3A_360 = tpu.memref_slice %arg2[%add3A_46] : memref<327680xi32, #tpu.memory_space<hbm>> -> memref<320xi32, #tpu.memory_space<hbm>>
    tpu.wait_dma2 semaphore(%arg10 : memref<!tpu.dma_semaphore, #tpu.memory_space<semaphore_mem>>) src(%dma_wait3A_360 : memref<320xi32, #tpu.memory_space<hbm>>) dst(%dma_wait3A_359 : memref<320xi32, #tpu.memory_space<vmem>>)
    %dma_wait3A_361 = arith.constant 1600 : i32
    %dma_wait3A_362 = tpu.memref_slice %arg5[%dma_wait3A_361] : memref<10240xi32, #tpu.memory_space<vmem>> -> memref<320xi32, #tpu.memory_space<vmem>>
    %dma_wait3A_363 = tpu.memref_slice %arg2[%add3A_56] : memref<327680xi32, #tpu.memory_space<hbm>> -> memref<320xi32, #tpu.memory_space<hbm>>
    %dma_wait3A_364 = arith.constant 1600 : i32
    %dma_wait3A_365 = tpu.memref_slice %arg5[%dma_wait3A_364] : memref<10240xi32, #tpu.memory_space<vmem>> -> memref<320xi32, #tpu.memory_space<vmem>>
    %dma_wait3A_366 = tpu.memref_slice %arg2[%add3A_56] : memref<327680xi32, #tpu.memory_space<hbm>> -> memref<320xi32, #tpu.memory_space<hbm>>
    tpu.wait_dma2 semaphore(%arg10 : memref<!tpu.dma_semaphore, #tpu.memory_space<semaphore_mem>>) src(%dma_wait3A_366 : memref<320xi32, #tpu.memory_space<hbm>>) dst(%dma_wait3A_365 : memref<320xi32, #tpu.memory_space<vmem>>)
    %dma_wait3A_367 = arith.constant 1920 : i32
    %dma_wait3A_368 = tpu.memref_slice %arg5[%dma_wait3A_367] : memref<10240xi32, #tpu.memory_space<vmem>> -> memref<320xi32, #tpu.memory_space<vmem>>
    %dma_wait3A_369 = tpu.memref_slice %arg2[%add3A_66] : memref<327680xi32, #tpu.memory_space<hbm>> -> memref<320xi32, #tpu.memory_space<hbm>>
    %dma_wait3A_370 = arith.constant 1920 : i32
    %dma_wait3A_371 = tpu.memref_slice %arg5[%dma_wait3A_370] : memref<10240xi32, #tpu.memory_space<vmem>> -> memref<320xi32, #tpu.memory_space<vmem>>
    %dma_wait3A_372 = tpu.memref_slice %arg2[%add3A_66] : memref<327680xi32, #tpu.memory_space<hbm>> -> memref<320xi32, #tpu.memory_space<hbm>>
    tpu.wait_dma2 semaphore(%arg10 : memref<!tpu.dma_semaphore, #tpu.memory_space<semaphore_mem>>) src(%dma_wait3A_372 : memref<320xi32, #tpu.memory_space<hbm>>) dst(%dma_wait3A_371 : memref<320xi32, #tpu.memory_space<vmem>>)
    %dma_wait3A_373 = arith.constant 2240 : i32
    %dma_wait3A_374 = tpu.memref_slice %arg5[%dma_wait3A_373] : memref<10240xi32, #tpu.memory_space<vmem>> -> memref<320xi32, #tpu.memory_space<vmem>>
    %dma_wait3A_375 = tpu.memref_slice %arg2[%add3A_76] : memref<327680xi32, #tpu.memory_space<hbm>> -> memref<320xi32, #tpu.memory_space<hbm>>
    %dma_wait3A_376 = arith.constant 2240 : i32
    %dma_wait3A_377 = tpu.memref_slice %arg5[%dma_wait3A_376] : memref<10240xi32, #tpu.memory_space<vmem>> -> memref<320xi32, #tpu.memory_space<vmem>>
    %dma_wait3A_378 = tpu.memref_slice %arg2[%add3A_76] : memref<327680xi32, #tpu.memory_space<hbm>> -> memref<320xi32, #tpu.memory_space<hbm>>
    tpu.wait_dma2 semaphore(%arg10 : memref<!tpu.dma_semaphore, #tpu.memory_space<semaphore_mem>>) src(%dma_wait3A_378 : memref<320xi32, #tpu.memory_space<hbm>>) dst(%dma_wait3A_377 : memref<320xi32, #tpu.memory_space<vmem>>)
    %dma_wait3A_379 = arith.constant 2560 : i32
    %dma_wait3A_380 = tpu.memref_slice %arg5[%dma_wait3A_379] : memref<10240xi32, #tpu.memory_space<vmem>> -> memref<320xi32, #tpu.memory_space<vmem>>
    %dma_wait3A_381 = tpu.memref_slice %arg2[%add3A_86] : memref<327680xi32, #tpu.memory_space<hbm>> -> memref<320xi32, #tpu.memory_space<hbm>>
    %dma_wait3A_382 = arith.constant 2560 : i32
    %dma_wait3A_383 = tpu.memref_slice %arg5[%dma_wait3A_382] : memref<10240xi32, #tpu.memory_space<vmem>> -> memref<320xi32, #tpu.memory_space<vmem>>
    %dma_wait3A_384 = tpu.memref_slice %arg2[%add3A_86] : memref<327680xi32, #tpu.memory_space<hbm>> -> memref<320xi32, #tpu.memory_space<hbm>>
    tpu.wait_dma2 semaphore(%arg10 : memref<!tpu.dma_semaphore, #tpu.memory_space<semaphore_mem>>) src(%dma_wait3A_384 : memref<320xi32, #tpu.memory_space<hbm>>) dst(%dma_wait3A_383 : memref<320xi32, #tpu.memory_space<vmem>>)
    %dma_wait3A_385 = arith.constant 2880 : i32
    %dma_wait3A_386 = tpu.memref_slice %arg5[%dma_wait3A_385] : memref<10240xi32, #tpu.memory_space<vmem>> -> memref<320xi32, #tpu.memory_space<vmem>>
    %dma_wait3A_387 = tpu.memref_slice %arg2[%add3A_96] : memref<327680xi32, #tpu.memory_space<hbm>> -> memref<320xi32, #tpu.memory_space<hbm>>
    %dma_wait3A_388 = arith.constant 2880 : i32
    %dma_wait3A_389 = tpu.memref_slice %arg5[%dma_wait3A_388] : memref<10240xi32, #tpu.memory_space<vmem>> -> memref<320xi32, #tpu.memory_space<vmem>>
    %dma_wait3A_390 = tpu.memref_slice %arg2[%add3A_96] : memref<327680xi32, #tpu.memory_space<hbm>> -> memref<320xi32, #tpu.memory_space<hbm>>
    tpu.wait_dma2 semaphore(%arg10 : memref<!tpu.dma_semaphore, #tpu.memory_space<semaphore_mem>>) src(%dma_wait3A_390 : memref<320xi32, #tpu.memory_space<hbm>>) dst(%dma_wait3A_389 : memref<320xi32, #tpu.memory_space<vmem>>)
    %dma_wait3A_391 = arith.constant 3200 : i32
    %dma_wait3A_392 = tpu.memref_slice %arg5[%dma_wait3A_391] : memref<10240xi32, #tpu.memory_space<vmem>> -> memref<320xi32, #tpu.memory_space<vmem>>
    %dma_wait3A_393 = tpu.memref_slice %arg2[%add3A_106] : memref<327680xi32, #tpu.memory_space<hbm>> -> memref<320xi32, #tpu.memory_space<hbm>>
    %dma_wait3A_394 = arith.constant 3200 : i32
    %dma_wait3A_395 = tpu.memref_slice %arg5[%dma_wait3A_394] : memref<10240xi32, #tpu.memory_space<vmem>> -> memref<320xi32, #tpu.memory_space<vmem>>
    %dma_wait3A_396 = tpu.memref_slice %arg2[%add3A_106] : memref<327680xi32, #tpu.memory_space<hbm>> -> memref<320xi32, #tpu.memory_space<hbm>>
    tpu.wait_dma2 semaphore(%arg10 : memref<!tpu.dma_semaphore, #tpu.memory_space<semaphore_mem>>) src(%dma_wait3A_396 : memref<320xi32, #tpu.memory_space<hbm>>) dst(%dma_wait3A_395 : memref<320xi32, #tpu.memory_space<vmem>>)
    %dma_wait3A_397 = arith.constant 3520 : i32
    %dma_wait3A_398 = tpu.memref_slice %arg5[%dma_wait3A_397] : memref<10240xi32, #tpu.memory_space<vmem>> -> memref<320xi32, #tpu.memory_space<vmem>>
    %dma_wait3A_399 = tpu.memref_slice %arg2[%add3A_116] : memref<327680xi32, #tpu.memory_space<hbm>> -> memref<320xi32, #tpu.memory_space<hbm>>
    %dma_wait3A_400 = arith.constant 3520 : i32
    %dma_wait3A_401 = tpu.memref_slice %arg5[%dma_wait3A_400] : memref<10240xi32, #tpu.memory_space<vmem>> -> memref<320xi32, #tpu.memory_space<vmem>>
    %dma_wait3A_402 = tpu.memref_slice %arg2[%add3A_116] : memref<327680xi32, #tpu.memory_space<hbm>> -> memref<320xi32, #tpu.memory_space<hbm>>
    tpu.wait_dma2 semaphore(%arg10 : memref<!tpu.dma_semaphore, #tpu.memory_space<semaphore_mem>>) src(%dma_wait3A_402 : memref<320xi32, #tpu.memory_space<hbm>>) dst(%dma_wait3A_401 : memref<320xi32, #tpu.memory_space<vmem>>)
    %dma_wait3A_403 = arith.constant 3840 : i32
    %dma_wait3A_404 = tpu.memref_slice %arg5[%dma_wait3A_403] : memref<10240xi32, #tpu.memory_space<vmem>> -> memref<320xi32, #tpu.memory_space<vmem>>
    %dma_wait3A_405 = tpu.memref_slice %arg2[%add3A_126] : memref<327680xi32, #tpu.memory_space<hbm>> -> memref<320xi32, #tpu.memory_space<hbm>>
    %dma_wait3A_406 = arith.constant 3840 : i32
    %dma_wait3A_407 = tpu.memref_slice %arg5[%dma_wait3A_406] : memref<10240xi32, #tpu.memory_space<vmem>> -> memref<320xi32, #tpu.memory_space<vmem>>
    %dma_wait3A_408 = tpu.memref_slice %arg2[%add3A_126] : memref<327680xi32, #tpu.memory_space<hbm>> -> memref<320xi32, #tpu.memory_space<hbm>>
    tpu.wait_dma2 semaphore(%arg10 : memref<!tpu.dma_semaphore, #tpu.memory_space<semaphore_mem>>) src(%dma_wait3A_408 : memref<320xi32, #tpu.memory_space<hbm>>) dst(%dma_wait3A_407 : memref<320xi32, #tpu.memory_space<vmem>>)
    %dma_wait3A_409 = arith.constant 4160 : i32
    %dma_wait3A_410 = tpu.memref_slice %arg5[%dma_wait3A_409] : memref<10240xi32, #tpu.memory_space<vmem>> -> memref<320xi32, #tpu.memory_space<vmem>>
    %dma_wait3A_411 = tpu.memref_slice %arg2[%add3A_136] : memref<327680xi32, #tpu.memory_space<hbm>> -> memref<320xi32, #tpu.memory_space<hbm>>
    %dma_wait3A_412 = arith.constant 4160 : i32
    %dma_wait3A_413 = tpu.memref_slice %arg5[%dma_wait3A_412] : memref<10240xi32, #tpu.memory_space<vmem>> -> memref<320xi32, #tpu.memory_space<vmem>>
    %dma_wait3A_414 = tpu.memref_slice %arg2[%add3A_136] : memref<327680xi32, #tpu.memory_space<hbm>> -> memref<320xi32, #tpu.memory_space<hbm>>
    tpu.wait_dma2 semaphore(%arg10 : memref<!tpu.dma_semaphore, #tpu.memory_space<semaphore_mem>>) src(%dma_wait3A_414 : memref<320xi32, #tpu.memory_space<hbm>>) dst(%dma_wait3A_413 : memref<320xi32, #tpu.memory_space<vmem>>)
    %dma_wait3A_415 = arith.constant 4480 : i32
    %dma_wait3A_416 = tpu.memref_slice %arg5[%dma_wait3A_415] : memref<10240xi32, #tpu.memory_space<vmem>> -> memref<320xi32, #tpu.memory_space<vmem>>
    %dma_wait3A_417 = tpu.memref_slice %arg2[%add3A_146] : memref<327680xi32, #tpu.memory_space<hbm>> -> memref<320xi32, #tpu.memory_space<hbm>>
    %dma_wait3A_418 = arith.constant 4480 : i32
    %dma_wait3A_419 = tpu.memref_slice %arg5[%dma_wait3A_418] : memref<10240xi32, #tpu.memory_space<vmem>> -> memref<320xi32, #tpu.memory_space<vmem>>
    %dma_wait3A_420 = tpu.memref_slice %arg2[%add3A_146] : memref<327680xi32, #tpu.memory_space<hbm>> -> memref<320xi32, #tpu.memory_space<hbm>>
    tpu.wait_dma2 semaphore(%arg10 : memref<!tpu.dma_semaphore, #tpu.memory_space<semaphore_mem>>) src(%dma_wait3A_420 : memref<320xi32, #tpu.memory_space<hbm>>) dst(%dma_wait3A_419 : memref<320xi32, #tpu.memory_space<vmem>>)
    %dma_wait3A_421 = arith.constant 4800 : i32
    %dma_wait3A_422 = tpu.memref_slice %arg5[%dma_wait3A_421] : memref<10240xi32, #tpu.memory_space<vmem>> -> memref<320xi32, #tpu.memory_space<vmem>>
    %dma_wait3A_423 = tpu.memref_slice %arg2[%add3A_156] : memref<327680xi32, #tpu.memory_space<hbm>> -> memref<320xi32, #tpu.memory_space<hbm>>
    %dma_wait3A_424 = arith.constant 4800 : i32
    %dma_wait3A_425 = tpu.memref_slice %arg5[%dma_wait3A_424] : memref<10240xi32, #tpu.memory_space<vmem>> -> memref<320xi32, #tpu.memory_space<vmem>>
    %dma_wait3A_426 = tpu.memref_slice %arg2[%add3A_156] : memref<327680xi32, #tpu.memory_space<hbm>> -> memref<320xi32, #tpu.memory_space<hbm>>
    tpu.wait_dma2 semaphore(%arg10 : memref<!tpu.dma_semaphore, #tpu.memory_space<semaphore_mem>>) src(%dma_wait3A_426 : memref<320xi32, #tpu.memory_space<hbm>>) dst(%dma_wait3A_425 : memref<320xi32, #tpu.memory_space<vmem>>)
    %dma_wait3A_427 = arith.constant 5120 : i32
    %dma_wait3A_428 = tpu.memref_slice %arg5[%dma_wait3A_427] : memref<10240xi32, #tpu.memory_space<vmem>> -> memref<320xi32, #tpu.memory_space<vmem>>
    %dma_wait3A_429 = tpu.memref_slice %arg2[%add3A_166] : memref<327680xi32, #tpu.memory_space<hbm>> -> memref<320xi32, #tpu.memory_space<hbm>>
    %dma_wait3A_430 = arith.constant 5120 : i32
    %dma_wait3A_431 = tpu.memref_slice %arg5[%dma_wait3A_430] : memref<10240xi32, #tpu.memory_space<vmem>> -> memref<320xi32, #tpu.memory_space<vmem>>
    %dma_wait3A_432 = tpu.memref_slice %arg2[%add3A_166] : memref<327680xi32, #tpu.memory_space<hbm>> -> memref<320xi32, #tpu.memory_space<hbm>>
    tpu.wait_dma2 semaphore(%arg10 : memref<!tpu.dma_semaphore, #tpu.memory_space<semaphore_mem>>) src(%dma_wait3A_432 : memref<320xi32, #tpu.memory_space<hbm>>) dst(%dma_wait3A_431 : memref<320xi32, #tpu.memory_space<vmem>>)
    %dma_wait3A_433 = arith.constant 5440 : i32
    %dma_wait3A_434 = tpu.memref_slice %arg5[%dma_wait3A_433] : memref<10240xi32, #tpu.memory_space<vmem>> -> memref<320xi32, #tpu.memory_space<vmem>>
    %dma_wait3A_435 = tpu.memref_slice %arg2[%add3A_176] : memref<327680xi32, #tpu.memory_space<hbm>> -> memref<320xi32, #tpu.memory_space<hbm>>
    %dma_wait3A_436 = arith.constant 5440 : i32
    %dma_wait3A_437 = tpu.memref_slice %arg5[%dma_wait3A_436] : memref<10240xi32, #tpu.memory_space<vmem>> -> memref<320xi32, #tpu.memory_space<vmem>>
    %dma_wait3A_438 = tpu.memref_slice %arg2[%add3A_176] : memref<327680xi32, #tpu.memory_space<hbm>> -> memref<320xi32, #tpu.memory_space<hbm>>
    tpu.wait_dma2 semaphore(%arg10 : memref<!tpu.dma_semaphore, #tpu.memory_space<semaphore_mem>>) src(%dma_wait3A_438 : memref<320xi32, #tpu.memory_space<hbm>>) dst(%dma_wait3A_437 : memref<320xi32, #tpu.memory_space<vmem>>)
    %dma_wait3A_439 = arith.constant 5760 : i32
    %dma_wait3A_440 = tpu.memref_slice %arg5[%dma_wait3A_439] : memref<10240xi32, #tpu.memory_space<vmem>> -> memref<320xi32, #tpu.memory_space<vmem>>
    %dma_wait3A_441 = tpu.memref_slice %arg2[%add3A_186] : memref<327680xi32, #tpu.memory_space<hbm>> -> memref<320xi32, #tpu.memory_space<hbm>>
    %dma_wait3A_442 = arith.constant 5760 : i32
    %dma_wait3A_443 = tpu.memref_slice %arg5[%dma_wait3A_442] : memref<10240xi32, #tpu.memory_space<vmem>> -> memref<320xi32, #tpu.memory_space<vmem>>
    %dma_wait3A_444 = tpu.memref_slice %arg2[%add3A_186] : memref<327680xi32, #tpu.memory_space<hbm>> -> memref<320xi32, #tpu.memory_space<hbm>>
    tpu.wait_dma2 semaphore(%arg10 : memref<!tpu.dma_semaphore, #tpu.memory_space<semaphore_mem>>) src(%dma_wait3A_444 : memref<320xi32, #tpu.memory_space<hbm>>) dst(%dma_wait3A_443 : memref<320xi32, #tpu.memory_space<vmem>>)
    %dma_wait3A_445 = arith.constant 6080 : i32
    %dma_wait3A_446 = tpu.memref_slice %arg5[%dma_wait3A_445] : memref<10240xi32, #tpu.memory_space<vmem>> -> memref<320xi32, #tpu.memory_space<vmem>>
    %dma_wait3A_447 = tpu.memref_slice %arg2[%add3A_196] : memref<327680xi32, #tpu.memory_space<hbm>> -> memref<320xi32, #tpu.memory_space<hbm>>
    %dma_wait3A_448 = arith.constant 6080 : i32
    %dma_wait3A_449 = tpu.memref_slice %arg5[%dma_wait3A_448] : memref<10240xi32, #tpu.memory_space<vmem>> -> memref<320xi32, #tpu.memory_space<vmem>>
    %dma_wait3A_450 = tpu.memref_slice %arg2[%add3A_196] : memref<327680xi32, #tpu.memory_space<hbm>> -> memref<320xi32, #tpu.memory_space<hbm>>
    tpu.wait_dma2 semaphore(%arg10 : memref<!tpu.dma_semaphore, #tpu.memory_space<semaphore_mem>>) src(%dma_wait3A_450 : memref<320xi32, #tpu.memory_space<hbm>>) dst(%dma_wait3A_449 : memref<320xi32, #tpu.memory_space<vmem>>)
    %dma_wait3A_451 = arith.constant 6400 : i32
    %dma_wait3A_452 = tpu.memref_slice %arg5[%dma_wait3A_451] : memref<10240xi32, #tpu.memory_space<vmem>> -> memref<320xi32, #tpu.memory_space<vmem>>
    %dma_wait3A_453 = tpu.memref_slice %arg2[%add3A_206] : memref<327680xi32, #tpu.memory_space<hbm>> -> memref<320xi32, #tpu.memory_space<hbm>>
    %dma_wait3A_454 = arith.constant 6400 : i32
    %dma_wait3A_455 = tpu.memref_slice %arg5[%dma_wait3A_454] : memref<10240xi32, #tpu.memory_space<vmem>> -> memref<320xi32, #tpu.memory_space<vmem>>
    %dma_wait3A_456 = tpu.memref_slice %arg2[%add3A_206] : memref<327680xi32, #tpu.memory_space<hbm>> -> memref<320xi32, #tpu.memory_space<hbm>>
    tpu.wait_dma2 semaphore(%arg10 : memref<!tpu.dma_semaphore, #tpu.memory_space<semaphore_mem>>) src(%dma_wait3A_456 : memref<320xi32, #tpu.memory_space<hbm>>) dst(%dma_wait3A_455 : memref<320xi32, #tpu.memory_space<vmem>>)
    %dma_wait3A_457 = arith.constant 6720 : i32
    %dma_wait3A_458 = tpu.memref_slice %arg5[%dma_wait3A_457] : memref<10240xi32, #tpu.memory_space<vmem>> -> memref<320xi32, #tpu.memory_space<vmem>>
    %dma_wait3A_459 = tpu.memref_slice %arg2[%add3A_216] : memref<327680xi32, #tpu.memory_space<hbm>> -> memref<320xi32, #tpu.memory_space<hbm>>
    %dma_wait3A_460 = arith.constant 6720 : i32
    %dma_wait3A_461 = tpu.memref_slice %arg5[%dma_wait3A_460] : memref<10240xi32, #tpu.memory_space<vmem>> -> memref<320xi32, #tpu.memory_space<vmem>>
    %dma_wait3A_462 = tpu.memref_slice %arg2[%add3A_216] : memref<327680xi32, #tpu.memory_space<hbm>> -> memref<320xi32, #tpu.memory_space<hbm>>
    tpu.wait_dma2 semaphore(%arg10 : memref<!tpu.dma_semaphore, #tpu.memory_space<semaphore_mem>>) src(%dma_wait3A_462 : memref<320xi32, #tpu.memory_space<hbm>>) dst(%dma_wait3A_461 : memref<320xi32, #tpu.memory_space<vmem>>)
    %dma_wait3A_463 = arith.constant 7040 : i32
    %dma_wait3A_464 = tpu.memref_slice %arg5[%dma_wait3A_463] : memref<10240xi32, #tpu.memory_space<vmem>> -> memref<320xi32, #tpu.memory_space<vmem>>
    %dma_wait3A_465 = tpu.memref_slice %arg2[%add3A_226] : memref<327680xi32, #tpu.memory_space<hbm>> -> memref<320xi32, #tpu.memory_space<hbm>>
    %dma_wait3A_466 = arith.constant 7040 : i32
    %dma_wait3A_467 = tpu.memref_slice %arg5[%dma_wait3A_466] : memref<10240xi32, #tpu.memory_space<vmem>> -> memref<320xi32, #tpu.memory_space<vmem>>
    %dma_wait3A_468 = tpu.memref_slice %arg2[%add3A_226] : memref<327680xi32, #tpu.memory_space<hbm>> -> memref<320xi32, #tpu.memory_space<hbm>>
    tpu.wait_dma2 semaphore(%arg10 : memref<!tpu.dma_semaphore, #tpu.memory_space<semaphore_mem>>) src(%dma_wait3A_468 : memref<320xi32, #tpu.memory_space<hbm>>) dst(%dma_wait3A_467 : memref<320xi32, #tpu.memory_space<vmem>>)
    %dma_wait3A_469 = arith.constant 7360 : i32
    %dma_wait3A_470 = tpu.memref_slice %arg5[%dma_wait3A_469] : memref<10240xi32, #tpu.memory_space<vmem>> -> memref<320xi32, #tpu.memory_space<vmem>>
    %dma_wait3A_471 = tpu.memref_slice %arg2[%add3A_236] : memref<327680xi32, #tpu.memory_space<hbm>> -> memref<320xi32, #tpu.memory_space<hbm>>
    %dma_wait3A_472 = arith.constant 7360 : i32
    %dma_wait3A_473 = tpu.memref_slice %arg5[%dma_wait3A_472] : memref<10240xi32, #tpu.memory_space<vmem>> -> memref<320xi32, #tpu.memory_space<vmem>>
    %dma_wait3A_474 = tpu.memref_slice %arg2[%add3A_236] : memref<327680xi32, #tpu.memory_space<hbm>> -> memref<320xi32, #tpu.memory_space<hbm>>
    tpu.wait_dma2 semaphore(%arg10 : memref<!tpu.dma_semaphore, #tpu.memory_space<semaphore_mem>>) src(%dma_wait3A_474 : memref<320xi32, #tpu.memory_space<hbm>>) dst(%dma_wait3A_473 : memref<320xi32, #tpu.memory_space<vmem>>)
    %dma_wait3A_475 = arith.constant 7680 : i32
    %dma_wait3A_476 = tpu.memref_slice %arg5[%dma_wait3A_475] : memref<10240xi32, #tpu.memory_space<vmem>> -> memref<320xi32, #tpu.memory_space<vmem>>
    %dma_wait3A_477 = tpu.memref_slice %arg2[%add3A_246] : memref<327680xi32, #tpu.memory_space<hbm>> -> memref<320xi32, #tpu.memory_space<hbm>>
    %dma_wait3A_478 = arith.constant 7680 : i32
    %dma_wait3A_479 = tpu.memref_slice %arg5[%dma_wait3A_478] : memref<10240xi32, #tpu.memory_space<vmem>> -> memref<320xi32, #tpu.memory_space<vmem>>
    %dma_wait3A_480 = tpu.memref_slice %arg2[%add3A_246] : memref<327680xi32, #tpu.memory_space<hbm>> -> memref<320xi32, #tpu.memory_space<hbm>>
    tpu.wait_dma2 semaphore(%arg10 : memref<!tpu.dma_semaphore, #tpu.memory_space<semaphore_mem>>) src(%dma_wait3A_480 : memref<320xi32, #tpu.memory_space<hbm>>) dst(%dma_wait3A_479 : memref<320xi32, #tpu.memory_space<vmem>>)
    %dma_wait3A_481 = arith.constant 8000 : i32
    %dma_wait3A_482 = tpu.memref_slice %arg5[%dma_wait3A_481] : memref<10240xi32, #tpu.memory_space<vmem>> -> memref<320xi32, #tpu.memory_space<vmem>>
    %dma_wait3A_483 = tpu.memref_slice %arg2[%add3A_256] : memref<327680xi32, #tpu.memory_space<hbm>> -> memref<320xi32, #tpu.memory_space<hbm>>
    %dma_wait3A_484 = arith.constant 8000 : i32
    %dma_wait3A_485 = tpu.memref_slice %arg5[%dma_wait3A_484] : memref<10240xi32, #tpu.memory_space<vmem>> -> memref<320xi32, #tpu.memory_space<vmem>>
    %dma_wait3A_486 = tpu.memref_slice %arg2[%add3A_256] : memref<327680xi32, #tpu.memory_space<hbm>> -> memref<320xi32, #tpu.memory_space<hbm>>
    tpu.wait_dma2 semaphore(%arg10 : memref<!tpu.dma_semaphore, #tpu.memory_space<semaphore_mem>>) src(%dma_wait3A_486 : memref<320xi32, #tpu.memory_space<hbm>>) dst(%dma_wait3A_485 : memref<320xi32, #tpu.memory_space<vmem>>)
    %dma_wait3A_487 = arith.constant 8320 : i32
    %dma_wait3A_488 = tpu.memref_slice %arg5[%dma_wait3A_487] : memref<10240xi32, #tpu.memory_space<vmem>> -> memref<320xi32, #tpu.memory_space<vmem>>
    %dma_wait3A_489 = tpu.memref_slice %arg2[%add3A_266] : memref<327680xi32, #tpu.memory_space<hbm>> -> memref<320xi32, #tpu.memory_space<hbm>>
    %dma_wait3A_490 = arith.constant 8320 : i32
    %dma_wait3A_491 = tpu.memref_slice %arg5[%dma_wait3A_490] : memref<10240xi32, #tpu.memory_space<vmem>> -> memref<320xi32, #tpu.memory_space<vmem>>
    %dma_wait3A_492 = tpu.memref_slice %arg2[%add3A_266] : memref<327680xi32, #tpu.memory_space<hbm>> -> memref<320xi32, #tpu.memory_space<hbm>>
    tpu.wait_dma2 semaphore(%arg10 : memref<!tpu.dma_semaphore, #tpu.memory_space<semaphore_mem>>) src(%dma_wait3A_492 : memref<320xi32, #tpu.memory_space<hbm>>) dst(%dma_wait3A_491 : memref<320xi32, #tpu.memory_space<vmem>>)
    %dma_wait3A_493 = arith.constant 8640 : i32
    %dma_wait3A_494 = tpu.memref_slice %arg5[%dma_wait3A_493] : memref<10240xi32, #tpu.memory_space<vmem>> -> memref<320xi32, #tpu.memory_space<vmem>>
    %dma_wait3A_495 = tpu.memref_slice %arg2[%add3A_276] : memref<327680xi32, #tpu.memory_space<hbm>> -> memref<320xi32, #tpu.memory_space<hbm>>
    %dma_wait3A_496 = arith.constant 8640 : i32
    %dma_wait3A_497 = tpu.memref_slice %arg5[%dma_wait3A_496] : memref<10240xi32, #tpu.memory_space<vmem>> -> memref<320xi32, #tpu.memory_space<vmem>>
    %dma_wait3A_498 = tpu.memref_slice %arg2[%add3A_276] : memref<327680xi32, #tpu.memory_space<hbm>> -> memref<320xi32, #tpu.memory_space<hbm>>
    tpu.wait_dma2 semaphore(%arg10 : memref<!tpu.dma_semaphore, #tpu.memory_space<semaphore_mem>>) src(%dma_wait3A_498 : memref<320xi32, #tpu.memory_space<hbm>>) dst(%dma_wait3A_497 : memref<320xi32, #tpu.memory_space<vmem>>)
    %dma_wait3A_499 = arith.constant 8960 : i32
    %dma_wait3A_500 = tpu.memref_slice %arg5[%dma_wait3A_499] : memref<10240xi32, #tpu.memory_space<vmem>> -> memref<320xi32, #tpu.memory_space<vmem>>
    %dma_wait3A_501 = tpu.memref_slice %arg2[%add3A_286] : memref<327680xi32, #tpu.memory_space<hbm>> -> memref<320xi32, #tpu.memory_space<hbm>>
    %dma_wait3A_502 = arith.constant 8960 : i32
    %dma_wait3A_503 = tpu.memref_slice %arg5[%dma_wait3A_502] : memref<10240xi32, #tpu.memory_space<vmem>> -> memref<320xi32, #tpu.memory_space<vmem>>
    %dma_wait3A_504 = tpu.memref_slice %arg2[%add3A_286] : memref<327680xi32, #tpu.memory_space<hbm>> -> memref<320xi32, #tpu.memory_space<hbm>>
    tpu.wait_dma2 semaphore(%arg10 : memref<!tpu.dma_semaphore, #tpu.memory_space<semaphore_mem>>) src(%dma_wait3A_504 : memref<320xi32, #tpu.memory_space<hbm>>) dst(%dma_wait3A_503 : memref<320xi32, #tpu.memory_space<vmem>>)
    %dma_wait3A_505 = arith.constant 9280 : i32
    %dma_wait3A_506 = tpu.memref_slice %arg5[%dma_wait3A_505] : memref<10240xi32, #tpu.memory_space<vmem>> -> memref<320xi32, #tpu.memory_space<vmem>>
    %dma_wait3A_507 = tpu.memref_slice %arg2[%add3A_296] : memref<327680xi32, #tpu.memory_space<hbm>> -> memref<320xi32, #tpu.memory_space<hbm>>
    %dma_wait3A_508 = arith.constant 9280 : i32
    %dma_wait3A_509 = tpu.memref_slice %arg5[%dma_wait3A_508] : memref<10240xi32, #tpu.memory_space<vmem>> -> memref<320xi32, #tpu.memory_space<vmem>>
    %dma_wait3A_510 = tpu.memref_slice %arg2[%add3A_296] : memref<327680xi32, #tpu.memory_space<hbm>> -> memref<320xi32, #tpu.memory_space<hbm>>
    tpu.wait_dma2 semaphore(%arg10 : memref<!tpu.dma_semaphore, #tpu.memory_space<semaphore_mem>>) src(%dma_wait3A_510 : memref<320xi32, #tpu.memory_space<hbm>>) dst(%dma_wait3A_509 : memref<320xi32, #tpu.memory_space<vmem>>)
    %dma_wait3A_511 = arith.constant 9600 : i32
    %dma_wait3A_512 = tpu.memref_slice %arg5[%dma_wait3A_511] : memref<10240xi32, #tpu.memory_space<vmem>> -> memref<320xi32, #tpu.memory_space<vmem>>
    %dma_wait3A_513 = tpu.memref_slice %arg2[%add3A_306] : memref<327680xi32, #tpu.memory_space<hbm>> -> memref<320xi32, #tpu.memory_space<hbm>>
    %dma_wait3A_514 = arith.constant 9600 : i32
    %dma_wait3A_515 = tpu.memref_slice %arg5[%dma_wait3A_514] : memref<10240xi32, #tpu.memory_space<vmem>> -> memref<320xi32, #tpu.memory_space<vmem>>
    %dma_wait3A_516 = tpu.memref_slice %arg2[%add3A_306] : memref<327680xi32, #tpu.memory_space<hbm>> -> memref<320xi32, #tpu.memory_space<hbm>>
    tpu.wait_dma2 semaphore(%arg10 : memref<!tpu.dma_semaphore, #tpu.memory_space<semaphore_mem>>) src(%dma_wait3A_516 : memref<320xi32, #tpu.memory_space<hbm>>) dst(%dma_wait3A_515 : memref<320xi32, #tpu.memory_space<vmem>>)
    %dma_wait3A_517 = arith.constant 9920 : i32
    %dma_wait3A_518 = tpu.memref_slice %arg5[%dma_wait3A_517] : memref<10240xi32, #tpu.memory_space<vmem>> -> memref<320xi32, #tpu.memory_space<vmem>>
    %dma_wait3A_519 = tpu.memref_slice %arg2[%add3A_316] : memref<327680xi32, #tpu.memory_space<hbm>> -> memref<320xi32, #tpu.memory_space<hbm>>
    %dma_wait3A_520 = arith.constant 9920 : i32
    %dma_wait3A_521 = tpu.memref_slice %arg5[%dma_wait3A_520] : memref<10240xi32, #tpu.memory_space<vmem>> -> memref<320xi32, #tpu.memory_space<vmem>>
    %dma_wait3A_522 = tpu.memref_slice %arg2[%add3A_316] : memref<327680xi32, #tpu.memory_space<hbm>> -> memref<320xi32, #tpu.memory_space<hbm>>
    tpu.wait_dma2 semaphore(%arg10 : memref<!tpu.dma_semaphore, #tpu.memory_space<semaphore_mem>>) src(%dma_wait3A_522 : memref<320xi32, #tpu.memory_space<hbm>>) dst(%dma_wait3A_521 : memref<320xi32, #tpu.memory_space<vmem>>)
    %shift_right_arithmetic3A = arith.constant 4 : i32
    %shift_right_arithmetic3A_523 = arith.shrsi %add3A, %shift_right_arithmetic3A : i32
    %shift_left3A = arith.constant 4 : i32
    %shift_left3A_524 = arith.shli %shift_right_arithmetic3A_523, %shift_left3A : i32
    %and3A = arith.constant 15 : i32
    %and3A_525 = arith.andi %add3A, %and3A : i32
    %scan3A = arith.constant 0 : i32
    %scan3A_526 = arith.constant 0 : i32
    %scan3A_527 = arith.constant 32 : i32
    %scan3A_528 = arith.addi %scan3A_526, %scan3A_527 : i32
    %scan3A_529 = arith.constant 1 : i32
    %scan3A_530 = scf.for %scan3A_546 = %scan3A_526 to %scan3A_528 step %scan3A_529 iter_args(%scan3A_547 = %scan3A) -> (i32)  : i32 {
      %mul3A_548 = arith.constant 32 : i32
      %mul3A_549 = arith.muli %scan3A_546, %mul3A_548 : i32
      %add3A_550 = arith.addi %mul3A_549, %shift_left3A_524 : i32
      %get3A = arith.index_cast %add3A_550 : i32 to index
      %get3A_551 = tpu.vector_load %arg6[%get3A] {strides = array<i32>} : memref<1024xi32, #tpu.memory_space<vmem>>, vector<16xi32>,
      %eq3A = vector.broadcast %and3A_525 : i32 to vector<16xi32>
      %eq3A_552 = arith.cmpi eq, %iota3A, %eq3A : vector<16xi32>
      %jit3A = arith.constant 0 : i32
      %broadcast_in_dim3A_553 = vector.broadcast %jit3A : i32 to vector<16xi32>
      %select_n3A = arith.select %eq3A_552, %get3A_551, %broadcast_in_dim3A_553 : vector<16xi1>, vector<16xi32>
      %reduce_sum3A_554 = arith.constant true
      %reduce_sum3A_555 = vector.broadcast %reduce_sum3A_554 : i1 to vector<16xi1>
      %reduce_sum3A_556 = tpu.scan <sum>, %select_n3A masked %reduce_sum3A_555 : vector<16xi32>, vector<16xi1> -> vector<16xi32>
      %reduce_sum3A_557 = vector.extract %reduce_sum3A_556[15] : i32 from vector<16xi32>
      %add3A_558 = arith.constant 16 : i32
      %add3A_559 = arith.addi %reduce_sum3A_557, %add3A_558 : i32
      %sub3A = arith.constant 1 : i32
      %sub3A_560 = arith.subi %add3A_559, %sub3A : i32
      %jit3A_561 = arith.constant 16 : i32
      %div3A = arith.divsi %sub3A_560, %jit3A_561 : i32
      %sign3A = arith.constant 0 : i32
      %sign3A_562 = arith.cmpi sgt, %sub3A_560, %sign3A : i32
      %sign3A_563 = arith.extui %sign3A_562 : i1 to i32
      %sign3A_564 = arith.constant 0 : i32
      %sign3A_565 = arith.cmpi slt, %sub3A_560, %sign3A_564 : i32
      %sign3A_566 = arith.extui %sign3A_565 : i1 to i32
      %sign3A_567 = arith.subi %sign3A_563, %sign3A_566 : i32
      %sign3A_568 = arith.constant 0 : i32
      %sign3A_569 = arith.cmpi sgt, %jit3A_561, %sign3A_568 : i32
      %sign3A_570 = arith.extui %sign3A_569 : i1 to i32
      %sign3A_571 = arith.constant 0 : i32
      %sign3A_572 = arith.cmpi slt, %jit3A_561, %sign3A_571 : i32
      %sign3A_573 = arith.extui %sign3A_572 : i1 to i32
      %sign3A_574 = arith.subi %sign3A_570, %sign3A_573 : i32
      %ne3A = arith.cmpi ne, %sign3A_567, %sign3A_574 : i32
      %rem3A = arith.remsi %sub3A_560, %jit3A_561 : i32
      %ne3A_575 = arith.constant 0 : i32
      %ne3A_576 = arith.cmpi ne, %rem3A, %ne3A_575 : i32
      %and3A_577 = arith.andi %ne3A, %ne3A_576 : i1
      %sub3A_578 = arith.constant 1 : i32
      %sub3A_579 = arith.subi %div3A, %sub3A_578 : i32
      %select_n3A_580 = arith.select %and3A_577, %sub3A_579, %div3A : i32
      %while3A = arith.constant 0 : i32
      %while3A_581 = arith.constant 0 : i32
      %while3A_582 = arith.subi %select_n3A_580, %while3A : i32
      %while3A_583 = arith.addi %while3A, %while3A_582 : i32
      %while3A_584 = arith.constant 1 : i32
      %while3A_585 = arith.divsi %while3A_582, %while3A_584 : i32
      %while3A_586 = arith.muli %while3A_585, %while3A_584 : i32
      %while3A_587 = arith.addi %while3A, %while3A_586 : i32
      %while3A_588 = arith.constant 1 : i32
      %while3A_589 = scf.for %while3A_593 = %while3A to %while3A_587 step %while3A_588 iter_args(%while3A_594 = %while3A_581) -> (i32)  : i32 {
        %mul3A_595 = arith.constant 320 : i32
        %mul3A_596 = arith.muli %scan3A_546, %mul3A_595 : i32
        %mul3A_597 = arith.constant 16 : i32
        %mul3A_598 = arith.muli %while3A_593, %mul3A_597 : i32
        %add3A_599 = arith.addi %mul3A_596, %mul3A_598 : i32
        %get3A_600 = arith.index_cast %add3A_599 : i32 to index
        %get3A_601 = tpu.vector_load %arg5[%get3A_600] {strides = array<i32>} : memref<10240xi32, #tpu.memory_space<vmem>>, vector<16xi32>,
        %mul3A_602 = arith.constant 16 : i32
        %mul3A_603 = arith.muli %while3A_593, %mul3A_602 : i32
        %add3A_604 = vector.broadcast %mul3A_603 : i32 to vector<16xi32>
        %add3A_605 = arith.addi %add3A_604, %iota3A : vector<16xi32>
        %lt3A = vector.broadcast %reduce_sum3A_557 : i32 to vector<16xi32>
        %lt3A_606 = arith.cmpi slt, %add3A_605, %lt3A : vector<16xi32>
        %shift_right_arithmetic3A_607 = arith.constant 17 : i32
        %shift_right_arithmetic3A_608 = vector.broadcast %shift_right_arithmetic3A_607 : i32 to vector<16xi32>
        %shift_right_arithmetic3A_609 = arith.shrsi %get3A_601, %shift_right_arithmetic3A_608 : vector<16xi32>
        %jit3A_610 = arith.constant 0 : i32
        %broadcast_in_dim3A_611 = vector.broadcast %jit3A_610 : i32 to vector<16xi32>
        %select_n3A_612 = arith.select %lt3A_606, %shift_right_arithmetic3A_609, %broadcast_in_dim3A_611 : vector<16xi1>, vector<16xi32>
        tpu.vector_store_idx %arg7[%select_n3A_612], %broadcast_in_dim3A_1 masked %lt3A_606 {add = true} : memref<3072xi32, #tpu.memory_space<vmem>>[vector<16xi32>], vector<16xi32>, vector<16xi1>
        %while3A_613 = arith.constant 0 : i32
        scf.yield %while3A_613 : i32
      }
      %while3A_590 = arith.constant 1 : i32
      %while3A_591 = scf.for %while3A_593 = %while3A_587 to %while3A_583 step %while3A_590 iter_args(%while3A_594 = %while3A_589) -> (i32)  : i32 {
        %mul3A_595 = arith.constant 320 : i32
        %mul3A_596 = arith.muli %scan3A_546, %mul3A_595 : i32
        %mul3A_597 = arith.constant 16 : i32
        %mul3A_598 = arith.muli %while3A_593, %mul3A_597 : i32
        %add3A_599 = arith.addi %mul3A_596, %mul3A_598 : i32
        %get3A_600 = arith.index_cast %add3A_599 : i32 to index
        %get3A_601 = tpu.vector_load %arg5[%get3A_600] {strides = array<i32>} : memref<10240xi32, #tpu.memory_space<vmem>>, vector<16xi32>,
        %mul3A_602 = arith.constant 16 : i32
        %mul3A_603 = arith.muli %while3A_593, %mul3A_602 : i32
        %add3A_604 = vector.broadcast %mul3A_603 : i32 to vector<16xi32>
        %add3A_605 = arith.addi %add3A_604, %iota3A : vector<16xi32>
        %lt3A = vector.broadcast %reduce_sum3A_557 : i32 to vector<16xi32>
        %lt3A_606 = arith.cmpi slt, %add3A_605, %lt3A : vector<16xi32>
        %shift_right_arithmetic3A_607 = arith.constant 17 : i32
        %shift_right_arithmetic3A_608 = vector.broadcast %shift_right_arithmetic3A_607 : i32 to vector<16xi32>
        %shift_right_arithmetic3A_609 = arith.shrsi %get3A_601, %shift_right_arithmetic3A_608 : vector<16xi32>
        %jit3A_610 = arith.constant 0 : i32
        %broadcast_in_dim3A_611 = vector.broadcast %jit3A_610 : i32 to vector<16xi32>
        %select_n3A_612 = arith.select %lt3A_606, %shift_right_arithmetic3A_609, %broadcast_in_dim3A_611 : vector<16xi1>, vector<16xi32>
        tpu.vector_store_idx %arg7[%select_n3A_612], %broadcast_in_dim3A_1 masked %lt3A_606 {add = true} : memref<3072xi32, #tpu.memory_space<vmem>>[vector<16xi32>], vector<16xi32>, vector<16xi1>
        %while3A_613 = arith.constant 0 : i32
        scf.yield %while3A_613 : i32
      }
      %scan3A_592 = arith.constant 0 : i32
      scf.yield %scan3A_592 : i32
    }
    %scan3A_531 = arith.constant 32 : i32
    %parallel_loop3A_532 = arith.constant 0 : i32
    %parallel_loop3A_533 = arith.constant 192 : i32
    %parallel_loop3A_534 = arith.constant 1 : i32
    %parallel_loop3A_535 = arith.constant 0 : i32
    %parallel_loop3A_536 = scf.for %parallel_loop3A_546 = %parallel_loop3A_532 to %parallel_loop3A_533 step %parallel_loop3A_534 iter_args(%parallel_loop3A_547 = %parallel_loop3A_535) -> (i32)  : i32 {
      %parallel_loop3A_548 = arith.constant 16 : i32
      %parallel_loop3A_549 = arith.muli %parallel_loop3A_546, %parallel_loop3A_548 : i32
      %parallel_loop3A_550 = arith.index_cast %parallel_loop3A_549 : i32 to index
      %parallel_loop3A_551 = tpu.vector_load %arg7[%parallel_loop3A_550] {strides = array<i32>} : memref<3072xi32, #tpu.memory_space<vmem>>, vector<16xi32>,
      %parallel_loop3A_552 = arith.constant true
      %parallel_loop3A_553 = vector.broadcast %parallel_loop3A_552 : i1 to vector<16xi1>
      %parallel_loop3A_554 = tpu.scan <sum>, %parallel_loop3A_551 masked %parallel_loop3A_553 : vector<16xi32>, vector<16xi1> -> vector<16xi32>
      %parallel_loop3A_555 = arith.subi %parallel_loop3A_554, %parallel_loop3A_551 : vector<16xi32>
      %parallel_loop3A_556 = vector.broadcast %parallel_loop3A_547 : i32 to vector<16xi32>
      %parallel_loop3A_557 = arith.addi %parallel_loop3A_555, %parallel_loop3A_556 : vector<16xi32>
      %parallel_loop3A_558 = arith.constant 16 : i32
      %parallel_loop3A_559 = arith.muli %parallel_loop3A_546, %parallel_loop3A_558 : i32
      %parallel_loop3A_560 = arith.index_cast %parallel_loop3A_559 : i32 to index
      %parallel_loop3A_561 = tpu.vector_load %arg8[%parallel_loop3A_560] {strides = array<i32>} : memref<3072xi32, #tpu.memory_space<vmem>>, vector<16xi32>,
      tpu.vector_store %arg8[%parallel_loop3A_560], %parallel_loop3A_557 {strides = array<i32>} : memref<3072xi32, #tpu.memory_space<vmem>>, vector<16xi32>,
      %parallel_loop3A_562 = arith.constant true
      %parallel_loop3A_563 = vector.broadcast %parallel_loop3A_562 : i1 to vector<16xi1>
      %parallel_loop3A_564 = tpu.scan <sum>, %parallel_loop3A_551 masked %parallel_loop3A_563 : vector<16xi32>, vector<16xi1> -> vector<16xi32>
      %parallel_loop3A_565 = vector.extract %parallel_loop3A_564[15] : i32 from vector<16xi32>
      %parallel_loop3A_566 = arith.addi %parallel_loop3A_547, %parallel_loop3A_565 : i32
      scf.yield %parallel_loop3A_566 : i32
    } {sc.loop_unroll_factor = 8 : i64, sc.parallel_access}
    %scan3A_537 = arith.constant 0 : i32
    %scan3A_538 = arith.constant 0 : i32
    %scan3A_539 = arith.constant 32 : i32
    %scan3A_540 = arith.addi %scan3A_538, %scan3A_539 : i32
    %scan3A_541 = arith.constant 1 : i32
    %scan3A_542 = scf.for %scan3A_546 = %scan3A_538 to %scan3A_540 step %scan3A_541 iter_args(%scan3A_547 = %scan3A_537) -> (i32)  : i32 {
      %mul3A_548 = arith.constant 32 : i32
      %mul3A_549 = arith.muli %scan3A_546, %mul3A_548 : i32
      %add3A_550 = arith.addi %mul3A_549, %shift_left3A_524 : i32
      %get3A = arith.index_cast %add3A_550 : i32 to index
      %get3A_551 = tpu.vector_load %arg6[%get3A] {strides = array<i32>} : memref<1024xi32, #tpu.memory_space<vmem>>, vector<16xi32>,
      %eq3A = vector.broadcast %and3A_525 : i32 to vector<16xi32>
      %eq3A_552 = arith.cmpi eq, %iota3A, %eq3A : vector<16xi32>
      %jit3A = arith.constant 0 : i32
      %broadcast_in_dim3A_553 = vector.broadcast %jit3A : i32 to vector<16xi32>
      %select_n3A = arith.select %eq3A_552, %get3A_551, %broadcast_in_dim3A_553 : vector<16xi1>, vector<16xi32>
      %reduce_sum3A_554 = arith.constant true
      %reduce_sum3A_555 = vector.broadcast %reduce_sum3A_554 : i1 to vector<16xi1>
      %reduce_sum3A_556 = tpu.scan <sum>, %select_n3A masked %reduce_sum3A_555 : vector<16xi32>, vector<16xi1> -> vector<16xi32>
      %reduce_sum3A_557 = vector.extract %reduce_sum3A_556[15] : i32 from vector<16xi32>
      %add3A_558 = arith.constant 16 : i32
      %add3A_559 = arith.addi %reduce_sum3A_557, %add3A_558 : i32
      %sub3A = arith.constant 1 : i32
      %sub3A_560 = arith.subi %add3A_559, %sub3A : i32
      %jit3A_561 = arith.constant 16 : i32
      %div3A = arith.divsi %sub3A_560, %jit3A_561 : i32
      %sign3A = arith.constant 0 : i32
      %sign3A_562 = arith.cmpi sgt, %sub3A_560, %sign3A : i32
      %sign3A_563 = arith.extui %sign3A_562 : i1 to i32
      %sign3A_564 = arith.constant 0 : i32
      %sign3A_565 = arith.cmpi slt, %sub3A_560, %sign3A_564 : i32
      %sign3A_566 = arith.extui %sign3A_565 : i1 to i32
      %sign3A_567 = arith.subi %sign3A_563, %sign3A_566 : i32
      %sign3A_568 = arith.constant 0 : i32
      %sign3A_569 = arith.cmpi sgt, %jit3A_561, %sign3A_568 : i32
      %sign3A_570 = arith.extui %sign3A_569 : i1 to i32
      %sign3A_571 = arith.constant 0 : i32
      %sign3A_572 = arith.cmpi slt, %jit3A_561, %sign3A_571 : i32
      %sign3A_573 = arith.extui %sign3A_572 : i1 to i32
      %sign3A_574 = arith.subi %sign3A_570, %sign3A_573 : i32
      %ne3A = arith.cmpi ne, %sign3A_567, %sign3A_574 : i32
      %rem3A = arith.remsi %sub3A_560, %jit3A_561 : i32
      %ne3A_575 = arith.constant 0 : i32
      %ne3A_576 = arith.cmpi ne, %rem3A, %ne3A_575 : i32
      %and3A_577 = arith.andi %ne3A, %ne3A_576 : i1
      %sub3A_578 = arith.constant 1 : i32
      %sub3A_579 = arith.subi %div3A, %sub3A_578 : i32
      %select_n3A_580 = arith.select %and3A_577, %sub3A_579, %div3A : i32
      %while3A = arith.constant 0 : i32
      %while3A_581 = arith.constant 0 : i32
      %while3A_582 = arith.subi %select_n3A_580, %while3A : i32
      %while3A_583 = arith.addi %while3A, %while3A_582 : i32
      %while3A_584 = arith.constant 1 : i32
      %while3A_585 = arith.divsi %while3A_582, %while3A_584 : i32
      %while3A_586 = arith.muli %while3A_585, %while3A_584 : i32
      %while3A_587 = arith.addi %while3A, %while3A_586 : i32
      %while3A_588 = arith.constant 1 : i32
      %while3A_589 = scf.for %while3A_593 = %while3A to %while3A_587 step %while3A_588 iter_args(%while3A_594 = %while3A_581) -> (i32)  : i32 {
        %mul3A_595 = arith.constant 320 : i32
        %mul3A_596 = arith.muli %scan3A_546, %mul3A_595 : i32
        %mul3A_597 = arith.constant 16 : i32
        %mul3A_598 = arith.muli %while3A_593, %mul3A_597 : i32
        %add3A_599 = arith.addi %mul3A_596, %mul3A_598 : i32
        %get3A_600 = arith.index_cast %add3A_599 : i32 to index
        %get3A_601 = tpu.vector_load %arg5[%get3A_600] {strides = array<i32>} : memref<10240xi32, #tpu.memory_space<vmem>>, vector<16xi32>,
        %mul3A_602 = arith.constant 16 : i32
        %mul3A_603 = arith.muli %while3A_593, %mul3A_602 : i32
        %add3A_604 = vector.broadcast %mul3A_603 : i32 to vector<16xi32>
        %add3A_605 = arith.addi %add3A_604, %iota3A : vector<16xi32>
        %lt3A = vector.broadcast %reduce_sum3A_557 : i32 to vector<16xi32>
        %lt3A_606 = arith.cmpi slt, %add3A_605, %lt3A : vector<16xi32>
        %shift_right_arithmetic3A_607 = arith.constant 17 : i32
        %shift_right_arithmetic3A_608 = vector.broadcast %shift_right_arithmetic3A_607 : i32 to vector<16xi32>
        %shift_right_arithmetic3A_609 = arith.shrsi %get3A_601, %shift_right_arithmetic3A_608 : vector<16xi32>
        %jit3A_610 = arith.constant 0 : i32
        %broadcast_in_dim3A_611 = vector.broadcast %jit3A_610 : i32 to vector<16xi32>
        %select_n3A_612 = arith.select %lt3A_606, %shift_right_arithmetic3A_609, %broadcast_in_dim3A_611 : vector<16xi1>, vector<16xi32>
        %and3A_613 = arith.constant 131071 : i32
        %and3A_614 = vector.broadcast %and3A_613 : i32 to vector<16xi32>
        %and3A_615 = arith.andi %get3A_601, %and3A_614 : vector<16xi32>
        %mul3A_616 = arith.constant 3072 : i32
        %mul3A_617 = arith.muli %scan3A_546, %mul3A_616 : i32
        %sub3A_618 = vector.broadcast %mul3A_617 : i32 to vector<16xi32>
        %sub3A_619 = arith.subi %and3A_615, %sub3A_618 : vector<16xi32>
        %unique3A, %unique3A_620 = tpu.scan_count mask(%lt3A_606 : vector<16xi1>) value(%select_n3A_612 : vector<16xi32>) : vector<16xi1>, vector<16xi32>
        %gather3A = tpu.vector_load_idx %arg8[%select_n3A_612] : memref<3072xi32, #tpu.memory_space<vmem>>[vector<16xi32>], vector<16xi32>,
        %add3A_621 = vector.broadcast %reduce_sum3A_328 : i32 to vector<16xi32>
        %add3A_622 = arith.addi %add3A_621, %gather3A : vector<16xi32>
        %add3A_623 = arith.addi %add3A_622, %unique3A_620 : vector<16xi32>
        %sub3A_624 = arith.constant 1 : i32
        %sub3A_625 = vector.broadcast %sub3A_624 : i32 to vector<16xi32>
        %sub3A_626 = arith.subi %add3A_623, %sub3A_625 : vector<16xi32>
        tpu.vector_store_idx %arg8[%select_n3A_612], %broadcast_in_dim3A_1 masked %lt3A_606 {add = true} : memref<3072xi32, #tpu.memory_space<vmem>>[vector<16xi32>], vector<16xi32>, vector<16xi1>
        %mul3A_627 = arith.constant 320 : i32
        %mul3A_628 = arith.muli %scan3A_546, %mul3A_627 : i32
        %mul3A_629 = arith.constant 16 : i32
        %mul3A_630 = arith.muli %while3A_593, %mul3A_629 : i32
        %add3A_631 = arith.addi %mul3A_628, %mul3A_630 : i32
        %add3A_632 = vector.broadcast %add3A_631 : i32 to vector<16xi32>
        %add3A_633 = arith.addi %add3A_632, %iota3A : vector<16xi32>
        %shift_left3A_634 = arith.constant 12 : i32
        %shift_left3A_635 = vector.broadcast %shift_left3A_634 : i32 to vector<16xi32>
        %shift_left3A_636 = arith.shli %sub3A_626, %shift_left3A_635 : vector<16xi32>
        %or3A = arith.ori %shift_left3A_636, %sub3A_619 : vector<16xi32>
        tpu.vector_store_idx %arg9[%add3A_633], %or3A masked %lt3A_606 : memref<10240xi32, #tpu.memory_space<vmem>>[vector<16xi32>], vector<16xi32>, vector<16xi1>
        %while3A_637 = arith.constant 0 : i32
        scf.yield %while3A_637 : i32
      }
      %while3A_590 = arith.constant 1 : i32
      %while3A_591 = scf.for %while3A_593 = %while3A_587 to %while3A_583 step %while3A_590 iter_args(%while3A_594 = %while3A_589) -> (i32)  : i32 {
        %mul3A_595 = arith.constant 320 : i32
        %mul3A_596 = arith.muli %scan3A_546, %mul3A_595 : i32
        %mul3A_597 = arith.constant 16 : i32
        %mul3A_598 = arith.muli %while3A_593, %mul3A_597 : i32
        %add3A_599 = arith.addi %mul3A_596, %mul3A_598 : i32
        %get3A_600 = arith.index_cast %add3A_599 : i32 to index
        %get3A_601 = tpu.vector_load %arg5[%get3A_600] {strides = array<i32>} : memref<10240xi32, #tpu.memory_space<vmem>>, vector<16xi32>,
        %mul3A_602 = arith.constant 16 : i32
        %mul3A_603 = arith.muli %while3A_593, %mul3A_602 : i32
        %add3A_604 = vector.broadcast %mul3A_603 : i32 to vector<16xi32>
        %add3A_605 = arith.addi %add3A_604, %iota3A : vector<16xi32>
        %lt3A = vector.broadcast %reduce_sum3A_557 : i32 to vector<16xi32>
        %lt3A_606 = arith.cmpi slt, %add3A_605, %lt3A : vector<16xi32>
        %shift_right_arithmetic3A_607 = arith.constant 17 : i32
        %shift_right_arithmetic3A_608 = vector.broadcast %shift_right_arithmetic3A_607 : i32 to vector<16xi32>
        %shift_right_arithmetic3A_609 = arith.shrsi %get3A_601, %shift_right_arithmetic3A_608 : vector<16xi32>
        %jit3A_610 = arith.constant 0 : i32
        %broadcast_in_dim3A_611 = vector.broadcast %jit3A_610 : i32 to vector<16xi32>
        %select_n3A_612 = arith.select %lt3A_606, %shift_right_arithmetic3A_609, %broadcast_in_dim3A_611 : vector<16xi1>, vector<16xi32>
        %and3A_613 = arith.constant 131071 : i32
        %and3A_614 = vector.broadcast %and3A_613 : i32 to vector<16xi32>
        %and3A_615 = arith.andi %get3A_601, %and3A_614 : vector<16xi32>
        %mul3A_616 = arith.constant 3072 : i32
        %mul3A_617 = arith.muli %scan3A_546, %mul3A_616 : i32
        %sub3A_618 = vector.broadcast %mul3A_617 : i32 to vector<16xi32>
        %sub3A_619 = arith.subi %and3A_615, %sub3A_618 : vector<16xi32>
        %unique3A, %unique3A_620 = tpu.scan_count mask(%lt3A_606 : vector<16xi1>) value(%select_n3A_612 : vector<16xi32>) : vector<16xi1>, vector<16xi32>
        %gather3A = tpu.vector_load_idx %arg8[%select_n3A_612] : memref<3072xi32, #tpu.memory_space<vmem>>[vector<16xi32>], vector<16xi32>,
        %add3A_621 = vector.broadcast %reduce_sum3A_328 : i32 to vector<16xi32>
        %add3A_622 = arith.addi %add3A_621, %gather3A : vector<16xi32>
        %add3A_623 = arith.addi %add3A_622, %unique3A_620 : vector<16xi32>
        %sub3A_624 = arith.constant 1 : i32
        %sub3A_625 = vector.broadcast %sub3A_624 : i32 to vector<16xi32>
        %sub3A_626 = arith.subi %add3A_623, %sub3A_625 : vector<16xi32>
        tpu.vector_store_idx %arg8[%select_n3A_612], %broadcast_in_dim3A_1 masked %lt3A_606 {add = true} : memref<3072xi32, #tpu.memory_space<vmem>>[vector<16xi32>], vector<16xi32>, vector<16xi1>
        %mul3A_627 = arith.constant 320 : i32
        %mul3A_628 = arith.muli %scan3A_546, %mul3A_627 : i32
        %mul3A_629 = arith.constant 16 : i32
        %mul3A_630 = arith.muli %while3A_593, %mul3A_629 : i32
        %add3A_631 = arith.addi %mul3A_628, %mul3A_630 : i32
        %add3A_632 = vector.broadcast %add3A_631 : i32 to vector<16xi32>
        %add3A_633 = arith.addi %add3A_632, %iota3A : vector<16xi32>
        %shift_left3A_634 = arith.constant 12 : i32
        %shift_left3A_635 = vector.broadcast %shift_left3A_634 : i32 to vector<16xi32>
        %shift_left3A_636 = arith.shli %sub3A_626, %shift_left3A_635 : vector<16xi32>
        %or3A = arith.ori %shift_left3A_636, %sub3A_619 : vector<16xi32>
        tpu.vector_store_idx %arg9[%add3A_633], %or3A masked %lt3A_606 : memref<10240xi32, #tpu.memory_space<vmem>>[vector<16xi32>], vector<16xi32>, vector<16xi1>
        %while3A_637 = arith.constant 0 : i32
        scf.yield %while3A_637 : i32
      }
      %scan3A_592 = arith.constant 0 : i32
      scf.yield %scan3A_592 : i32
    }
    %scan3A_543 = arith.constant 32 : i32
    %mul3A_544 = arith.constant 10240 : i32
    %mul3A_545 = arith.muli %add3A, %mul3A_544 : i32
    "tpu.region"() ({
      %run_scoped3A = tpu.sem_alloc : memref<!tpu.dma_semaphore, #tpu.memory_space<semaphore_mem>>
      %dma_start3A_546 = tpu.memref_slice %arg4[%mul3A_545] : memref<327680xi32, #tpu.memory_space<hbm>> -> memref<10240xi32, #tpu.memory_space<hbm>>
      %dma_start3A_547 = tpu.memref_slice %arg4[%mul3A_545] : memref<327680xi32, #tpu.memory_space<hbm>> -> memref<10240xi32, #tpu.memory_space<hbm>>
      tpu.enqueue_dma source(%arg9 : memref<10240xi32, #tpu.memory_space<vmem>>) target(%dma_start3A_547 : memref<10240xi32, #tpu.memory_space<hbm>>) target_semaphore(%run_scoped3A : memref<!tpu.dma_semaphore, #tpu.memory_space<semaphore_mem>>)
      %dma_wait3A_548 = tpu.memref_slice %arg4[%mul3A_545] : memref<327680xi32, #tpu.memory_space<hbm>> -> memref<10240xi32, #tpu.memory_space<hbm>>
      %dma_wait3A_549 = tpu.memref_slice %arg4[%mul3A_545] : memref<327680xi32, #tpu.memory_space<hbm>> -> memref<10240xi32, #tpu.memory_space<hbm>>
      tpu.wait_dma2 semaphore(%run_scoped3A : memref<!tpu.dma_semaphore, #tpu.memory_space<semaphore_mem>>) src(%arg9 : memref<10240xi32, #tpu.memory_space<vmem>>) dst(%dma_wait3A_549 : memref<10240xi32, #tpu.memory_space<hbm>>)
      tpu.yield
    }) : () -> ()
    return
  }
}

#map = affine_map<(d0, d1) -> (0)>
module attributes {stable_mosaic.version = 14 : i64} {
  func.func @_route_body(%arg0: i32, %arg1: i32, %arg2: memref<98304xi32, #tpu.memory_space<hbm>>, %arg3: memref<327680xi32, #tpu.memory_space<hbm>>, %arg4: memref<1024xi32, #tpu.memory_space<hbm>>, %arg5: memref<3072xi32, #tpu.memory_space<vmem>>, %arg6: memref<10240xi32, #tpu.memory_space<vmem>>, %arg7: memref<32xi32, #tpu.memory_space<vmem>>) attributes {dimension_semantics = [#tpu.dimension_semantics<core_parallel>, #tpu.dimension_semantics<subcore_parallel>], iteration_bounds = array<i64: 2, 16>, scalar_prefetch = 0 : i64, scratch_operands = 3 : i64, tpu.core_type = #tpu.core_type<sc_vector_subcore>, window_params = [{transform_indices = #map}, {transform_indices = #map}, {transform_indices = #map}]} {
    %mul3A = arith.constant 2 : i32
    %mul3A_0 = arith.muli %arg1, %mul3A : i32
    %add3A = arith.addi %mul3A_0, %arg0 : i32
    %iota3A = tpu.iota {dimensions = array<i32: 0>} : vector<16xi32>
    %broadcast_in_dim3A = arith.constant 1 : i32
    %broadcast_in_dim3A_1 = vector.broadcast %broadcast_in_dim3A : i32 to vector<16xi32>
    %broadcast_in_dim3A_2 = arith.constant 0 : i32
    %broadcast_in_dim3A_3 = vector.broadcast %broadcast_in_dim3A_2 : i32 to vector<16xi32>
    %mul3A_4 = arith.constant 3072 : i32
    %mul3A_5 = arith.muli %add3A, %mul3A_4 : i32
    "tpu.region"() ({
      %run_scoped3A = tpu.sem_alloc : memref<!tpu.dma_semaphore, #tpu.memory_space<semaphore_mem>>
      %dma_start3A = tpu.memref_slice %arg2[%mul3A_5] : memref<98304xi32, #tpu.memory_space<hbm>> -> memref<3072xi32, #tpu.memory_space<hbm>>
      %dma_start3A_19 = tpu.memref_slice %arg2[%mul3A_5] : memref<98304xi32, #tpu.memory_space<hbm>> -> memref<3072xi32, #tpu.memory_space<hbm>>
      tpu.enqueue_dma source(%dma_start3A_19 : memref<3072xi32, #tpu.memory_space<hbm>>) target(%arg5 : memref<3072xi32, #tpu.memory_space<vmem>>) target_semaphore(%run_scoped3A : memref<!tpu.dma_semaphore, #tpu.memory_space<semaphore_mem>>)
      %dma_wait3A = tpu.memref_slice %arg2[%mul3A_5] : memref<98304xi32, #tpu.memory_space<hbm>> -> memref<3072xi32, #tpu.memory_space<hbm>>
      %dma_wait3A_20 = tpu.memref_slice %arg2[%mul3A_5] : memref<98304xi32, #tpu.memory_space<hbm>> -> memref<3072xi32, #tpu.memory_space<hbm>>
      tpu.wait_dma2 semaphore(%run_scoped3A : memref<!tpu.dma_semaphore, #tpu.memory_space<semaphore_mem>>) src(%dma_wait3A_20 : memref<3072xi32, #tpu.memory_space<hbm>>) dst(%arg5 : memref<3072xi32, #tpu.memory_space<vmem>>)
      tpu.yield
    }) : () -> ()
    %swap3A = arith.constant 0 : index
    %swap3A_6 = tpu.vector_load %arg7[%swap3A] {strides = array<i32>} : memref<32xi32, #tpu.memory_space<vmem>>, vector<16xi32>,
    tpu.vector_store %arg7[%swap3A], %broadcast_in_dim3A_3 {strides = array<i32>} : memref<32xi32, #tpu.memory_space<vmem>>, vector<16xi32>,
    %swap3A_7 = arith.constant 16 : index
    %swap3A_8 = tpu.vector_load %arg7[%swap3A_7] {strides = array<i32>} : memref<32xi32, #tpu.memory_space<vmem>>, vector<16xi32>,
    tpu.vector_store %arg7[%swap3A_7], %broadcast_in_dim3A_3 {strides = array<i32>} : memref<32xi32, #tpu.memory_space<vmem>>, vector<16xi32>,
    %scan3A = arith.constant 0 : i32
    %scan3A_9 = arith.constant 0 : i32
    %scan3A_10 = arith.constant 192 : i32
    %scan3A_11 = arith.addi %scan3A_9, %scan3A_10 : i32
    %scan3A_12 = arith.constant 1 : i32
    %scan3A_13 = scf.for %scan3A_19 = %scan3A_9 to %scan3A_11 step %scan3A_12 iter_args(%scan3A_20 = %scan3A) -> (i32)  : i32 {
      %mul3A_21 = arith.constant 16 : i32
      %mul3A_22 = arith.muli %scan3A_19, %mul3A_21 : i32
      %get3A = arith.index_cast %mul3A_22 : i32 to index
      %get3A_23 = tpu.vector_load %arg5[%get3A] {strides = array<i32>} : memref<3072xi32, #tpu.memory_space<vmem>>, vector<16xi32>,
      %shift_right_arithmetic3A = arith.constant 7 : i32
      %shift_right_arithmetic3A_24 = vector.broadcast %shift_right_arithmetic3A : i32 to vector<16xi32>
      %shift_right_arithmetic3A_25 = arith.shrsi %get3A_23, %shift_right_arithmetic3A_24 : vector<16xi32>
      %mul3A_26 = arith.constant 683 : i32
      %mul3A_27 = vector.broadcast %mul3A_26 : i32 to vector<16xi32>
      %mul3A_28 = arith.muli %shift_right_arithmetic3A_25, %mul3A_27 : vector<16xi32>
      %shift_right_arithmetic3A_29 = arith.constant 14 : i32
      %shift_right_arithmetic3A_30 = vector.broadcast %shift_right_arithmetic3A_29 : i32 to vector<16xi32>
      %shift_right_arithmetic3A_31 = arith.shrsi %mul3A_28, %shift_right_arithmetic3A_30 : vector<16xi32>
      %broadcast_in_dim3A_32 = arith.constant true
      %broadcast_in_dim3A_33 = vector.broadcast %broadcast_in_dim3A_32 : i1 to vector<16xi1>
      %unique3A, %unique3A_34 = tpu.scan_count mask(%broadcast_in_dim3A_33 : vector<16xi1>) value(%shift_right_arithmetic3A_31 : vector<16xi32>) : vector<16xi1>, vector<16xi32>
      %gather3A = tpu.vector_load_idx %arg7[%shift_right_arithmetic3A_31] : memref<32xi32, #tpu.memory_space<vmem>>[vector<16xi32>], vector<16xi32>,
      %mul3A_35 = arith.constant 320 : i32
      %mul3A_36 = vector.broadcast %mul3A_35 : i32 to vector<16xi32>
      %mul3A_37 = arith.muli %shift_right_arithmetic3A_31, %mul3A_36 : vector<16xi32>
      %add3A_38 = arith.addi %mul3A_37, %gather3A : vector<16xi32>
      %add3A_39 = arith.addi %add3A_38, %unique3A_34 : vector<16xi32>
      %sub3A = arith.constant 1 : i32
      %sub3A_40 = vector.broadcast %sub3A : i32 to vector<16xi32>
      %sub3A_41 = arith.subi %add3A_39, %sub3A_40 : vector<16xi32>
      %mul3A_42 = arith.constant 3072 : i32
      %mul3A_43 = vector.broadcast %mul3A_42 : i32 to vector<16xi32>
      %mul3A_44 = arith.muli %shift_right_arithmetic3A_31, %mul3A_43 : vector<16xi32>
      %sub3A_45 = arith.subi %get3A_23, %mul3A_44 : vector<16xi32>
      %shift_left3A = arith.constant 17 : i32
      %shift_left3A_46 = vector.broadcast %shift_left3A : i32 to vector<16xi32>
      %shift_left3A_47 = arith.shli %sub3A_45, %shift_left3A_46 : vector<16xi32>
      %mul3A_48 = arith.constant 3072 : i32
      %mul3A_49 = arith.muli %add3A, %mul3A_48 : i32
      %mul3A_50 = arith.constant 16 : i32
      %mul3A_51 = arith.muli %scan3A_19, %mul3A_50 : i32
      %add3A_52 = arith.addi %mul3A_49, %mul3A_51 : i32
      %add3A_53 = vector.broadcast %add3A_52 : i32 to vector<16xi32>
      %add3A_54 = arith.addi %add3A_53, %iota3A : vector<16xi32>
      %or3A = arith.ori %shift_left3A_47, %add3A_54 : vector<16xi32>
      tpu.vector_store_idx %arg6[%sub3A_41], %or3A : memref<10240xi32, #tpu.memory_space<vmem>>[vector<16xi32>], vector<16xi32>,
      tpu.vector_store_idx %arg7[%shift_right_arithmetic3A_31], %broadcast_in_dim3A_1 {add = true} : memref<32xi32, #tpu.memory_space<vmem>>[vector<16xi32>], vector<16xi32>,
      %scan3A_55 = arith.constant 0 : i32
      scf.yield %scan3A_55 : i32
    }
    %scan3A_14 = arith.constant 192 : i32
    %mul3A_15 = arith.constant 10240 : i32
    %mul3A_16 = arith.muli %add3A, %mul3A_15 : i32
    "tpu.region"() ({
      %run_scoped3A = tpu.sem_alloc : memref<!tpu.dma_semaphore, #tpu.memory_space<semaphore_mem>>
      %dma_start3A = tpu.memref_slice %arg3[%mul3A_16] : memref<327680xi32, #tpu.memory_space<hbm>> -> memref<10240xi32, #tpu.memory_space<hbm>>
      %dma_start3A_19 = tpu.memref_slice %arg3[%mul3A_16] : memref<327680xi32, #tpu.memory_space<hbm>> -> memref<10240xi32, #tpu.memory_space<hbm>>
      tpu.enqueue_dma source(%arg6 : memref<10240xi32, #tpu.memory_space<vmem>>) target(%dma_start3A_19 : memref<10240xi32, #tpu.memory_space<hbm>>) target_semaphore(%run_scoped3A : memref<!tpu.dma_semaphore, #tpu.memory_space<semaphore_mem>>)
      %dma_wait3A = tpu.memref_slice %arg3[%mul3A_16] : memref<327680xi32, #tpu.memory_space<hbm>> -> memref<10240xi32, #tpu.memory_space<hbm>>
      %dma_wait3A_20 = tpu.memref_slice %arg3[%mul3A_16] : memref<327680xi32, #tpu.memory_space<hbm>> -> memref<10240xi32, #tpu.memory_space<hbm>>
      tpu.wait_dma2 semaphore(%run_scoped3A : memref<!tpu.dma_semaphore, #tpu.memory_space<semaphore_mem>>) src(%arg6 : memref<10240xi32, #tpu.memory_space<vmem>>) dst(%dma_wait3A_20 : memref<10240xi32, #tpu.memory_space<hbm>>)
      tpu.yield
    }) : () -> ()
    %mul3A_17 = arith.constant 32 : i32
    %mul3A_18 = arith.muli %add3A, %mul3A_17 : i32
    "tpu.region"() ({
      %run_scoped3A = tpu.sem_alloc : memref<!tpu.dma_semaphore, #tpu.memory_space<semaphore_mem>>
      %dma_start3A = tpu.memref_slice %arg4[%mul3A_18] : memref<1024xi32, #tpu.memory_space<hbm>> -> memref<32xi32, #tpu.memory_space<hbm>>
      %dma_start3A_19 = tpu.memref_slice %arg4[%mul3A_18] : memref<1024xi32, #tpu.memory_space<hbm>> -> memref<32xi32, #tpu.memory_space<hbm>>
      tpu.enqueue_dma source(%arg7 : memref<32xi32, #tpu.memory_space<vmem>>) target(%dma_start3A_19 : memref<32xi32, #tpu.memory_space<hbm>>) target_semaphore(%run_scoped3A : memref<!tpu.dma_semaphore, #tpu.memory_space<semaphore_mem>>)
      %dma_wait3A = tpu.memref_slice %arg4[%mul3A_18] : memref<1024xi32, #tpu.memory_space<hbm>> -> memref<32xi32, #tpu.memory_space<hbm>>
      %dma_wait3A_20 = tpu.memref_slice %arg4[%mul3A_18] : memref<1024xi32, #tpu.memory_space<hbm>> -> memref<32xi32, #tpu.memory_space<hbm>>
      tpu.wait_dma2 semaphore(%run_scoped3A : memref<!tpu.dma_semaphore, #tpu.memory_space<semaphore_mem>>) src(%arg7 : memref<32xi32, #tpu.memory_space<vmem>>) dst(%dma_wait3A_20 : memref<32xi32, #tpu.memory_space<hbm>>)
      tpu.yield
    }) : () -> ()
    return
  }
}

#map = affine_map<(d0, d1) -> (0, 0)>
#map1 = affine_map<(d0, d1) -> (0)>
module attributes {stable_mosaic.version = 14 : i64} {
  func.func @_rows_body(%arg0: i32, %arg1: i32, %arg2: memref<32768x256xf32, #tpu.memory_space<hbm>>, %arg3: memref<32768x256xf32, #tpu.memory_space<hbm>>, %arg4: memref<32768x256xf32, #tpu.memory_space<hbm>>, %arg5: memref<327680xi32, #tpu.memory_space<hbm>>, %arg6: memref<1024xi32, #tpu.memory_space<hbm>>, %arg7: memref<98304x256xf32, #tpu.memory_space<hbm>>, %arg8: memref<10240xi32, #tpu.memory_space<vmem>>, %arg9: memref<1024xi32, #tpu.memory_space<vmem>>, %arg10: memref<3072xi32, #tpu.memory_space<vmem>>, %arg11: memref<128xi32, #tpu.memory_space<vmem>>, %arg12: memref<128x256xf32, #tpu.memory_space<vmem>>, %arg13: memref<!tpu.dma_semaphore, #tpu.memory_space<semaphore_mem>>) attributes {dimension_semantics = [#tpu.dimension_semantics<core_parallel>, #tpu.dimension_semantics<subcore_parallel>], iteration_bounds = array<i64: 2, 16>, scalar_prefetch = 0 : i64, scratch_operands = 6 : i64, tpu.core_type = #tpu.core_type<sc_vector_subcore>, window_params = [{transform_indices = #map}, {transform_indices = #map}, {transform_indices = #map}, {transform_indices = #map1}, {transform_indices = #map1}, {transform_indices = #map}]} {
    %mul3A = arith.constant 2 : i32
    %mul3A_0 = arith.muli %arg1, %mul3A : i32
    %add3A = arith.addi %mul3A_0, %arg0 : i32
    %iota3A = tpu.iota {dimensions = array<i32: 0>} : vector<16xi32>
    %mul3A_1 = arith.constant 3072 : i32
    %mul3A_2 = arith.muli %add3A, %mul3A_1 : i32
    "tpu.region"() ({
      %run_scoped3A = tpu.sem_alloc : memref<!tpu.dma_semaphore, #tpu.memory_space<semaphore_mem>>
      tpu.enqueue_dma source(%arg6 : memref<1024xi32, #tpu.memory_space<hbm>>) target(%arg9 : memref<1024xi32, #tpu.memory_space<vmem>>) target_semaphore(%run_scoped3A : memref<!tpu.dma_semaphore, #tpu.memory_space<semaphore_mem>>)
      tpu.wait_dma2 semaphore(%run_scoped3A : memref<!tpu.dma_semaphore, #tpu.memory_space<semaphore_mem>>) src(%arg6 : memref<1024xi32, #tpu.memory_space<hbm>>) dst(%arg9 : memref<1024xi32, #tpu.memory_space<vmem>>)
      tpu.yield
    }) : () -> ()
    %mul3A_3 = arith.constant 320 : i32
    %mul3A_4 = arith.muli %add3A, %mul3A_3 : i32
    %add3A_5 = arith.constant 0 : i32
    %add3A_6 = arith.addi %add3A_5, %mul3A_4 : i32
    %dma_start3A = arith.constant 0 : i32
    %dma_start3A_7 = tpu.memref_slice %arg8[%dma_start3A] : memref<10240xi32, #tpu.memory_space<vmem>> -> memref<320xi32, #tpu.memory_space<vmem>>
    %dma_start3A_8 = tpu.memref_slice %arg5[%add3A_6] : memref<327680xi32, #tpu.memory_space<hbm>> -> memref<320xi32, #tpu.memory_space<hbm>>
    %dma_start3A_9 = arith.constant 0 : i32
    %dma_start3A_10 = tpu.memref_slice %arg8[%dma_start3A_9] : memref<10240xi32, #tpu.memory_space<vmem>> -> memref<320xi32, #tpu.memory_space<vmem>>
    %dma_start3A_11 = tpu.memref_slice %arg5[%add3A_6] : memref<327680xi32, #tpu.memory_space<hbm>> -> memref<320xi32, #tpu.memory_space<hbm>>
    tpu.enqueue_dma source(%dma_start3A_11 : memref<320xi32, #tpu.memory_space<hbm>>) target(%dma_start3A_10 : memref<320xi32, #tpu.memory_space<vmem>>) target_semaphore(%arg13 : memref<!tpu.dma_semaphore, #tpu.memory_space<semaphore_mem>>)
    %mul3A_12 = arith.constant 320 : i32
    %mul3A_13 = arith.muli %add3A, %mul3A_12 : i32
    %add3A_14 = arith.constant 10240 : i32
    %add3A_15 = arith.addi %add3A_14, %mul3A_13 : i32
    %dma_start3A_16 = arith.constant 320 : i32
    %dma_start3A_17 = tpu.memref_slice %arg8[%dma_start3A_16] : memref<10240xi32, #tpu.memory_space<vmem>> -> memref<320xi32, #tpu.memory_space<vmem>>
    %dma_start3A_18 = tpu.memref_slice %arg5[%add3A_15] : memref<327680xi32, #tpu.memory_space<hbm>> -> memref<320xi32, #tpu.memory_space<hbm>>
    %dma_start3A_19 = arith.constant 320 : i32
    %dma_start3A_20 = tpu.memref_slice %arg8[%dma_start3A_19] : memref<10240xi32, #tpu.memory_space<vmem>> -> memref<320xi32, #tpu.memory_space<vmem>>
    %dma_start3A_21 = tpu.memref_slice %arg5[%add3A_15] : memref<327680xi32, #tpu.memory_space<hbm>> -> memref<320xi32, #tpu.memory_space<hbm>>
    tpu.enqueue_dma source(%dma_start3A_21 : memref<320xi32, #tpu.memory_space<hbm>>) target(%dma_start3A_20 : memref<320xi32, #tpu.memory_space<vmem>>) target_semaphore(%arg13 : memref<!tpu.dma_semaphore, #tpu.memory_space<semaphore_mem>>)
    %mul3A_22 = arith.constant 320 : i32
    %mul3A_23 = arith.muli %add3A, %mul3A_22 : i32
    %add3A_24 = arith.constant 20480 : i32
    %add3A_25 = arith.addi %add3A_24, %mul3A_23 : i32
    %dma_start3A_26 = arith.constant 640 : i32
    %dma_start3A_27 = tpu.memref_slice %arg8[%dma_start3A_26] : memref<10240xi32, #tpu.memory_space<vmem>> -> memref<320xi32, #tpu.memory_space<vmem>>
    %dma_start3A_28 = tpu.memref_slice %arg5[%add3A_25] : memref<327680xi32, #tpu.memory_space<hbm>> -> memref<320xi32, #tpu.memory_space<hbm>>
    %dma_start3A_29 = arith.constant 640 : i32
    %dma_start3A_30 = tpu.memref_slice %arg8[%dma_start3A_29] : memref<10240xi32, #tpu.memory_space<vmem>> -> memref<320xi32, #tpu.memory_space<vmem>>
    %dma_start3A_31 = tpu.memref_slice %arg5[%add3A_25] : memref<327680xi32, #tpu.memory_space<hbm>> -> memref<320xi32, #tpu.memory_space<hbm>>
    tpu.enqueue_dma source(%dma_start3A_31 : memref<320xi32, #tpu.memory_space<hbm>>) target(%dma_start3A_30 : memref<320xi32, #tpu.memory_space<vmem>>) target_semaphore(%arg13 : memref<!tpu.dma_semaphore, #tpu.memory_space<semaphore_mem>>)
    %mul3A_32 = arith.constant 320 : i32
    %mul3A_33 = arith.muli %add3A, %mul3A_32 : i32
    %add3A_34 = arith.constant 30720 : i32
    %add3A_35 = arith.addi %add3A_34, %mul3A_33 : i32
    %dma_start3A_36 = arith.constant 960 : i32
    %dma_start3A_37 = tpu.memref_slice %arg8[%dma_start3A_36] : memref<10240xi32, #tpu.memory_space<vmem>> -> memref<320xi32, #tpu.memory_space<vmem>>
    %dma_start3A_38 = tpu.memref_slice %arg5[%add3A_35] : memref<327680xi32, #tpu.memory_space<hbm>> -> memref<320xi32, #tpu.memory_space<hbm>>
    %dma_start3A_39 = arith.constant 960 : i32
    %dma_start3A_40 = tpu.memref_slice %arg8[%dma_start3A_39] : memref<10240xi32, #tpu.memory_space<vmem>> -> memref<320xi32, #tpu.memory_space<vmem>>
    %dma_start3A_41 = tpu.memref_slice %arg5[%add3A_35] : memref<327680xi32, #tpu.memory_space<hbm>> -> memref<320xi32, #tpu.memory_space<hbm>>
    tpu.enqueue_dma source(%dma_start3A_41 : memref<320xi32, #tpu.memory_space<hbm>>) target(%dma_start3A_40 : memref<320xi32, #tpu.memory_space<vmem>>) target_semaphore(%arg13 : memref<!tpu.dma_semaphore, #tpu.memory_space<semaphore_mem>>)
    %mul3A_42 = arith.constant 320 : i32
    %mul3A_43 = arith.muli %add3A, %mul3A_42 : i32
    %add3A_44 = arith.constant 40960 : i32
    %add3A_45 = arith.addi %add3A_44, %mul3A_43 : i32
    %dma_start3A_46 = arith.constant 1280 : i32
    %dma_start3A_47 = tpu.memref_slice %arg8[%dma_start3A_46] : memref<10240xi32, #tpu.memory_space<vmem>> -> memref<320xi32, #tpu.memory_space<vmem>>
    %dma_start3A_48 = tpu.memref_slice %arg5[%add3A_45] : memref<327680xi32, #tpu.memory_space<hbm>> -> memref<320xi32, #tpu.memory_space<hbm>>
    %dma_start3A_49 = arith.constant 1280 : i32
    %dma_start3A_50 = tpu.memref_slice %arg8[%dma_start3A_49] : memref<10240xi32, #tpu.memory_space<vmem>> -> memref<320xi32, #tpu.memory_space<vmem>>
    %dma_start3A_51 = tpu.memref_slice %arg5[%add3A_45] : memref<327680xi32, #tpu.memory_space<hbm>> -> memref<320xi32, #tpu.memory_space<hbm>>
    tpu.enqueue_dma source(%dma_start3A_51 : memref<320xi32, #tpu.memory_space<hbm>>) target(%dma_start3A_50 : memref<320xi32, #tpu.memory_space<vmem>>) target_semaphore(%arg13 : memref<!tpu.dma_semaphore, #tpu.memory_space<semaphore_mem>>)
    %mul3A_52 = arith.constant 320 : i32
    %mul3A_53 = arith.muli %add3A, %mul3A_52 : i32
    %add3A_54 = arith.constant 51200 : i32
    %add3A_55 = arith.addi %add3A_54, %mul3A_53 : i32
    %dma_start3A_56 = arith.constant 1600 : i32
    %dma_start3A_57 = tpu.memref_slice %arg8[%dma_start3A_56] : memref<10240xi32, #tpu.memory_space<vmem>> -> memref<320xi32, #tpu.memory_space<vmem>>
    %dma_start3A_58 = tpu.memref_slice %arg5[%add3A_55] : memref<327680xi32, #tpu.memory_space<hbm>> -> memref<320xi32, #tpu.memory_space<hbm>>
    %dma_start3A_59 = arith.constant 1600 : i32
    %dma_start3A_60 = tpu.memref_slice %arg8[%dma_start3A_59] : memref<10240xi32, #tpu.memory_space<vmem>> -> memref<320xi32, #tpu.memory_space<vmem>>
    %dma_start3A_61 = tpu.memref_slice %arg5[%add3A_55] : memref<327680xi32, #tpu.memory_space<hbm>> -> memref<320xi32, #tpu.memory_space<hbm>>
    tpu.enqueue_dma source(%dma_start3A_61 : memref<320xi32, #tpu.memory_space<hbm>>) target(%dma_start3A_60 : memref<320xi32, #tpu.memory_space<vmem>>) target_semaphore(%arg13 : memref<!tpu.dma_semaphore, #tpu.memory_space<semaphore_mem>>)
    %mul3A_62 = arith.constant 320 : i32
    %mul3A_63 = arith.muli %add3A, %mul3A_62 : i32
    %add3A_64 = arith.constant 61440 : i32
    %add3A_65 = arith.addi %add3A_64, %mul3A_63 : i32
    %dma_start3A_66 = arith.constant 1920 : i32
    %dma_start3A_67 = tpu.memref_slice %arg8[%dma_start3A_66] : memref<10240xi32, #tpu.memory_space<vmem>> -> memref<320xi32, #tpu.memory_space<vmem>>
    %dma_start3A_68 = tpu.memref_slice %arg5[%add3A_65] : memref<327680xi32, #tpu.memory_space<hbm>> -> memref<320xi32, #tpu.memory_space<hbm>>
    %dma_start3A_69 = arith.constant 1920 : i32
    %dma_start3A_70 = tpu.memref_slice %arg8[%dma_start3A_69] : memref<10240xi32, #tpu.memory_space<vmem>> -> memref<320xi32, #tpu.memory_space<vmem>>
    %dma_start3A_71 = tpu.memref_slice %arg5[%add3A_65] : memref<327680xi32, #tpu.memory_space<hbm>> -> memref<320xi32, #tpu.memory_space<hbm>>
    tpu.enqueue_dma source(%dma_start3A_71 : memref<320xi32, #tpu.memory_space<hbm>>) target(%dma_start3A_70 : memref<320xi32, #tpu.memory_space<vmem>>) target_semaphore(%arg13 : memref<!tpu.dma_semaphore, #tpu.memory_space<semaphore_mem>>)
    %mul3A_72 = arith.constant 320 : i32
    %mul3A_73 = arith.muli %add3A, %mul3A_72 : i32
    %add3A_74 = arith.constant 71680 : i32
    %add3A_75 = arith.addi %add3A_74, %mul3A_73 : i32
    %dma_start3A_76 = arith.constant 2240 : i32
    %dma_start3A_77 = tpu.memref_slice %arg8[%dma_start3A_76] : memref<10240xi32, #tpu.memory_space<vmem>> -> memref<320xi32, #tpu.memory_space<vmem>>
    %dma_start3A_78 = tpu.memref_slice %arg5[%add3A_75] : memref<327680xi32, #tpu.memory_space<hbm>> -> memref<320xi32, #tpu.memory_space<hbm>>
    %dma_start3A_79 = arith.constant 2240 : i32
    %dma_start3A_80 = tpu.memref_slice %arg8[%dma_start3A_79] : memref<10240xi32, #tpu.memory_space<vmem>> -> memref<320xi32, #tpu.memory_space<vmem>>
    %dma_start3A_81 = tpu.memref_slice %arg5[%add3A_75] : memref<327680xi32, #tpu.memory_space<hbm>> -> memref<320xi32, #tpu.memory_space<hbm>>
    tpu.enqueue_dma source(%dma_start3A_81 : memref<320xi32, #tpu.memory_space<hbm>>) target(%dma_start3A_80 : memref<320xi32, #tpu.memory_space<vmem>>) target_semaphore(%arg13 : memref<!tpu.dma_semaphore, #tpu.memory_space<semaphore_mem>>)
    %mul3A_82 = arith.constant 320 : i32
    %mul3A_83 = arith.muli %add3A, %mul3A_82 : i32
    %add3A_84 = arith.constant 81920 : i32
    %add3A_85 = arith.addi %add3A_84, %mul3A_83 : i32
    %dma_start3A_86 = arith.constant 2560 : i32
    %dma_start3A_87 = tpu.memref_slice %arg8[%dma_start3A_86] : memref<10240xi32, #tpu.memory_space<vmem>> -> memref<320xi32, #tpu.memory_space<vmem>>
    %dma_start3A_88 = tpu.memref_slice %arg5[%add3A_85] : memref<327680xi32, #tpu.memory_space<hbm>> -> memref<320xi32, #tpu.memory_space<hbm>>
    %dma_start3A_89 = arith.constant 2560 : i32
    %dma_start3A_90 = tpu.memref_slice %arg8[%dma_start3A_89] : memref<10240xi32, #tpu.memory_space<vmem>> -> memref<320xi32, #tpu.memory_space<vmem>>
    %dma_start3A_91 = tpu.memref_slice %arg5[%add3A_85] : memref<327680xi32, #tpu.memory_space<hbm>> -> memref<320xi32, #tpu.memory_space<hbm>>
    tpu.enqueue_dma source(%dma_start3A_91 : memref<320xi32, #tpu.memory_space<hbm>>) target(%dma_start3A_90 : memref<320xi32, #tpu.memory_space<vmem>>) target_semaphore(%arg13 : memref<!tpu.dma_semaphore, #tpu.memory_space<semaphore_mem>>)
    %mul3A_92 = arith.constant 320 : i32
    %mul3A_93 = arith.muli %add3A, %mul3A_92 : i32
    %add3A_94 = arith.constant 92160 : i32
    %add3A_95 = arith.addi %add3A_94, %mul3A_93 : i32
    %dma_start3A_96 = arith.constant 2880 : i32
    %dma_start3A_97 = tpu.memref_slice %arg8[%dma_start3A_96] : memref<10240xi32, #tpu.memory_space<vmem>> -> memref<320xi32, #tpu.memory_space<vmem>>
    %dma_start3A_98 = tpu.memref_slice %arg5[%add3A_95] : memref<327680xi32, #tpu.memory_space<hbm>> -> memref<320xi32, #tpu.memory_space<hbm>>
    %dma_start3A_99 = arith.constant 2880 : i32
    %dma_start3A_100 = tpu.memref_slice %arg8[%dma_start3A_99] : memref<10240xi32, #tpu.memory_space<vmem>> -> memref<320xi32, #tpu.memory_space<vmem>>
    %dma_start3A_101 = tpu.memref_slice %arg5[%add3A_95] : memref<327680xi32, #tpu.memory_space<hbm>> -> memref<320xi32, #tpu.memory_space<hbm>>
    tpu.enqueue_dma source(%dma_start3A_101 : memref<320xi32, #tpu.memory_space<hbm>>) target(%dma_start3A_100 : memref<320xi32, #tpu.memory_space<vmem>>) target_semaphore(%arg13 : memref<!tpu.dma_semaphore, #tpu.memory_space<semaphore_mem>>)
    %mul3A_102 = arith.constant 320 : i32
    %mul3A_103 = arith.muli %add3A, %mul3A_102 : i32
    %add3A_104 = arith.constant 102400 : i32
    %add3A_105 = arith.addi %add3A_104, %mul3A_103 : i32
    %dma_start3A_106 = arith.constant 3200 : i32
    %dma_start3A_107 = tpu.memref_slice %arg8[%dma_start3A_106] : memref<10240xi32, #tpu.memory_space<vmem>> -> memref<320xi32, #tpu.memory_space<vmem>>
    %dma_start3A_108 = tpu.memref_slice %arg5[%add3A_105] : memref<327680xi32, #tpu.memory_space<hbm>> -> memref<320xi32, #tpu.memory_space<hbm>>
    %dma_start3A_109 = arith.constant 3200 : i32
    %dma_start3A_110 = tpu.memref_slice %arg8[%dma_start3A_109] : memref<10240xi32, #tpu.memory_space<vmem>> -> memref<320xi32, #tpu.memory_space<vmem>>
    %dma_start3A_111 = tpu.memref_slice %arg5[%add3A_105] : memref<327680xi32, #tpu.memory_space<hbm>> -> memref<320xi32, #tpu.memory_space<hbm>>
    tpu.enqueue_dma source(%dma_start3A_111 : memref<320xi32, #tpu.memory_space<hbm>>) target(%dma_start3A_110 : memref<320xi32, #tpu.memory_space<vmem>>) target_semaphore(%arg13 : memref<!tpu.dma_semaphore, #tpu.memory_space<semaphore_mem>>)
    %mul3A_112 = arith.constant 320 : i32
    %mul3A_113 = arith.muli %add3A, %mul3A_112 : i32
    %add3A_114 = arith.constant 112640 : i32
    %add3A_115 = arith.addi %add3A_114, %mul3A_113 : i32
    %dma_start3A_116 = arith.constant 3520 : i32
    %dma_start3A_117 = tpu.memref_slice %arg8[%dma_start3A_116] : memref<10240xi32, #tpu.memory_space<vmem>> -> memref<320xi32, #tpu.memory_space<vmem>>
    %dma_start3A_118 = tpu.memref_slice %arg5[%add3A_115] : memref<327680xi32, #tpu.memory_space<hbm>> -> memref<320xi32, #tpu.memory_space<hbm>>
    %dma_start3A_119 = arith.constant 3520 : i32
    %dma_start3A_120 = tpu.memref_slice %arg8[%dma_start3A_119] : memref<10240xi32, #tpu.memory_space<vmem>> -> memref<320xi32, #tpu.memory_space<vmem>>
    %dma_start3A_121 = tpu.memref_slice %arg5[%add3A_115] : memref<327680xi32, #tpu.memory_space<hbm>> -> memref<320xi32, #tpu.memory_space<hbm>>
    tpu.enqueue_dma source(%dma_start3A_121 : memref<320xi32, #tpu.memory_space<hbm>>) target(%dma_start3A_120 : memref<320xi32, #tpu.memory_space<vmem>>) target_semaphore(%arg13 : memref<!tpu.dma_semaphore, #tpu.memory_space<semaphore_mem>>)
    %mul3A_122 = arith.constant 320 : i32
    %mul3A_123 = arith.muli %add3A, %mul3A_122 : i32
    %add3A_124 = arith.constant 122880 : i32
    %add3A_125 = arith.addi %add3A_124, %mul3A_123 : i32
    %dma_start3A_126 = arith.constant 3840 : i32
    %dma_start3A_127 = tpu.memref_slice %arg8[%dma_start3A_126] : memref<10240xi32, #tpu.memory_space<vmem>> -> memref<320xi32, #tpu.memory_space<vmem>>
    %dma_start3A_128 = tpu.memref_slice %arg5[%add3A_125] : memref<327680xi32, #tpu.memory_space<hbm>> -> memref<320xi32, #tpu.memory_space<hbm>>
    %dma_start3A_129 = arith.constant 3840 : i32
    %dma_start3A_130 = tpu.memref_slice %arg8[%dma_start3A_129] : memref<10240xi32, #tpu.memory_space<vmem>> -> memref<320xi32, #tpu.memory_space<vmem>>
    %dma_start3A_131 = tpu.memref_slice %arg5[%add3A_125] : memref<327680xi32, #tpu.memory_space<hbm>> -> memref<320xi32, #tpu.memory_space<hbm>>
    tpu.enqueue_dma source(%dma_start3A_131 : memref<320xi32, #tpu.memory_space<hbm>>) target(%dma_start3A_130 : memref<320xi32, #tpu.memory_space<vmem>>) target_semaphore(%arg13 : memref<!tpu.dma_semaphore, #tpu.memory_space<semaphore_mem>>)
    %mul3A_132 = arith.constant 320 : i32
    %mul3A_133 = arith.muli %add3A, %mul3A_132 : i32
    %add3A_134 = arith.constant 133120 : i32
    %add3A_135 = arith.addi %add3A_134, %mul3A_133 : i32
    %dma_start3A_136 = arith.constant 4160 : i32
    %dma_start3A_137 = tpu.memref_slice %arg8[%dma_start3A_136] : memref<10240xi32, #tpu.memory_space<vmem>> -> memref<320xi32, #tpu.memory_space<vmem>>
    %dma_start3A_138 = tpu.memref_slice %arg5[%add3A_135] : memref<327680xi32, #tpu.memory_space<hbm>> -> memref<320xi32, #tpu.memory_space<hbm>>
    %dma_start3A_139 = arith.constant 4160 : i32
    %dma_start3A_140 = tpu.memref_slice %arg8[%dma_start3A_139] : memref<10240xi32, #tpu.memory_space<vmem>> -> memref<320xi32, #tpu.memory_space<vmem>>
    %dma_start3A_141 = tpu.memref_slice %arg5[%add3A_135] : memref<327680xi32, #tpu.memory_space<hbm>> -> memref<320xi32, #tpu.memory_space<hbm>>
    tpu.enqueue_dma source(%dma_start3A_141 : memref<320xi32, #tpu.memory_space<hbm>>) target(%dma_start3A_140 : memref<320xi32, #tpu.memory_space<vmem>>) target_semaphore(%arg13 : memref<!tpu.dma_semaphore, #tpu.memory_space<semaphore_mem>>)
    %mul3A_142 = arith.constant 320 : i32
    %mul3A_143 = arith.muli %add3A, %mul3A_142 : i32
    %add3A_144 = arith.constant 143360 : i32
    %add3A_145 = arith.addi %add3A_144, %mul3A_143 : i32
    %dma_start3A_146 = arith.constant 4480 : i32
    %dma_start3A_147 = tpu.memref_slice %arg8[%dma_start3A_146] : memref<10240xi32, #tpu.memory_space<vmem>> -> memref<320xi32, #tpu.memory_space<vmem>>
    %dma_start3A_148 = tpu.memref_slice %arg5[%add3A_145] : memref<327680xi32, #tpu.memory_space<hbm>> -> memref<320xi32, #tpu.memory_space<hbm>>
    %dma_start3A_149 = arith.constant 4480 : i32
    %dma_start3A_150 = tpu.memref_slice %arg8[%dma_start3A_149] : memref<10240xi32, #tpu.memory_space<vmem>> -> memref<320xi32, #tpu.memory_space<vmem>>
    %dma_start3A_151 = tpu.memref_slice %arg5[%add3A_145] : memref<327680xi32, #tpu.memory_space<hbm>> -> memref<320xi32, #tpu.memory_space<hbm>>
    tpu.enqueue_dma source(%dma_start3A_151 : memref<320xi32, #tpu.memory_space<hbm>>) target(%dma_start3A_150 : memref<320xi32, #tpu.memory_space<vmem>>) target_semaphore(%arg13 : memref<!tpu.dma_semaphore, #tpu.memory_space<semaphore_mem>>)
    %mul3A_152 = arith.constant 320 : i32
    %mul3A_153 = arith.muli %add3A, %mul3A_152 : i32
    %add3A_154 = arith.constant 153600 : i32
    %add3A_155 = arith.addi %add3A_154, %mul3A_153 : i32
    %dma_start3A_156 = arith.constant 4800 : i32
    %dma_start3A_157 = tpu.memref_slice %arg8[%dma_start3A_156] : memref<10240xi32, #tpu.memory_space<vmem>> -> memref<320xi32, #tpu.memory_space<vmem>>
    %dma_start3A_158 = tpu.memref_slice %arg5[%add3A_155] : memref<327680xi32, #tpu.memory_space<hbm>> -> memref<320xi32, #tpu.memory_space<hbm>>
    %dma_start3A_159 = arith.constant 4800 : i32
    %dma_start3A_160 = tpu.memref_slice %arg8[%dma_start3A_159] : memref<10240xi32, #tpu.memory_space<vmem>> -> memref<320xi32, #tpu.memory_space<vmem>>
    %dma_start3A_161 = tpu.memref_slice %arg5[%add3A_155] : memref<327680xi32, #tpu.memory_space<hbm>> -> memref<320xi32, #tpu.memory_space<hbm>>
    tpu.enqueue_dma source(%dma_start3A_161 : memref<320xi32, #tpu.memory_space<hbm>>) target(%dma_start3A_160 : memref<320xi32, #tpu.memory_space<vmem>>) target_semaphore(%arg13 : memref<!tpu.dma_semaphore, #tpu.memory_space<semaphore_mem>>)
    %mul3A_162 = arith.constant 320 : i32
    %mul3A_163 = arith.muli %add3A, %mul3A_162 : i32
    %add3A_164 = arith.constant 163840 : i32
    %add3A_165 = arith.addi %add3A_164, %mul3A_163 : i32
    %dma_start3A_166 = arith.constant 5120 : i32
    %dma_start3A_167 = tpu.memref_slice %arg8[%dma_start3A_166] : memref<10240xi32, #tpu.memory_space<vmem>> -> memref<320xi32, #tpu.memory_space<vmem>>
    %dma_start3A_168 = tpu.memref_slice %arg5[%add3A_165] : memref<327680xi32, #tpu.memory_space<hbm>> -> memref<320xi32, #tpu.memory_space<hbm>>
    %dma_start3A_169 = arith.constant 5120 : i32
    %dma_start3A_170 = tpu.memref_slice %arg8[%dma_start3A_169] : memref<10240xi32, #tpu.memory_space<vmem>> -> memref<320xi32, #tpu.memory_space<vmem>>
    %dma_start3A_171 = tpu.memref_slice %arg5[%add3A_165] : memref<327680xi32, #tpu.memory_space<hbm>> -> memref<320xi32, #tpu.memory_space<hbm>>
    tpu.enqueue_dma source(%dma_start3A_171 : memref<320xi32, #tpu.memory_space<hbm>>) target(%dma_start3A_170 : memref<320xi32, #tpu.memory_space<vmem>>) target_semaphore(%arg13 : memref<!tpu.dma_semaphore, #tpu.memory_space<semaphore_mem>>)
    %mul3A_172 = arith.constant 320 : i32
    %mul3A_173 = arith.muli %add3A, %mul3A_172 : i32
    %add3A_174 = arith.constant 174080 : i32
    %add3A_175 = arith.addi %add3A_174, %mul3A_173 : i32
    %dma_start3A_176 = arith.constant 5440 : i32
    %dma_start3A_177 = tpu.memref_slice %arg8[%dma_start3A_176] : memref<10240xi32, #tpu.memory_space<vmem>> -> memref<320xi32, #tpu.memory_space<vmem>>
    %dma_start3A_178 = tpu.memref_slice %arg5[%add3A_175] : memref<327680xi32, #tpu.memory_space<hbm>> -> memref<320xi32, #tpu.memory_space<hbm>>
    %dma_start3A_179 = arith.constant 5440 : i32
    %dma_start3A_180 = tpu.memref_slice %arg8[%dma_start3A_179] : memref<10240xi32, #tpu.memory_space<vmem>> -> memref<320xi32, #tpu.memory_space<vmem>>
    %dma_start3A_181 = tpu.memref_slice %arg5[%add3A_175] : memref<327680xi32, #tpu.memory_space<hbm>> -> memref<320xi32, #tpu.memory_space<hbm>>
    tpu.enqueue_dma source(%dma_start3A_181 : memref<320xi32, #tpu.memory_space<hbm>>) target(%dma_start3A_180 : memref<320xi32, #tpu.memory_space<vmem>>) target_semaphore(%arg13 : memref<!tpu.dma_semaphore, #tpu.memory_space<semaphore_mem>>)
    %mul3A_182 = arith.constant 320 : i32
    %mul3A_183 = arith.muli %add3A, %mul3A_182 : i32
    %add3A_184 = arith.constant 184320 : i32
    %add3A_185 = arith.addi %add3A_184, %mul3A_183 : i32
    %dma_start3A_186 = arith.constant 5760 : i32
    %dma_start3A_187 = tpu.memref_slice %arg8[%dma_start3A_186] : memref<10240xi32, #tpu.memory_space<vmem>> -> memref<320xi32, #tpu.memory_space<vmem>>
    %dma_start3A_188 = tpu.memref_slice %arg5[%add3A_185] : memref<327680xi32, #tpu.memory_space<hbm>> -> memref<320xi32, #tpu.memory_space<hbm>>
    %dma_start3A_189 = arith.constant 5760 : i32
    %dma_start3A_190 = tpu.memref_slice %arg8[%dma_start3A_189] : memref<10240xi32, #tpu.memory_space<vmem>> -> memref<320xi32, #tpu.memory_space<vmem>>
    %dma_start3A_191 = tpu.memref_slice %arg5[%add3A_185] : memref<327680xi32, #tpu.memory_space<hbm>> -> memref<320xi32, #tpu.memory_space<hbm>>
    tpu.enqueue_dma source(%dma_start3A_191 : memref<320xi32, #tpu.memory_space<hbm>>) target(%dma_start3A_190 : memref<320xi32, #tpu.memory_space<vmem>>) target_semaphore(%arg13 : memref<!tpu.dma_semaphore, #tpu.memory_space<semaphore_mem>>)
    %mul3A_192 = arith.constant 320 : i32
    %mul3A_193 = arith.muli %add3A, %mul3A_192 : i32
    %add3A_194 = arith.constant 194560 : i32
    %add3A_195 = arith.addi %add3A_194, %mul3A_193 : i32
    %dma_start3A_196 = arith.constant 6080 : i32
    %dma_start3A_197 = tpu.memref_slice %arg8[%dma_start3A_196] : memref<10240xi32, #tpu.memory_space<vmem>> -> memref<320xi32, #tpu.memory_space<vmem>>
    %dma_start3A_198 = tpu.memref_slice %arg5[%add3A_195] : memref<327680xi32, #tpu.memory_space<hbm>> -> memref<320xi32, #tpu.memory_space<hbm>>
    %dma_start3A_199 = arith.constant 6080 : i32
    %dma_start3A_200 = tpu.memref_slice %arg8[%dma_start3A_199] : memref<10240xi32, #tpu.memory_space<vmem>> -> memref<320xi32, #tpu.memory_space<vmem>>
    %dma_start3A_201 = tpu.memref_slice %arg5[%add3A_195] : memref<327680xi32, #tpu.memory_space<hbm>> -> memref<320xi32, #tpu.memory_space<hbm>>
    tpu.enqueue_dma source(%dma_start3A_201 : memref<320xi32, #tpu.memory_space<hbm>>) target(%dma_start3A_200 : memref<320xi32, #tpu.memory_space<vmem>>) target_semaphore(%arg13 : memref<!tpu.dma_semaphore, #tpu.memory_space<semaphore_mem>>)
    %mul3A_202 = arith.constant 320 : i32
    %mul3A_203 = arith.muli %add3A, %mul3A_202 : i32
    %add3A_204 = arith.constant 204800 : i32
    %add3A_205 = arith.addi %add3A_204, %mul3A_203 : i32
    %dma_start3A_206 = arith.constant 6400 : i32
    %dma_start3A_207 = tpu.memref_slice %arg8[%dma_start3A_206] : memref<10240xi32, #tpu.memory_space<vmem>> -> memref<320xi32, #tpu.memory_space<vmem>>
    %dma_start3A_208 = tpu.memref_slice %arg5[%add3A_205] : memref<327680xi32, #tpu.memory_space<hbm>> -> memref<320xi32, #tpu.memory_space<hbm>>
    %dma_start3A_209 = arith.constant 6400 : i32
    %dma_start3A_210 = tpu.memref_slice %arg8[%dma_start3A_209] : memref<10240xi32, #tpu.memory_space<vmem>> -> memref<320xi32, #tpu.memory_space<vmem>>
    %dma_start3A_211 = tpu.memref_slice %arg5[%add3A_205] : memref<327680xi32, #tpu.memory_space<hbm>> -> memref<320xi32, #tpu.memory_space<hbm>>
    tpu.enqueue_dma source(%dma_start3A_211 : memref<320xi32, #tpu.memory_space<hbm>>) target(%dma_start3A_210 : memref<320xi32, #tpu.memory_space<vmem>>) target_semaphore(%arg13 : memref<!tpu.dma_semaphore, #tpu.memory_space<semaphore_mem>>)
    %mul3A_212 = arith.constant 320 : i32
    %mul3A_213 = arith.muli %add3A, %mul3A_212 : i32
    %add3A_214 = arith.constant 215040 : i32
    %add3A_215 = arith.addi %add3A_214, %mul3A_213 : i32
    %dma_start3A_216 = arith.constant 6720 : i32
    %dma_start3A_217 = tpu.memref_slice %arg8[%dma_start3A_216] : memref<10240xi32, #tpu.memory_space<vmem>> -> memref<320xi32, #tpu.memory_space<vmem>>
    %dma_start3A_218 = tpu.memref_slice %arg5[%add3A_215] : memref<327680xi32, #tpu.memory_space<hbm>> -> memref<320xi32, #tpu.memory_space<hbm>>
    %dma_start3A_219 = arith.constant 6720 : i32
    %dma_start3A_220 = tpu.memref_slice %arg8[%dma_start3A_219] : memref<10240xi32, #tpu.memory_space<vmem>> -> memref<320xi32, #tpu.memory_space<vmem>>
    %dma_start3A_221 = tpu.memref_slice %arg5[%add3A_215] : memref<327680xi32, #tpu.memory_space<hbm>> -> memref<320xi32, #tpu.memory_space<hbm>>
    tpu.enqueue_dma source(%dma_start3A_221 : memref<320xi32, #tpu.memory_space<hbm>>) target(%dma_start3A_220 : memref<320xi32, #tpu.memory_space<vmem>>) target_semaphore(%arg13 : memref<!tpu.dma_semaphore, #tpu.memory_space<semaphore_mem>>)
    %mul3A_222 = arith.constant 320 : i32
    %mul3A_223 = arith.muli %add3A, %mul3A_222 : i32
    %add3A_224 = arith.constant 225280 : i32
    %add3A_225 = arith.addi %add3A_224, %mul3A_223 : i32
    %dma_start3A_226 = arith.constant 7040 : i32
    %dma_start3A_227 = tpu.memref_slice %arg8[%dma_start3A_226] : memref<10240xi32, #tpu.memory_space<vmem>> -> memref<320xi32, #tpu.memory_space<vmem>>
    %dma_start3A_228 = tpu.memref_slice %arg5[%add3A_225] : memref<327680xi32, #tpu.memory_space<hbm>> -> memref<320xi32, #tpu.memory_space<hbm>>
    %dma_start3A_229 = arith.constant 7040 : i32
    %dma_start3A_230 = tpu.memref_slice %arg8[%dma_start3A_229] : memref<10240xi32, #tpu.memory_space<vmem>> -> memref<320xi32, #tpu.memory_space<vmem>>
    %dma_start3A_231 = tpu.memref_slice %arg5[%add3A_225] : memref<327680xi32, #tpu.memory_space<hbm>> -> memref<320xi32, #tpu.memory_space<hbm>>
    tpu.enqueue_dma source(%dma_start3A_231 : memref<320xi32, #tpu.memory_space<hbm>>) target(%dma_start3A_230 : memref<320xi32, #tpu.memory_space<vmem>>) target_semaphore(%arg13 : memref<!tpu.dma_semaphore, #tpu.memory_space<semaphore_mem>>)
    %mul3A_232 = arith.constant 320 : i32
    %mul3A_233 = arith.muli %add3A, %mul3A_232 : i32
    %add3A_234 = arith.constant 235520 : i32
    %add3A_235 = arith.addi %add3A_234, %mul3A_233 : i32
    %dma_start3A_236 = arith.constant 7360 : i32
    %dma_start3A_237 = tpu.memref_slice %arg8[%dma_start3A_236] : memref<10240xi32, #tpu.memory_space<vmem>> -> memref<320xi32, #tpu.memory_space<vmem>>
    %dma_start3A_238 = tpu.memref_slice %arg5[%add3A_235] : memref<327680xi32, #tpu.memory_space<hbm>> -> memref<320xi32, #tpu.memory_space<hbm>>
    %dma_start3A_239 = arith.constant 7360 : i32
    %dma_start3A_240 = tpu.memref_slice %arg8[%dma_start3A_239] : memref<10240xi32, #tpu.memory_space<vmem>> -> memref<320xi32, #tpu.memory_space<vmem>>
    %dma_start3A_241 = tpu.memref_slice %arg5[%add3A_235] : memref<327680xi32, #tpu.memory_space<hbm>> -> memref<320xi32, #tpu.memory_space<hbm>>
    tpu.enqueue_dma source(%dma_start3A_241 : memref<320xi32, #tpu.memory_space<hbm>>) target(%dma_start3A_240 : memref<320xi32, #tpu.memory_space<vmem>>) target_semaphore(%arg13 : memref<!tpu.dma_semaphore, #tpu.memory_space<semaphore_mem>>)
    %mul3A_242 = arith.constant 320 : i32
    %mul3A_243 = arith.muli %add3A, %mul3A_242 : i32
    %add3A_244 = arith.constant 245760 : i32
    %add3A_245 = arith.addi %add3A_244, %mul3A_243 : i32
    %dma_start3A_246 = arith.constant 7680 : i32
    %dma_start3A_247 = tpu.memref_slice %arg8[%dma_start3A_246] : memref<10240xi32, #tpu.memory_space<vmem>> -> memref<320xi32, #tpu.memory_space<vmem>>
    %dma_start3A_248 = tpu.memref_slice %arg5[%add3A_245] : memref<327680xi32, #tpu.memory_space<hbm>> -> memref<320xi32, #tpu.memory_space<hbm>>
    %dma_start3A_249 = arith.constant 7680 : i32
    %dma_start3A_250 = tpu.memref_slice %arg8[%dma_start3A_249] : memref<10240xi32, #tpu.memory_space<vmem>> -> memref<320xi32, #tpu.memory_space<vmem>>
    %dma_start3A_251 = tpu.memref_slice %arg5[%add3A_245] : memref<327680xi32, #tpu.memory_space<hbm>> -> memref<320xi32, #tpu.memory_space<hbm>>
    tpu.enqueue_dma source(%dma_start3A_251 : memref<320xi32, #tpu.memory_space<hbm>>) target(%dma_start3A_250 : memref<320xi32, #tpu.memory_space<vmem>>) target_semaphore(%arg13 : memref<!tpu.dma_semaphore, #tpu.memory_space<semaphore_mem>>)
    %mul3A_252 = arith.constant 320 : i32
    %mul3A_253 = arith.muli %add3A, %mul3A_252 : i32
    %add3A_254 = arith.constant 256000 : i32
    %add3A_255 = arith.addi %add3A_254, %mul3A_253 : i32
    %dma_start3A_256 = arith.constant 8000 : i32
    %dma_start3A_257 = tpu.memref_slice %arg8[%dma_start3A_256] : memref<10240xi32, #tpu.memory_space<vmem>> -> memref<320xi32, #tpu.memory_space<vmem>>
    %dma_start3A_258 = tpu.memref_slice %arg5[%add3A_255] : memref<327680xi32, #tpu.memory_space<hbm>> -> memref<320xi32, #tpu.memory_space<hbm>>
    %dma_start3A_259 = arith.constant 8000 : i32
    %dma_start3A_260 = tpu.memref_slice %arg8[%dma_start3A_259] : memref<10240xi32, #tpu.memory_space<vmem>> -> memref<320xi32, #tpu.memory_space<vmem>>
    %dma_start3A_261 = tpu.memref_slice %arg5[%add3A_255] : memref<327680xi32, #tpu.memory_space<hbm>> -> memref<320xi32, #tpu.memory_space<hbm>>
    tpu.enqueue_dma source(%dma_start3A_261 : memref<320xi32, #tpu.memory_space<hbm>>) target(%dma_start3A_260 : memref<320xi32, #tpu.memory_space<vmem>>) target_semaphore(%arg13 : memref<!tpu.dma_semaphore, #tpu.memory_space<semaphore_mem>>)
    %mul3A_262 = arith.constant 320 : i32
    %mul3A_263 = arith.muli %add3A, %mul3A_262 : i32
    %add3A_264 = arith.constant 266240 : i32
    %add3A_265 = arith.addi %add3A_264, %mul3A_263 : i32
    %dma_start3A_266 = arith.constant 8320 : i32
    %dma_start3A_267 = tpu.memref_slice %arg8[%dma_start3A_266] : memref<10240xi32, #tpu.memory_space<vmem>> -> memref<320xi32, #tpu.memory_space<vmem>>
    %dma_start3A_268 = tpu.memref_slice %arg5[%add3A_265] : memref<327680xi32, #tpu.memory_space<hbm>> -> memref<320xi32, #tpu.memory_space<hbm>>
    %dma_start3A_269 = arith.constant 8320 : i32
    %dma_start3A_270 = tpu.memref_slice %arg8[%dma_start3A_269] : memref<10240xi32, #tpu.memory_space<vmem>> -> memref<320xi32, #tpu.memory_space<vmem>>
    %dma_start3A_271 = tpu.memref_slice %arg5[%add3A_265] : memref<327680xi32, #tpu.memory_space<hbm>> -> memref<320xi32, #tpu.memory_space<hbm>>
    tpu.enqueue_dma source(%dma_start3A_271 : memref<320xi32, #tpu.memory_space<hbm>>) target(%dma_start3A_270 : memref<320xi32, #tpu.memory_space<vmem>>) target_semaphore(%arg13 : memref<!tpu.dma_semaphore, #tpu.memory_space<semaphore_mem>>)
    %mul3A_272 = arith.constant 320 : i32
    %mul3A_273 = arith.muli %add3A, %mul3A_272 : i32
    %add3A_274 = arith.constant 276480 : i32
    %add3A_275 = arith.addi %add3A_274, %mul3A_273 : i32
    %dma_start3A_276 = arith.constant 8640 : i32
    %dma_start3A_277 = tpu.memref_slice %arg8[%dma_start3A_276] : memref<10240xi32, #tpu.memory_space<vmem>> -> memref<320xi32, #tpu.memory_space<vmem>>
    %dma_start3A_278 = tpu.memref_slice %arg5[%add3A_275] : memref<327680xi32, #tpu.memory_space<hbm>> -> memref<320xi32, #tpu.memory_space<hbm>>
    %dma_start3A_279 = arith.constant 8640 : i32
    %dma_start3A_280 = tpu.memref_slice %arg8[%dma_start3A_279] : memref<10240xi32, #tpu.memory_space<vmem>> -> memref<320xi32, #tpu.memory_space<vmem>>
    %dma_start3A_281 = tpu.memref_slice %arg5[%add3A_275] : memref<327680xi32, #tpu.memory_space<hbm>> -> memref<320xi32, #tpu.memory_space<hbm>>
    tpu.enqueue_dma source(%dma_start3A_281 : memref<320xi32, #tpu.memory_space<hbm>>) target(%dma_start3A_280 : memref<320xi32, #tpu.memory_space<vmem>>) target_semaphore(%arg13 : memref<!tpu.dma_semaphore, #tpu.memory_space<semaphore_mem>>)
    %mul3A_282 = arith.constant 320 : i32
    %mul3A_283 = arith.muli %add3A, %mul3A_282 : i32
    %add3A_284 = arith.constant 286720 : i32
    %add3A_285 = arith.addi %add3A_284, %mul3A_283 : i32
    %dma_start3A_286 = arith.constant 8960 : i32
    %dma_start3A_287 = tpu.memref_slice %arg8[%dma_start3A_286] : memref<10240xi32, #tpu.memory_space<vmem>> -> memref<320xi32, #tpu.memory_space<vmem>>
    %dma_start3A_288 = tpu.memref_slice %arg5[%add3A_285] : memref<327680xi32, #tpu.memory_space<hbm>> -> memref<320xi32, #tpu.memory_space<hbm>>
    %dma_start3A_289 = arith.constant 8960 : i32
    %dma_start3A_290 = tpu.memref_slice %arg8[%dma_start3A_289] : memref<10240xi32, #tpu.memory_space<vmem>> -> memref<320xi32, #tpu.memory_space<vmem>>
    %dma_start3A_291 = tpu.memref_slice %arg5[%add3A_285] : memref<327680xi32, #tpu.memory_space<hbm>> -> memref<320xi32, #tpu.memory_space<hbm>>
    tpu.enqueue_dma source(%dma_start3A_291 : memref<320xi32, #tpu.memory_space<hbm>>) target(%dma_start3A_290 : memref<320xi32, #tpu.memory_space<vmem>>) target_semaphore(%arg13 : memref<!tpu.dma_semaphore, #tpu.memory_space<semaphore_mem>>)
    %mul3A_292 = arith.constant 320 : i32
    %mul3A_293 = arith.muli %add3A, %mul3A_292 : i32
    %add3A_294 = arith.constant 296960 : i32
    %add3A_295 = arith.addi %add3A_294, %mul3A_293 : i32
    %dma_start3A_296 = arith.constant 9280 : i32
    %dma_start3A_297 = tpu.memref_slice %arg8[%dma_start3A_296] : memref<10240xi32, #tpu.memory_space<vmem>> -> memref<320xi32, #tpu.memory_space<vmem>>
    %dma_start3A_298 = tpu.memref_slice %arg5[%add3A_295] : memref<327680xi32, #tpu.memory_space<hbm>> -> memref<320xi32, #tpu.memory_space<hbm>>
    %dma_start3A_299 = arith.constant 9280 : i32
    %dma_start3A_300 = tpu.memref_slice %arg8[%dma_start3A_299] : memref<10240xi32, #tpu.memory_space<vmem>> -> memref<320xi32, #tpu.memory_space<vmem>>
    %dma_start3A_301 = tpu.memref_slice %arg5[%add3A_295] : memref<327680xi32, #tpu.memory_space<hbm>> -> memref<320xi32, #tpu.memory_space<hbm>>
    tpu.enqueue_dma source(%dma_start3A_301 : memref<320xi32, #tpu.memory_space<hbm>>) target(%dma_start3A_300 : memref<320xi32, #tpu.memory_space<vmem>>) target_semaphore(%arg13 : memref<!tpu.dma_semaphore, #tpu.memory_space<semaphore_mem>>)
    %mul3A_302 = arith.constant 320 : i32
    %mul3A_303 = arith.muli %add3A, %mul3A_302 : i32
    %add3A_304 = arith.constant 307200 : i32
    %add3A_305 = arith.addi %add3A_304, %mul3A_303 : i32
    %dma_start3A_306 = arith.constant 9600 : i32
    %dma_start3A_307 = tpu.memref_slice %arg8[%dma_start3A_306] : memref<10240xi32, #tpu.memory_space<vmem>> -> memref<320xi32, #tpu.memory_space<vmem>>
    %dma_start3A_308 = tpu.memref_slice %arg5[%add3A_305] : memref<327680xi32, #tpu.memory_space<hbm>> -> memref<320xi32, #tpu.memory_space<hbm>>
    %dma_start3A_309 = arith.constant 9600 : i32
    %dma_start3A_310 = tpu.memref_slice %arg8[%dma_start3A_309] : memref<10240xi32, #tpu.memory_space<vmem>> -> memref<320xi32, #tpu.memory_space<vmem>>
    %dma_start3A_311 = tpu.memref_slice %arg5[%add3A_305] : memref<327680xi32, #tpu.memory_space<hbm>> -> memref<320xi32, #tpu.memory_space<hbm>>
    tpu.enqueue_dma source(%dma_start3A_311 : memref<320xi32, #tpu.memory_space<hbm>>) target(%dma_start3A_310 : memref<320xi32, #tpu.memory_space<vmem>>) target_semaphore(%arg13 : memref<!tpu.dma_semaphore, #tpu.memory_space<semaphore_mem>>)
    %mul3A_312 = arith.constant 320 : i32
    %mul3A_313 = arith.muli %add3A, %mul3A_312 : i32
    %add3A_314 = arith.constant 317440 : i32
    %add3A_315 = arith.addi %add3A_314, %mul3A_313 : i32
    %dma_start3A_316 = arith.constant 9920 : i32
    %dma_start3A_317 = tpu.memref_slice %arg8[%dma_start3A_316] : memref<10240xi32, #tpu.memory_space<vmem>> -> memref<320xi32, #tpu.memory_space<vmem>>
    %dma_start3A_318 = tpu.memref_slice %arg5[%add3A_315] : memref<327680xi32, #tpu.memory_space<hbm>> -> memref<320xi32, #tpu.memory_space<hbm>>
    %dma_start3A_319 = arith.constant 9920 : i32
    %dma_start3A_320 = tpu.memref_slice %arg8[%dma_start3A_319] : memref<10240xi32, #tpu.memory_space<vmem>> -> memref<320xi32, #tpu.memory_space<vmem>>
    %dma_start3A_321 = tpu.memref_slice %arg5[%add3A_315] : memref<327680xi32, #tpu.memory_space<hbm>> -> memref<320xi32, #tpu.memory_space<hbm>>
    tpu.enqueue_dma source(%dma_start3A_321 : memref<320xi32, #tpu.memory_space<hbm>>) target(%dma_start3A_320 : memref<320xi32, #tpu.memory_space<vmem>>) target_semaphore(%arg13 : memref<!tpu.dma_semaphore, #tpu.memory_space<semaphore_mem>>)
    %dma_wait3A = arith.constant 0 : i32
    %dma_wait3A_322 = tpu.memref_slice %arg8[%dma_wait3A] : memref<10240xi32, #tpu.memory_space<vmem>> -> memref<320xi32, #tpu.memory_space<vmem>>
    %dma_wait3A_323 = tpu.memref_slice %arg5[%add3A_6] : memref<327680xi32, #tpu.memory_space<hbm>> -> memref<320xi32, #tpu.memory_space<hbm>>
    %dma_wait3A_324 = arith.constant 0 : i32
    %dma_wait3A_325 = tpu.memref_slice %arg8[%dma_wait3A_324] : memref<10240xi32, #tpu.memory_space<vmem>> -> memref<320xi32, #tpu.memory_space<vmem>>
    %dma_wait3A_326 = tpu.memref_slice %arg5[%add3A_6] : memref<327680xi32, #tpu.memory_space<hbm>> -> memref<320xi32, #tpu.memory_space<hbm>>
    tpu.wait_dma2 semaphore(%arg13 : memref<!tpu.dma_semaphore, #tpu.memory_space<semaphore_mem>>) src(%dma_wait3A_326 : memref<320xi32, #tpu.memory_space<hbm>>) dst(%dma_wait3A_325 : memref<320xi32, #tpu.memory_space<vmem>>)
    %dma_wait3A_327 = arith.constant 320 : i32
    %dma_wait3A_328 = tpu.memref_slice %arg8[%dma_wait3A_327] : memref<10240xi32, #tpu.memory_space<vmem>> -> memref<320xi32, #tpu.memory_space<vmem>>
    %dma_wait3A_329 = tpu.memref_slice %arg5[%add3A_15] : memref<327680xi32, #tpu.memory_space<hbm>> -> memref<320xi32, #tpu.memory_space<hbm>>
    %dma_wait3A_330 = arith.constant 320 : i32
    %dma_wait3A_331 = tpu.memref_slice %arg8[%dma_wait3A_330] : memref<10240xi32, #tpu.memory_space<vmem>> -> memref<320xi32, #tpu.memory_space<vmem>>
    %dma_wait3A_332 = tpu.memref_slice %arg5[%add3A_15] : memref<327680xi32, #tpu.memory_space<hbm>> -> memref<320xi32, #tpu.memory_space<hbm>>
    tpu.wait_dma2 semaphore(%arg13 : memref<!tpu.dma_semaphore, #tpu.memory_space<semaphore_mem>>) src(%dma_wait3A_332 : memref<320xi32, #tpu.memory_space<hbm>>) dst(%dma_wait3A_331 : memref<320xi32, #tpu.memory_space<vmem>>)
    %dma_wait3A_333 = arith.constant 640 : i32
    %dma_wait3A_334 = tpu.memref_slice %arg8[%dma_wait3A_333] : memref<10240xi32, #tpu.memory_space<vmem>> -> memref<320xi32, #tpu.memory_space<vmem>>
    %dma_wait3A_335 = tpu.memref_slice %arg5[%add3A_25] : memref<327680xi32, #tpu.memory_space<hbm>> -> memref<320xi32, #tpu.memory_space<hbm>>
    %dma_wait3A_336 = arith.constant 640 : i32
    %dma_wait3A_337 = tpu.memref_slice %arg8[%dma_wait3A_336] : memref<10240xi32, #tpu.memory_space<vmem>> -> memref<320xi32, #tpu.memory_space<vmem>>
    %dma_wait3A_338 = tpu.memref_slice %arg5[%add3A_25] : memref<327680xi32, #tpu.memory_space<hbm>> -> memref<320xi32, #tpu.memory_space<hbm>>
    tpu.wait_dma2 semaphore(%arg13 : memref<!tpu.dma_semaphore, #tpu.memory_space<semaphore_mem>>) src(%dma_wait3A_338 : memref<320xi32, #tpu.memory_space<hbm>>) dst(%dma_wait3A_337 : memref<320xi32, #tpu.memory_space<vmem>>)
    %dma_wait3A_339 = arith.constant 960 : i32
    %dma_wait3A_340 = tpu.memref_slice %arg8[%dma_wait3A_339] : memref<10240xi32, #tpu.memory_space<vmem>> -> memref<320xi32, #tpu.memory_space<vmem>>
    %dma_wait3A_341 = tpu.memref_slice %arg5[%add3A_35] : memref<327680xi32, #tpu.memory_space<hbm>> -> memref<320xi32, #tpu.memory_space<hbm>>
    %dma_wait3A_342 = arith.constant 960 : i32
    %dma_wait3A_343 = tpu.memref_slice %arg8[%dma_wait3A_342] : memref<10240xi32, #tpu.memory_space<vmem>> -> memref<320xi32, #tpu.memory_space<vmem>>
    %dma_wait3A_344 = tpu.memref_slice %arg5[%add3A_35] : memref<327680xi32, #tpu.memory_space<hbm>> -> memref<320xi32, #tpu.memory_space<hbm>>
    tpu.wait_dma2 semaphore(%arg13 : memref<!tpu.dma_semaphore, #tpu.memory_space<semaphore_mem>>) src(%dma_wait3A_344 : memref<320xi32, #tpu.memory_space<hbm>>) dst(%dma_wait3A_343 : memref<320xi32, #tpu.memory_space<vmem>>)
    %dma_wait3A_345 = arith.constant 1280 : i32
    %dma_wait3A_346 = tpu.memref_slice %arg8[%dma_wait3A_345] : memref<10240xi32, #tpu.memory_space<vmem>> -> memref<320xi32, #tpu.memory_space<vmem>>
    %dma_wait3A_347 = tpu.memref_slice %arg5[%add3A_45] : memref<327680xi32, #tpu.memory_space<hbm>> -> memref<320xi32, #tpu.memory_space<hbm>>
    %dma_wait3A_348 = arith.constant 1280 : i32
    %dma_wait3A_349 = tpu.memref_slice %arg8[%dma_wait3A_348] : memref<10240xi32, #tpu.memory_space<vmem>> -> memref<320xi32, #tpu.memory_space<vmem>>
    %dma_wait3A_350 = tpu.memref_slice %arg5[%add3A_45] : memref<327680xi32, #tpu.memory_space<hbm>> -> memref<320xi32, #tpu.memory_space<hbm>>
    tpu.wait_dma2 semaphore(%arg13 : memref<!tpu.dma_semaphore, #tpu.memory_space<semaphore_mem>>) src(%dma_wait3A_350 : memref<320xi32, #tpu.memory_space<hbm>>) dst(%dma_wait3A_349 : memref<320xi32, #tpu.memory_space<vmem>>)
    %dma_wait3A_351 = arith.constant 1600 : i32
    %dma_wait3A_352 = tpu.memref_slice %arg8[%dma_wait3A_351] : memref<10240xi32, #tpu.memory_space<vmem>> -> memref<320xi32, #tpu.memory_space<vmem>>
    %dma_wait3A_353 = tpu.memref_slice %arg5[%add3A_55] : memref<327680xi32, #tpu.memory_space<hbm>> -> memref<320xi32, #tpu.memory_space<hbm>>
    %dma_wait3A_354 = arith.constant 1600 : i32
    %dma_wait3A_355 = tpu.memref_slice %arg8[%dma_wait3A_354] : memref<10240xi32, #tpu.memory_space<vmem>> -> memref<320xi32, #tpu.memory_space<vmem>>
    %dma_wait3A_356 = tpu.memref_slice %arg5[%add3A_55] : memref<327680xi32, #tpu.memory_space<hbm>> -> memref<320xi32, #tpu.memory_space<hbm>>
    tpu.wait_dma2 semaphore(%arg13 : memref<!tpu.dma_semaphore, #tpu.memory_space<semaphore_mem>>) src(%dma_wait3A_356 : memref<320xi32, #tpu.memory_space<hbm>>) dst(%dma_wait3A_355 : memref<320xi32, #tpu.memory_space<vmem>>)
    %dma_wait3A_357 = arith.constant 1920 : i32
    %dma_wait3A_358 = tpu.memref_slice %arg8[%dma_wait3A_357] : memref<10240xi32, #tpu.memory_space<vmem>> -> memref<320xi32, #tpu.memory_space<vmem>>
    %dma_wait3A_359 = tpu.memref_slice %arg5[%add3A_65] : memref<327680xi32, #tpu.memory_space<hbm>> -> memref<320xi32, #tpu.memory_space<hbm>>
    %dma_wait3A_360 = arith.constant 1920 : i32
    %dma_wait3A_361 = tpu.memref_slice %arg8[%dma_wait3A_360] : memref<10240xi32, #tpu.memory_space<vmem>> -> memref<320xi32, #tpu.memory_space<vmem>>
    %dma_wait3A_362 = tpu.memref_slice %arg5[%add3A_65] : memref<327680xi32, #tpu.memory_space<hbm>> -> memref<320xi32, #tpu.memory_space<hbm>>
    tpu.wait_dma2 semaphore(%arg13 : memref<!tpu.dma_semaphore, #tpu.memory_space<semaphore_mem>>) src(%dma_wait3A_362 : memref<320xi32, #tpu.memory_space<hbm>>) dst(%dma_wait3A_361 : memref<320xi32, #tpu.memory_space<vmem>>)
    %dma_wait3A_363 = arith.constant 2240 : i32
    %dma_wait3A_364 = tpu.memref_slice %arg8[%dma_wait3A_363] : memref<10240xi32, #tpu.memory_space<vmem>> -> memref<320xi32, #tpu.memory_space<vmem>>
    %dma_wait3A_365 = tpu.memref_slice %arg5[%add3A_75] : memref<327680xi32, #tpu.memory_space<hbm>> -> memref<320xi32, #tpu.memory_space<hbm>>
    %dma_wait3A_366 = arith.constant 2240 : i32
    %dma_wait3A_367 = tpu.memref_slice %arg8[%dma_wait3A_366] : memref<10240xi32, #tpu.memory_space<vmem>> -> memref<320xi32, #tpu.memory_space<vmem>>
    %dma_wait3A_368 = tpu.memref_slice %arg5[%add3A_75] : memref<327680xi32, #tpu.memory_space<hbm>> -> memref<320xi32, #tpu.memory_space<hbm>>
    tpu.wait_dma2 semaphore(%arg13 : memref<!tpu.dma_semaphore, #tpu.memory_space<semaphore_mem>>) src(%dma_wait3A_368 : memref<320xi32, #tpu.memory_space<hbm>>) dst(%dma_wait3A_367 : memref<320xi32, #tpu.memory_space<vmem>>)
    %dma_wait3A_369 = arith.constant 2560 : i32
    %dma_wait3A_370 = tpu.memref_slice %arg8[%dma_wait3A_369] : memref<10240xi32, #tpu.memory_space<vmem>> -> memref<320xi32, #tpu.memory_space<vmem>>
    %dma_wait3A_371 = tpu.memref_slice %arg5[%add3A_85] : memref<327680xi32, #tpu.memory_space<hbm>> -> memref<320xi32, #tpu.memory_space<hbm>>
    %dma_wait3A_372 = arith.constant 2560 : i32
    %dma_wait3A_373 = tpu.memref_slice %arg8[%dma_wait3A_372] : memref<10240xi32, #tpu.memory_space<vmem>> -> memref<320xi32, #tpu.memory_space<vmem>>
    %dma_wait3A_374 = tpu.memref_slice %arg5[%add3A_85] : memref<327680xi32, #tpu.memory_space<hbm>> -> memref<320xi32, #tpu.memory_space<hbm>>
    tpu.wait_dma2 semaphore(%arg13 : memref<!tpu.dma_semaphore, #tpu.memory_space<semaphore_mem>>) src(%dma_wait3A_374 : memref<320xi32, #tpu.memory_space<hbm>>) dst(%dma_wait3A_373 : memref<320xi32, #tpu.memory_space<vmem>>)
    %dma_wait3A_375 = arith.constant 2880 : i32
    %dma_wait3A_376 = tpu.memref_slice %arg8[%dma_wait3A_375] : memref<10240xi32, #tpu.memory_space<vmem>> -> memref<320xi32, #tpu.memory_space<vmem>>
    %dma_wait3A_377 = tpu.memref_slice %arg5[%add3A_95] : memref<327680xi32, #tpu.memory_space<hbm>> -> memref<320xi32, #tpu.memory_space<hbm>>
    %dma_wait3A_378 = arith.constant 2880 : i32
    %dma_wait3A_379 = tpu.memref_slice %arg8[%dma_wait3A_378] : memref<10240xi32, #tpu.memory_space<vmem>> -> memref<320xi32, #tpu.memory_space<vmem>>
    %dma_wait3A_380 = tpu.memref_slice %arg5[%add3A_95] : memref<327680xi32, #tpu.memory_space<hbm>> -> memref<320xi32, #tpu.memory_space<hbm>>
    tpu.wait_dma2 semaphore(%arg13 : memref<!tpu.dma_semaphore, #tpu.memory_space<semaphore_mem>>) src(%dma_wait3A_380 : memref<320xi32, #tpu.memory_space<hbm>>) dst(%dma_wait3A_379 : memref<320xi32, #tpu.memory_space<vmem>>)
    %dma_wait3A_381 = arith.constant 3200 : i32
    %dma_wait3A_382 = tpu.memref_slice %arg8[%dma_wait3A_381] : memref<10240xi32, #tpu.memory_space<vmem>> -> memref<320xi32, #tpu.memory_space<vmem>>
    %dma_wait3A_383 = tpu.memref_slice %arg5[%add3A_105] : memref<327680xi32, #tpu.memory_space<hbm>> -> memref<320xi32, #tpu.memory_space<hbm>>
    %dma_wait3A_384 = arith.constant 3200 : i32
    %dma_wait3A_385 = tpu.memref_slice %arg8[%dma_wait3A_384] : memref<10240xi32, #tpu.memory_space<vmem>> -> memref<320xi32, #tpu.memory_space<vmem>>
    %dma_wait3A_386 = tpu.memref_slice %arg5[%add3A_105] : memref<327680xi32, #tpu.memory_space<hbm>> -> memref<320xi32, #tpu.memory_space<hbm>>
    tpu.wait_dma2 semaphore(%arg13 : memref<!tpu.dma_semaphore, #tpu.memory_space<semaphore_mem>>) src(%dma_wait3A_386 : memref<320xi32, #tpu.memory_space<hbm>>) dst(%dma_wait3A_385 : memref<320xi32, #tpu.memory_space<vmem>>)
    %dma_wait3A_387 = arith.constant 3520 : i32
    %dma_wait3A_388 = tpu.memref_slice %arg8[%dma_wait3A_387] : memref<10240xi32, #tpu.memory_space<vmem>> -> memref<320xi32, #tpu.memory_space<vmem>>
    %dma_wait3A_389 = tpu.memref_slice %arg5[%add3A_115] : memref<327680xi32, #tpu.memory_space<hbm>> -> memref<320xi32, #tpu.memory_space<hbm>>
    %dma_wait3A_390 = arith.constant 3520 : i32
    %dma_wait3A_391 = tpu.memref_slice %arg8[%dma_wait3A_390] : memref<10240xi32, #tpu.memory_space<vmem>> -> memref<320xi32, #tpu.memory_space<vmem>>
    %dma_wait3A_392 = tpu.memref_slice %arg5[%add3A_115] : memref<327680xi32, #tpu.memory_space<hbm>> -> memref<320xi32, #tpu.memory_space<hbm>>
    tpu.wait_dma2 semaphore(%arg13 : memref<!tpu.dma_semaphore, #tpu.memory_space<semaphore_mem>>) src(%dma_wait3A_392 : memref<320xi32, #tpu.memory_space<hbm>>) dst(%dma_wait3A_391 : memref<320xi32, #tpu.memory_space<vmem>>)
    %dma_wait3A_393 = arith.constant 3840 : i32
    %dma_wait3A_394 = tpu.memref_slice %arg8[%dma_wait3A_393] : memref<10240xi32, #tpu.memory_space<vmem>> -> memref<320xi32, #tpu.memory_space<vmem>>
    %dma_wait3A_395 = tpu.memref_slice %arg5[%add3A_125] : memref<327680xi32, #tpu.memory_space<hbm>> -> memref<320xi32, #tpu.memory_space<hbm>>
    %dma_wait3A_396 = arith.constant 3840 : i32
    %dma_wait3A_397 = tpu.memref_slice %arg8[%dma_wait3A_396] : memref<10240xi32, #tpu.memory_space<vmem>> -> memref<320xi32, #tpu.memory_space<vmem>>
    %dma_wait3A_398 = tpu.memref_slice %arg5[%add3A_125] : memref<327680xi32, #tpu.memory_space<hbm>> -> memref<320xi32, #tpu.memory_space<hbm>>
    tpu.wait_dma2 semaphore(%arg13 : memref<!tpu.dma_semaphore, #tpu.memory_space<semaphore_mem>>) src(%dma_wait3A_398 : memref<320xi32, #tpu.memory_space<hbm>>) dst(%dma_wait3A_397 : memref<320xi32, #tpu.memory_space<vmem>>)
    %dma_wait3A_399 = arith.constant 4160 : i32
    %dma_wait3A_400 = tpu.memref_slice %arg8[%dma_wait3A_399] : memref<10240xi32, #tpu.memory_space<vmem>> -> memref<320xi32, #tpu.memory_space<vmem>>
    %dma_wait3A_401 = tpu.memref_slice %arg5[%add3A_135] : memref<327680xi32, #tpu.memory_space<hbm>> -> memref<320xi32, #tpu.memory_space<hbm>>
    %dma_wait3A_402 = arith.constant 4160 : i32
    %dma_wait3A_403 = tpu.memref_slice %arg8[%dma_wait3A_402] : memref<10240xi32, #tpu.memory_space<vmem>> -> memref<320xi32, #tpu.memory_space<vmem>>
    %dma_wait3A_404 = tpu.memref_slice %arg5[%add3A_135] : memref<327680xi32, #tpu.memory_space<hbm>> -> memref<320xi32, #tpu.memory_space<hbm>>
    tpu.wait_dma2 semaphore(%arg13 : memref<!tpu.dma_semaphore, #tpu.memory_space<semaphore_mem>>) src(%dma_wait3A_404 : memref<320xi32, #tpu.memory_space<hbm>>) dst(%dma_wait3A_403 : memref<320xi32, #tpu.memory_space<vmem>>)
    %dma_wait3A_405 = arith.constant 4480 : i32
    %dma_wait3A_406 = tpu.memref_slice %arg8[%dma_wait3A_405] : memref<10240xi32, #tpu.memory_space<vmem>> -> memref<320xi32, #tpu.memory_space<vmem>>
    %dma_wait3A_407 = tpu.memref_slice %arg5[%add3A_145] : memref<327680xi32, #tpu.memory_space<hbm>> -> memref<320xi32, #tpu.memory_space<hbm>>
    %dma_wait3A_408 = arith.constant 4480 : i32
    %dma_wait3A_409 = tpu.memref_slice %arg8[%dma_wait3A_408] : memref<10240xi32, #tpu.memory_space<vmem>> -> memref<320xi32, #tpu.memory_space<vmem>>
    %dma_wait3A_410 = tpu.memref_slice %arg5[%add3A_145] : memref<327680xi32, #tpu.memory_space<hbm>> -> memref<320xi32, #tpu.memory_space<hbm>>
    tpu.wait_dma2 semaphore(%arg13 : memref<!tpu.dma_semaphore, #tpu.memory_space<semaphore_mem>>) src(%dma_wait3A_410 : memref<320xi32, #tpu.memory_space<hbm>>) dst(%dma_wait3A_409 : memref<320xi32, #tpu.memory_space<vmem>>)
    %dma_wait3A_411 = arith.constant 4800 : i32
    %dma_wait3A_412 = tpu.memref_slice %arg8[%dma_wait3A_411] : memref<10240xi32, #tpu.memory_space<vmem>> -> memref<320xi32, #tpu.memory_space<vmem>>
    %dma_wait3A_413 = tpu.memref_slice %arg5[%add3A_155] : memref<327680xi32, #tpu.memory_space<hbm>> -> memref<320xi32, #tpu.memory_space<hbm>>
    %dma_wait3A_414 = arith.constant 4800 : i32
    %dma_wait3A_415 = tpu.memref_slice %arg8[%dma_wait3A_414] : memref<10240xi32, #tpu.memory_space<vmem>> -> memref<320xi32, #tpu.memory_space<vmem>>
    %dma_wait3A_416 = tpu.memref_slice %arg5[%add3A_155] : memref<327680xi32, #tpu.memory_space<hbm>> -> memref<320xi32, #tpu.memory_space<hbm>>
    tpu.wait_dma2 semaphore(%arg13 : memref<!tpu.dma_semaphore, #tpu.memory_space<semaphore_mem>>) src(%dma_wait3A_416 : memref<320xi32, #tpu.memory_space<hbm>>) dst(%dma_wait3A_415 : memref<320xi32, #tpu.memory_space<vmem>>)
    %dma_wait3A_417 = arith.constant 5120 : i32
    %dma_wait3A_418 = tpu.memref_slice %arg8[%dma_wait3A_417] : memref<10240xi32, #tpu.memory_space<vmem>> -> memref<320xi32, #tpu.memory_space<vmem>>
    %dma_wait3A_419 = tpu.memref_slice %arg5[%add3A_165] : memref<327680xi32, #tpu.memory_space<hbm>> -> memref<320xi32, #tpu.memory_space<hbm>>
    %dma_wait3A_420 = arith.constant 5120 : i32
    %dma_wait3A_421 = tpu.memref_slice %arg8[%dma_wait3A_420] : memref<10240xi32, #tpu.memory_space<vmem>> -> memref<320xi32, #tpu.memory_space<vmem>>
    %dma_wait3A_422 = tpu.memref_slice %arg5[%add3A_165] : memref<327680xi32, #tpu.memory_space<hbm>> -> memref<320xi32, #tpu.memory_space<hbm>>
    tpu.wait_dma2 semaphore(%arg13 : memref<!tpu.dma_semaphore, #tpu.memory_space<semaphore_mem>>) src(%dma_wait3A_422 : memref<320xi32, #tpu.memory_space<hbm>>) dst(%dma_wait3A_421 : memref<320xi32, #tpu.memory_space<vmem>>)
    %dma_wait3A_423 = arith.constant 5440 : i32
    %dma_wait3A_424 = tpu.memref_slice %arg8[%dma_wait3A_423] : memref<10240xi32, #tpu.memory_space<vmem>> -> memref<320xi32, #tpu.memory_space<vmem>>
    %dma_wait3A_425 = tpu.memref_slice %arg5[%add3A_175] : memref<327680xi32, #tpu.memory_space<hbm>> -> memref<320xi32, #tpu.memory_space<hbm>>
    %dma_wait3A_426 = arith.constant 5440 : i32
    %dma_wait3A_427 = tpu.memref_slice %arg8[%dma_wait3A_426] : memref<10240xi32, #tpu.memory_space<vmem>> -> memref<320xi32, #tpu.memory_space<vmem>>
    %dma_wait3A_428 = tpu.memref_slice %arg5[%add3A_175] : memref<327680xi32, #tpu.memory_space<hbm>> -> memref<320xi32, #tpu.memory_space<hbm>>
    tpu.wait_dma2 semaphore(%arg13 : memref<!tpu.dma_semaphore, #tpu.memory_space<semaphore_mem>>) src(%dma_wait3A_428 : memref<320xi32, #tpu.memory_space<hbm>>) dst(%dma_wait3A_427 : memref<320xi32, #tpu.memory_space<vmem>>)
    %dma_wait3A_429 = arith.constant 5760 : i32
    %dma_wait3A_430 = tpu.memref_slice %arg8[%dma_wait3A_429] : memref<10240xi32, #tpu.memory_space<vmem>> -> memref<320xi32, #tpu.memory_space<vmem>>
    %dma_wait3A_431 = tpu.memref_slice %arg5[%add3A_185] : memref<327680xi32, #tpu.memory_space<hbm>> -> memref<320xi32, #tpu.memory_space<hbm>>
    %dma_wait3A_432 = arith.constant 5760 : i32
    %dma_wait3A_433 = tpu.memref_slice %arg8[%dma_wait3A_432] : memref<10240xi32, #tpu.memory_space<vmem>> -> memref<320xi32, #tpu.memory_space<vmem>>
    %dma_wait3A_434 = tpu.memref_slice %arg5[%add3A_185] : memref<327680xi32, #tpu.memory_space<hbm>> -> memref<320xi32, #tpu.memory_space<hbm>>
    tpu.wait_dma2 semaphore(%arg13 : memref<!tpu.dma_semaphore, #tpu.memory_space<semaphore_mem>>) src(%dma_wait3A_434 : memref<320xi32, #tpu.memory_space<hbm>>) dst(%dma_wait3A_433 : memref<320xi32, #tpu.memory_space<vmem>>)
    %dma_wait3A_435 = arith.constant 6080 : i32
    %dma_wait3A_436 = tpu.memref_slice %arg8[%dma_wait3A_435] : memref<10240xi32, #tpu.memory_space<vmem>> -> memref<320xi32, #tpu.memory_space<vmem>>
    %dma_wait3A_437 = tpu.memref_slice %arg5[%add3A_195] : memref<327680xi32, #tpu.memory_space<hbm>> -> memref<320xi32, #tpu.memory_space<hbm>>
    %dma_wait3A_438 = arith.constant 6080 : i32
    %dma_wait3A_439 = tpu.memref_slice %arg8[%dma_wait3A_438] : memref<10240xi32, #tpu.memory_space<vmem>> -> memref<320xi32, #tpu.memory_space<vmem>>
    %dma_wait3A_440 = tpu.memref_slice %arg5[%add3A_195] : memref<327680xi32, #tpu.memory_space<hbm>> -> memref<320xi32, #tpu.memory_space<hbm>>
    tpu.wait_dma2 semaphore(%arg13 : memref<!tpu.dma_semaphore, #tpu.memory_space<semaphore_mem>>) src(%dma_wait3A_440 : memref<320xi32, #tpu.memory_space<hbm>>) dst(%dma_wait3A_439 : memref<320xi32, #tpu.memory_space<vmem>>)
    %dma_wait3A_441 = arith.constant 6400 : i32
    %dma_wait3A_442 = tpu.memref_slice %arg8[%dma_wait3A_441] : memref<10240xi32, #tpu.memory_space<vmem>> -> memref<320xi32, #tpu.memory_space<vmem>>
    %dma_wait3A_443 = tpu.memref_slice %arg5[%add3A_205] : memref<327680xi32, #tpu.memory_space<hbm>> -> memref<320xi32, #tpu.memory_space<hbm>>
    %dma_wait3A_444 = arith.constant 6400 : i32
    %dma_wait3A_445 = tpu.memref_slice %arg8[%dma_wait3A_444] : memref<10240xi32, #tpu.memory_space<vmem>> -> memref<320xi32, #tpu.memory_space<vmem>>
    %dma_wait3A_446 = tpu.memref_slice %arg5[%add3A_205] : memref<327680xi32, #tpu.memory_space<hbm>> -> memref<320xi32, #tpu.memory_space<hbm>>
    tpu.wait_dma2 semaphore(%arg13 : memref<!tpu.dma_semaphore, #tpu.memory_space<semaphore_mem>>) src(%dma_wait3A_446 : memref<320xi32, #tpu.memory_space<hbm>>) dst(%dma_wait3A_445 : memref<320xi32, #tpu.memory_space<vmem>>)
    %dma_wait3A_447 = arith.constant 6720 : i32
    %dma_wait3A_448 = tpu.memref_slice %arg8[%dma_wait3A_447] : memref<10240xi32, #tpu.memory_space<vmem>> -> memref<320xi32, #tpu.memory_space<vmem>>
    %dma_wait3A_449 = tpu.memref_slice %arg5[%add3A_215] : memref<327680xi32, #tpu.memory_space<hbm>> -> memref<320xi32, #tpu.memory_space<hbm>>
    %dma_wait3A_450 = arith.constant 6720 : i32
    %dma_wait3A_451 = tpu.memref_slice %arg8[%dma_wait3A_450] : memref<10240xi32, #tpu.memory_space<vmem>> -> memref<320xi32, #tpu.memory_space<vmem>>
    %dma_wait3A_452 = tpu.memref_slice %arg5[%add3A_215] : memref<327680xi32, #tpu.memory_space<hbm>> -> memref<320xi32, #tpu.memory_space<hbm>>
    tpu.wait_dma2 semaphore(%arg13 : memref<!tpu.dma_semaphore, #tpu.memory_space<semaphore_mem>>) src(%dma_wait3A_452 : memref<320xi32, #tpu.memory_space<hbm>>) dst(%dma_wait3A_451 : memref<320xi32, #tpu.memory_space<vmem>>)
    %dma_wait3A_453 = arith.constant 7040 : i32
    %dma_wait3A_454 = tpu.memref_slice %arg8[%dma_wait3A_453] : memref<10240xi32, #tpu.memory_space<vmem>> -> memref<320xi32, #tpu.memory_space<vmem>>
    %dma_wait3A_455 = tpu.memref_slice %arg5[%add3A_225] : memref<327680xi32, #tpu.memory_space<hbm>> -> memref<320xi32, #tpu.memory_space<hbm>>
    %dma_wait3A_456 = arith.constant 7040 : i32
    %dma_wait3A_457 = tpu.memref_slice %arg8[%dma_wait3A_456] : memref<10240xi32, #tpu.memory_space<vmem>> -> memref<320xi32, #tpu.memory_space<vmem>>
    %dma_wait3A_458 = tpu.memref_slice %arg5[%add3A_225] : memref<327680xi32, #tpu.memory_space<hbm>> -> memref<320xi32, #tpu.memory_space<hbm>>
    tpu.wait_dma2 semaphore(%arg13 : memref<!tpu.dma_semaphore, #tpu.memory_space<semaphore_mem>>) src(%dma_wait3A_458 : memref<320xi32, #tpu.memory_space<hbm>>) dst(%dma_wait3A_457 : memref<320xi32, #tpu.memory_space<vmem>>)
    %dma_wait3A_459 = arith.constant 7360 : i32
    %dma_wait3A_460 = tpu.memref_slice %arg8[%dma_wait3A_459] : memref<10240xi32, #tpu.memory_space<vmem>> -> memref<320xi32, #tpu.memory_space<vmem>>
    %dma_wait3A_461 = tpu.memref_slice %arg5[%add3A_235] : memref<327680xi32, #tpu.memory_space<hbm>> -> memref<320xi32, #tpu.memory_space<hbm>>
    %dma_wait3A_462 = arith.constant 7360 : i32
    %dma_wait3A_463 = tpu.memref_slice %arg8[%dma_wait3A_462] : memref<10240xi32, #tpu.memory_space<vmem>> -> memref<320xi32, #tpu.memory_space<vmem>>
    %dma_wait3A_464 = tpu.memref_slice %arg5[%add3A_235] : memref<327680xi32, #tpu.memory_space<hbm>> -> memref<320xi32, #tpu.memory_space<hbm>>
    tpu.wait_dma2 semaphore(%arg13 : memref<!tpu.dma_semaphore, #tpu.memory_space<semaphore_mem>>) src(%dma_wait3A_464 : memref<320xi32, #tpu.memory_space<hbm>>) dst(%dma_wait3A_463 : memref<320xi32, #tpu.memory_space<vmem>>)
    %dma_wait3A_465 = arith.constant 7680 : i32
    %dma_wait3A_466 = tpu.memref_slice %arg8[%dma_wait3A_465] : memref<10240xi32, #tpu.memory_space<vmem>> -> memref<320xi32, #tpu.memory_space<vmem>>
    %dma_wait3A_467 = tpu.memref_slice %arg5[%add3A_245] : memref<327680xi32, #tpu.memory_space<hbm>> -> memref<320xi32, #tpu.memory_space<hbm>>
    %dma_wait3A_468 = arith.constant 7680 : i32
    %dma_wait3A_469 = tpu.memref_slice %arg8[%dma_wait3A_468] : memref<10240xi32, #tpu.memory_space<vmem>> -> memref<320xi32, #tpu.memory_space<vmem>>
    %dma_wait3A_470 = tpu.memref_slice %arg5[%add3A_245] : memref<327680xi32, #tpu.memory_space<hbm>> -> memref<320xi32, #tpu.memory_space<hbm>>
    tpu.wait_dma2 semaphore(%arg13 : memref<!tpu.dma_semaphore, #tpu.memory_space<semaphore_mem>>) src(%dma_wait3A_470 : memref<320xi32, #tpu.memory_space<hbm>>) dst(%dma_wait3A_469 : memref<320xi32, #tpu.memory_space<vmem>>)
    %dma_wait3A_471 = arith.constant 8000 : i32
    %dma_wait3A_472 = tpu.memref_slice %arg8[%dma_wait3A_471] : memref<10240xi32, #tpu.memory_space<vmem>> -> memref<320xi32, #tpu.memory_space<vmem>>
    %dma_wait3A_473 = tpu.memref_slice %arg5[%add3A_255] : memref<327680xi32, #tpu.memory_space<hbm>> -> memref<320xi32, #tpu.memory_space<hbm>>
    %dma_wait3A_474 = arith.constant 8000 : i32
    %dma_wait3A_475 = tpu.memref_slice %arg8[%dma_wait3A_474] : memref<10240xi32, #tpu.memory_space<vmem>> -> memref<320xi32, #tpu.memory_space<vmem>>
    %dma_wait3A_476 = tpu.memref_slice %arg5[%add3A_255] : memref<327680xi32, #tpu.memory_space<hbm>> -> memref<320xi32, #tpu.memory_space<hbm>>
    tpu.wait_dma2 semaphore(%arg13 : memref<!tpu.dma_semaphore, #tpu.memory_space<semaphore_mem>>) src(%dma_wait3A_476 : memref<320xi32, #tpu.memory_space<hbm>>) dst(%dma_wait3A_475 : memref<320xi32, #tpu.memory_space<vmem>>)
    %dma_wait3A_477 = arith.constant 8320 : i32
    %dma_wait3A_478 = tpu.memref_slice %arg8[%dma_wait3A_477] : memref<10240xi32, #tpu.memory_space<vmem>> -> memref<320xi32, #tpu.memory_space<vmem>>
    %dma_wait3A_479 = tpu.memref_slice %arg5[%add3A_265] : memref<327680xi32, #tpu.memory_space<hbm>> -> memref<320xi32, #tpu.memory_space<hbm>>
    %dma_wait3A_480 = arith.constant 8320 : i32
    %dma_wait3A_481 = tpu.memref_slice %arg8[%dma_wait3A_480] : memref<10240xi32, #tpu.memory_space<vmem>> -> memref<320xi32, #tpu.memory_space<vmem>>
    %dma_wait3A_482 = tpu.memref_slice %arg5[%add3A_265] : memref<327680xi32, #tpu.memory_space<hbm>> -> memref<320xi32, #tpu.memory_space<hbm>>
    tpu.wait_dma2 semaphore(%arg13 : memref<!tpu.dma_semaphore, #tpu.memory_space<semaphore_mem>>) src(%dma_wait3A_482 : memref<320xi32, #tpu.memory_space<hbm>>) dst(%dma_wait3A_481 : memref<320xi32, #tpu.memory_space<vmem>>)
    %dma_wait3A_483 = arith.constant 8640 : i32
    %dma_wait3A_484 = tpu.memref_slice %arg8[%dma_wait3A_483] : memref<10240xi32, #tpu.memory_space<vmem>> -> memref<320xi32, #tpu.memory_space<vmem>>
    %dma_wait3A_485 = tpu.memref_slice %arg5[%add3A_275] : memref<327680xi32, #tpu.memory_space<hbm>> -> memref<320xi32, #tpu.memory_space<hbm>>
    %dma_wait3A_486 = arith.constant 8640 : i32
    %dma_wait3A_487 = tpu.memref_slice %arg8[%dma_wait3A_486] : memref<10240xi32, #tpu.memory_space<vmem>> -> memref<320xi32, #tpu.memory_space<vmem>>
    %dma_wait3A_488 = tpu.memref_slice %arg5[%add3A_275] : memref<327680xi32, #tpu.memory_space<hbm>> -> memref<320xi32, #tpu.memory_space<hbm>>
    tpu.wait_dma2 semaphore(%arg13 : memref<!tpu.dma_semaphore, #tpu.memory_space<semaphore_mem>>) src(%dma_wait3A_488 : memref<320xi32, #tpu.memory_space<hbm>>) dst(%dma_wait3A_487 : memref<320xi32, #tpu.memory_space<vmem>>)
    %dma_wait3A_489 = arith.constant 8960 : i32
    %dma_wait3A_490 = tpu.memref_slice %arg8[%dma_wait3A_489] : memref<10240xi32, #tpu.memory_space<vmem>> -> memref<320xi32, #tpu.memory_space<vmem>>
    %dma_wait3A_491 = tpu.memref_slice %arg5[%add3A_285] : memref<327680xi32, #tpu.memory_space<hbm>> -> memref<320xi32, #tpu.memory_space<hbm>>
    %dma_wait3A_492 = arith.constant 8960 : i32
    %dma_wait3A_493 = tpu.memref_slice %arg8[%dma_wait3A_492] : memref<10240xi32, #tpu.memory_space<vmem>> -> memref<320xi32, #tpu.memory_space<vmem>>
    %dma_wait3A_494 = tpu.memref_slice %arg5[%add3A_285] : memref<327680xi32, #tpu.memory_space<hbm>> -> memref<320xi32, #tpu.memory_space<hbm>>
    tpu.wait_dma2 semaphore(%arg13 : memref<!tpu.dma_semaphore, #tpu.memory_space<semaphore_mem>>) src(%dma_wait3A_494 : memref<320xi32, #tpu.memory_space<hbm>>) dst(%dma_wait3A_493 : memref<320xi32, #tpu.memory_space<vmem>>)
    %dma_wait3A_495 = arith.constant 9280 : i32
    %dma_wait3A_496 = tpu.memref_slice %arg8[%dma_wait3A_495] : memref<10240xi32, #tpu.memory_space<vmem>> -> memref<320xi32, #tpu.memory_space<vmem>>
    %dma_wait3A_497 = tpu.memref_slice %arg5[%add3A_295] : memref<327680xi32, #tpu.memory_space<hbm>> -> memref<320xi32, #tpu.memory_space<hbm>>
    %dma_wait3A_498 = arith.constant 9280 : i32
    %dma_wait3A_499 = tpu.memref_slice %arg8[%dma_wait3A_498] : memref<10240xi32, #tpu.memory_space<vmem>> -> memref<320xi32, #tpu.memory_space<vmem>>
    %dma_wait3A_500 = tpu.memref_slice %arg5[%add3A_295] : memref<327680xi32, #tpu.memory_space<hbm>> -> memref<320xi32, #tpu.memory_space<hbm>>
    tpu.wait_dma2 semaphore(%arg13 : memref<!tpu.dma_semaphore, #tpu.memory_space<semaphore_mem>>) src(%dma_wait3A_500 : memref<320xi32, #tpu.memory_space<hbm>>) dst(%dma_wait3A_499 : memref<320xi32, #tpu.memory_space<vmem>>)
    %dma_wait3A_501 = arith.constant 9600 : i32
    %dma_wait3A_502 = tpu.memref_slice %arg8[%dma_wait3A_501] : memref<10240xi32, #tpu.memory_space<vmem>> -> memref<320xi32, #tpu.memory_space<vmem>>
    %dma_wait3A_503 = tpu.memref_slice %arg5[%add3A_305] : memref<327680xi32, #tpu.memory_space<hbm>> -> memref<320xi32, #tpu.memory_space<hbm>>
    %dma_wait3A_504 = arith.constant 9600 : i32
    %dma_wait3A_505 = tpu.memref_slice %arg8[%dma_wait3A_504] : memref<10240xi32, #tpu.memory_space<vmem>> -> memref<320xi32, #tpu.memory_space<vmem>>
    %dma_wait3A_506 = tpu.memref_slice %arg5[%add3A_305] : memref<327680xi32, #tpu.memory_space<hbm>> -> memref<320xi32, #tpu.memory_space<hbm>>
    tpu.wait_dma2 semaphore(%arg13 : memref<!tpu.dma_semaphore, #tpu.memory_space<semaphore_mem>>) src(%dma_wait3A_506 : memref<320xi32, #tpu.memory_space<hbm>>) dst(%dma_wait3A_505 : memref<320xi32, #tpu.memory_space<vmem>>)
    %dma_wait3A_507 = arith.constant 9920 : i32
    %dma_wait3A_508 = tpu.memref_slice %arg8[%dma_wait3A_507] : memref<10240xi32, #tpu.memory_space<vmem>> -> memref<320xi32, #tpu.memory_space<vmem>>
    %dma_wait3A_509 = tpu.memref_slice %arg5[%add3A_315] : memref<327680xi32, #tpu.memory_space<hbm>> -> memref<320xi32, #tpu.memory_space<hbm>>
    %dma_wait3A_510 = arith.constant 9920 : i32
    %dma_wait3A_511 = tpu.memref_slice %arg8[%dma_wait3A_510] : memref<10240xi32, #tpu.memory_space<vmem>> -> memref<320xi32, #tpu.memory_space<vmem>>
    %dma_wait3A_512 = tpu.memref_slice %arg5[%add3A_315] : memref<327680xi32, #tpu.memory_space<hbm>> -> memref<320xi32, #tpu.memory_space<hbm>>
    tpu.wait_dma2 semaphore(%arg13 : memref<!tpu.dma_semaphore, #tpu.memory_space<semaphore_mem>>) src(%dma_wait3A_512 : memref<320xi32, #tpu.memory_space<hbm>>) dst(%dma_wait3A_511 : memref<320xi32, #tpu.memory_space<vmem>>)
    %scan3A = arith.constant 0 : i32
    %scan3A_513 = arith.constant 0 : i32
    %scan3A_514 = arith.constant 32 : i32
    %scan3A_515 = arith.addi %scan3A_513, %scan3A_514 : i32
    %scan3A_516 = arith.constant 1 : i32
    %scan3A_517 = scf.for %scan3A_526 = %scan3A_513 to %scan3A_515 step %scan3A_516 iter_args(%scan3A_527 = %scan3A) -> (i32)  : i32 {
      %mul3A_528 = arith.constant 32 : i32
      %mul3A_529 = arith.muli %add3A, %mul3A_528 : i32
      %shift_right_arithmetic3A = arith.constant 4 : i32
      %shift_right_arithmetic3A_530 = arith.shrsi %scan3A_526, %shift_right_arithmetic3A : i32
      %shift_left3A = arith.constant 4 : i32
      %shift_left3A_531 = arith.shli %shift_right_arithmetic3A_530, %shift_left3A : i32
      %add3A_532 = arith.addi %mul3A_529, %shift_left3A_531 : i32
      %get3A = arith.index_cast %add3A_532 : i32 to index
      %get3A_533 = tpu.vector_load %arg9[%get3A] {strides = array<i32>} : memref<1024xi32, #tpu.memory_space<vmem>>, vector<16xi32>,
      %and3A = arith.constant 15 : i32
      %and3A_534 = arith.andi %scan3A_526, %and3A : i32
      %eq3A = vector.broadcast %and3A_534 : i32 to vector<16xi32>
      %eq3A_535 = arith.cmpi eq, %iota3A, %eq3A : vector<16xi32>
      %jit3A = arith.constant 0 : i32
      %broadcast_in_dim3A = vector.broadcast %jit3A : i32 to vector<16xi32>
      %select_n3A = arith.select %eq3A_535, %get3A_533, %broadcast_in_dim3A : vector<16xi1>, vector<16xi32>
      %reduce_sum3A = arith.constant true
      %reduce_sum3A_536 = vector.broadcast %reduce_sum3A : i1 to vector<16xi1>
      %reduce_sum3A_537 = tpu.scan <sum>, %select_n3A masked %reduce_sum3A_536 : vector<16xi32>, vector<16xi1> -> vector<16xi32>
      %reduce_sum3A_538 = vector.extract %reduce_sum3A_537[15] : i32 from vector<16xi32>
      %add3A_539 = arith.constant 16 : i32
      %add3A_540 = arith.addi %reduce_sum3A_538, %add3A_539 : i32
      %sub3A = arith.constant 1 : i32
      %sub3A_541 = arith.subi %add3A_540, %sub3A : i32
      %jit3A_542 = arith.constant 16 : i32
      %div3A = arith.divsi %sub3A_541, %jit3A_542 : i32
      %sign3A = arith.constant 0 : i32
      %sign3A_543 = arith.cmpi sgt, %sub3A_541, %sign3A : i32
      %sign3A_544 = arith.extui %sign3A_543 : i1 to i32
      %sign3A_545 = arith.constant 0 : i32
      %sign3A_546 = arith.cmpi slt, %sub3A_541, %sign3A_545 : i32
      %sign3A_547 = arith.extui %sign3A_546 : i1 to i32
      %sign3A_548 = arith.subi %sign3A_544, %sign3A_547 : i32
      %sign3A_549 = arith.constant 0 : i32
      %sign3A_550 = arith.cmpi sgt, %jit3A_542, %sign3A_549 : i32
      %sign3A_551 = arith.extui %sign3A_550 : i1 to i32
      %sign3A_552 = arith.constant 0 : i32
      %sign3A_553 = arith.cmpi slt, %jit3A_542, %sign3A_552 : i32
      %sign3A_554 = arith.extui %sign3A_553 : i1 to i32
      %sign3A_555 = arith.subi %sign3A_551, %sign3A_554 : i32
      %ne3A = arith.cmpi ne, %sign3A_548, %sign3A_555 : i32
      %rem3A = arith.remsi %sub3A_541, %jit3A_542 : i32
      %ne3A_556 = arith.constant 0 : i32
      %ne3A_557 = arith.cmpi ne, %rem3A, %ne3A_556 : i32
      %and3A_558 = arith.andi %ne3A, %ne3A_557 : i1
      %sub3A_559 = arith.constant 1 : i32
      %sub3A_560 = arith.subi %div3A, %sub3A_559 : i32
      %select_n3A_561 = arith.select %and3A_558, %sub3A_560, %div3A : i32
      %while3A = arith.constant 0 : i32
      %while3A_562 = arith.constant 0 : i32
      %while3A_563 = arith.subi %select_n3A_561, %while3A : i32
      %while3A_564 = arith.addi %while3A, %while3A_563 : i32
      %while3A_565 = arith.constant 1 : i32
      %while3A_566 = arith.divsi %while3A_563, %while3A_565 : i32
      %while3A_567 = arith.muli %while3A_566, %while3A_565 : i32
      %while3A_568 = arith.addi %while3A, %while3A_567 : i32
      %while3A_569 = arith.constant 1 : i32
      %while3A_570 = scf.for %while3A_574 = %while3A to %while3A_568 step %while3A_569 iter_args(%while3A_575 = %while3A_562) -> (i32)  : i32 {
        %mul3A_576 = arith.constant 320 : i32
        %mul3A_577 = arith.muli %scan3A_526, %mul3A_576 : i32
        %mul3A_578 = arith.constant 16 : i32
        %mul3A_579 = arith.muli %while3A_574, %mul3A_578 : i32
        %add3A_580 = arith.addi %mul3A_577, %mul3A_579 : i32
        %get3A_581 = arith.index_cast %add3A_580 : i32 to index
        %get3A_582 = tpu.vector_load %arg8[%get3A_581] {strides = array<i32>} : memref<10240xi32, #tpu.memory_space<vmem>>, vector<16xi32>,
        %mul3A_583 = arith.constant 16 : i32
        %mul3A_584 = arith.muli %while3A_574, %mul3A_583 : i32
        %add3A_585 = vector.broadcast %mul3A_584 : i32 to vector<16xi32>
        %add3A_586 = arith.addi %add3A_585, %iota3A : vector<16xi32>
        %lt3A = vector.broadcast %reduce_sum3A_538 : i32 to vector<16xi32>
        %lt3A_587 = arith.cmpi slt, %add3A_586, %lt3A : vector<16xi32>
        %and3A_588 = arith.constant 4095 : i32
        %and3A_589 = vector.broadcast %and3A_588 : i32 to vector<16xi32>
        %and3A_590 = arith.andi %get3A_582, %and3A_589 : vector<16xi32>
        %jit3A_591 = arith.constant 0 : i32
        %broadcast_in_dim3A_592 = vector.broadcast %jit3A_591 : i32 to vector<16xi32>
        %select_n3A_593 = arith.select %lt3A_587, %and3A_590, %broadcast_in_dim3A_592 : vector<16xi1>, vector<16xi32>
        %shift_right_arithmetic3A_594 = arith.constant 12 : i32
        %shift_right_arithmetic3A_595 = vector.broadcast %shift_right_arithmetic3A_594 : i32 to vector<16xi32>
        %shift_right_arithmetic3A_596 = arith.shrsi %get3A_582, %shift_right_arithmetic3A_595 : vector<16xi32>
        tpu.vector_store_idx %arg10[%select_n3A_593], %shift_right_arithmetic3A_596 masked %lt3A_587 : memref<3072xi32, #tpu.memory_space<vmem>>[vector<16xi32>], vector<16xi32>, vector<16xi1>
        %while3A_597 = arith.constant 0 : i32
        scf.yield %while3A_597 : i32
      }
      %while3A_571 = arith.constant 1 : i32
      %while3A_572 = scf.for %while3A_574 = %while3A_568 to %while3A_564 step %while3A_571 iter_args(%while3A_575 = %while3A_570) -> (i32)  : i32 {
        %mul3A_576 = arith.constant 320 : i32
        %mul3A_577 = arith.muli %scan3A_526, %mul3A_576 : i32
        %mul3A_578 = arith.constant 16 : i32
        %mul3A_579 = arith.muli %while3A_574, %mul3A_578 : i32
        %add3A_580 = arith.addi %mul3A_577, %mul3A_579 : i32
        %get3A_581 = arith.index_cast %add3A_580 : i32 to index
        %get3A_582 = tpu.vector_load %arg8[%get3A_581] {strides = array<i32>} : memref<10240xi32, #tpu.memory_space<vmem>>, vector<16xi32>,
        %mul3A_583 = arith.constant 16 : i32
        %mul3A_584 = arith.muli %while3A_574, %mul3A_583 : i32
        %add3A_585 = vector.broadcast %mul3A_584 : i32 to vector<16xi32>
        %add3A_586 = arith.addi %add3A_585, %iota3A : vector<16xi32>
        %lt3A = vector.broadcast %reduce_sum3A_538 : i32 to vector<16xi32>
        %lt3A_587 = arith.cmpi slt, %add3A_586, %lt3A : vector<16xi32>
        %and3A_588 = arith.constant 4095 : i32
        %and3A_589 = vector.broadcast %and3A_588 : i32 to vector<16xi32>
        %and3A_590 = arith.andi %get3A_582, %and3A_589 : vector<16xi32>
        %jit3A_591 = arith.constant 0 : i32
        %broadcast_in_dim3A_592 = vector.broadcast %jit3A_591 : i32 to vector<16xi32>
        %select_n3A_593 = arith.select %lt3A_587, %and3A_590, %broadcast_in_dim3A_592 : vector<16xi1>, vector<16xi32>
        %shift_right_arithmetic3A_594 = arith.constant 12 : i32
        %shift_right_arithmetic3A_595 = vector.broadcast %shift_right_arithmetic3A_594 : i32 to vector<16xi32>
        %shift_right_arithmetic3A_596 = arith.shrsi %get3A_582, %shift_right_arithmetic3A_595 : vector<16xi32>
        tpu.vector_store_idx %arg10[%select_n3A_593], %shift_right_arithmetic3A_596 masked %lt3A_587 : memref<3072xi32, #tpu.memory_space<vmem>>[vector<16xi32>], vector<16xi32>, vector<16xi1>
        %while3A_597 = arith.constant 0 : i32
        scf.yield %while3A_597 : i32
      }
      %scan3A_573 = arith.constant 0 : i32
      scf.yield %scan3A_573 : i32
    }
    %scan3A_518 = arith.constant 32 : i32
    %scan3A_519 = arith.constant 0 : i32
    %scan3A_520 = arith.constant 0 : i32
    %scan3A_521 = arith.constant 24 : i32
    %scan3A_522 = arith.addi %scan3A_520, %scan3A_521 : i32
    %scan3A_523 = arith.constant 1 : i32
    %scan3A_524 = scf.for %scan3A_526 = %scan3A_520 to %scan3A_522 step %scan3A_523 iter_args(%scan3A_527 = %scan3A_519) -> (i32)  : i32 {
      %mul3A_528 = arith.constant 128 : i32
      %mul3A_529 = arith.muli %scan3A_526, %mul3A_528 : i32
      %add3A_530 = arith.addi %mul3A_2, %mul3A_529 : i32
      %scan3A_531 = arith.constant 0 : i32
      %scan3A_532 = arith.constant 0 : i32
      %scan3A_533 = arith.constant 8 : i32
      %scan3A_534 = arith.addi %scan3A_532, %scan3A_533 : i32
      %scan3A_535 = arith.constant 1 : i32
      %scan3A_536 = scf.for %scan3A_576 = %scan3A_532 to %scan3A_534 step %scan3A_535 iter_args(%scan3A_577 = %scan3A_531) -> (i32)  : i32 {
        %mul3A_578 = arith.constant 128 : i32
        %mul3A_579 = arith.muli %scan3A_526, %mul3A_578 : i32
        %mul3A_580 = arith.constant 16 : i32
        %mul3A_581 = arith.muli %scan3A_576, %mul3A_580 : i32
        %add3A_582 = arith.addi %mul3A_579, %mul3A_581 : i32
        %get3A = arith.index_cast %add3A_582 : i32 to index
        %get3A_583 = tpu.vector_load %arg10[%get3A] {strides = array<i32>} : memref<3072xi32, #tpu.memory_space<vmem>>, vector<16xi32>,
        %mul3A_584 = arith.constant 16 : i32
        %mul3A_585 = arith.muli %scan3A_576, %mul3A_584 : i32
        %swap3A = arith.index_cast %mul3A_585 : i32 to index
        %swap3A_586 = tpu.vector_load %arg11[%swap3A] {strides = array<i32>} : memref<128xi32, #tpu.memory_space<vmem>>, vector<16xi32>,
        tpu.vector_store %arg11[%swap3A], %get3A_583 {strides = array<i32>} : memref<128xi32, #tpu.memory_space<vmem>>, vector<16xi32>,
        %scan3A_587 = arith.constant 0 : i32
        scf.yield %scan3A_587 : i32
      }
      %scan3A_537 = arith.constant 8 : i32
      %jit3A = arith.constant 32768 : i32
      %div3A = arith.divsi %add3A_530, %jit3A : i32
      %sign3A = arith.constant 0 : i32
      %sign3A_538 = arith.cmpi sgt, %add3A_530, %sign3A : i32
      %sign3A_539 = arith.extui %sign3A_538 : i1 to i32
      %sign3A_540 = arith.constant 0 : i32
      %sign3A_541 = arith.cmpi slt, %add3A_530, %sign3A_540 : i32
      %sign3A_542 = arith.extui %sign3A_541 : i1 to i32
      %sign3A_543 = arith.subi %sign3A_539, %sign3A_542 : i32
      %sign3A_544 = arith.constant 0 : i32
      %sign3A_545 = arith.cmpi sgt, %jit3A, %sign3A_544 : i32
      %sign3A_546 = arith.extui %sign3A_545 : i1 to i32
      %sign3A_547 = arith.constant 0 : i32
      %sign3A_548 = arith.cmpi slt, %jit3A, %sign3A_547 : i32
      %sign3A_549 = arith.extui %sign3A_548 : i1 to i32
      %sign3A_550 = arith.subi %sign3A_546, %sign3A_549 : i32
      %ne3A = arith.cmpi ne, %sign3A_543, %sign3A_550 : i32
      %rem3A = arith.remsi %add3A_530, %jit3A : i32
      %ne3A_551 = arith.constant 0 : i32
      %ne3A_552 = arith.cmpi ne, %rem3A, %ne3A_551 : i32
      %and3A = arith.andi %ne3A, %ne3A_552 : i1
      %sub3A = arith.constant 1 : i32
      %sub3A_553 = arith.subi %div3A, %sub3A : i32
      %select_n3A = arith.select %and3A, %sub3A_553, %div3A : i32
      %mul3A_554 = arith.constant 32768 : i32
      %mul3A_555 = arith.muli %select_n3A, %mul3A_554 : i32
      %sub3A_556 = arith.subi %add3A_530, %mul3A_555 : i32
      %eq3A = arith.constant 0 : i32
      %eq3A_557 = arith.cmpi eq, %select_n3A, %eq3A : i32
      %convert_element_type3A = arith.extui %eq3A_557 : i1 to i32
      %cond3A = arith.constant 0 : i32
      %cond3A_558 = arith.cmpi ne, %convert_element_type3A, %cond3A : i32
      scf.if %cond3A_558 {
        "tpu.region"() ({
          %run_scoped3A = tpu.sem_alloc : memref<!tpu.dma_semaphore, #tpu.memory_space<semaphore_mem>>
          %dma_start3A_576 = arith.constant 0 : i32
          %dma_start3A_577 = tpu.memref_slice %arg2[%sub3A_556, %dma_start3A_576] : memref<32768x256xf32, #tpu.memory_space<hbm>> -> memref<128x256xf32, #tpu.memory_space<hbm>>
          %dma_start3A_578 = arith.constant 0 : i32
          %dma_start3A_579 = tpu.memref_slice %arg2[%sub3A_556, %dma_start3A_578] : memref<32768x256xf32, #tpu.memory_space<hbm>> -> memref<128x256xf32, #tpu.memory_space<hbm>>
          tpu.enqueue_dma source(%dma_start3A_579 : memref<128x256xf32, #tpu.memory_space<hbm>>) target(%arg12 : memref<128x256xf32, #tpu.memory_space<vmem>>) target_semaphore(%run_scoped3A : memref<!tpu.dma_semaphore, #tpu.memory_space<semaphore_mem>>)
          %dma_wait3A_580 = arith.constant 0 : i32
          %dma_wait3A_581 = tpu.memref_slice %arg2[%sub3A_556, %dma_wait3A_580] : memref<32768x256xf32, #tpu.memory_space<hbm>> -> memref<128x256xf32, #tpu.memory_space<hbm>>
          %dma_wait3A_582 = arith.constant 0 : i32
          %dma_wait3A_583 = tpu.memref_slice %arg2[%sub3A_556, %dma_wait3A_582] : memref<32768x256xf32, #tpu.memory_space<hbm>> -> memref<128x256xf32, #tpu.memory_space<hbm>>
          tpu.wait_dma2 semaphore(%run_scoped3A : memref<!tpu.dma_semaphore, #tpu.memory_space<semaphore_mem>>) src(%dma_wait3A_583 : memref<128x256xf32, #tpu.memory_space<hbm>>) dst(%arg12 : memref<128x256xf32, #tpu.memory_space<vmem>>)
          tpu.yield
        }) : () -> ()
      } else {
      }
      %eq3A_559 = arith.constant 1 : i32
      %eq3A_560 = arith.cmpi eq, %select_n3A, %eq3A_559 : i32
      %convert_element_type3A_561 = arith.extui %eq3A_560 : i1 to i32
      %cond3A_562 = arith.constant 0 : i32
      %cond3A_563 = arith.cmpi ne, %convert_element_type3A_561, %cond3A_562 : i32
      scf.if %cond3A_563 {
        "tpu.region"() ({
          %run_scoped3A = tpu.sem_alloc : memref<!tpu.dma_semaphore, #tpu.memory_space<semaphore_mem>>
          %dma_start3A_576 = arith.constant 0 : i32
          %dma_start3A_577 = tpu.memref_slice %arg3[%sub3A_556, %dma_start3A_576] : memref<32768x256xf32, #tpu.memory_space<hbm>> -> memref<128x256xf32, #tpu.memory_space<hbm>>
          %dma_start3A_578 = arith.constant 0 : i32
          %dma_start3A_579 = tpu.memref_slice %arg3[%sub3A_556, %dma_start3A_578] : memref<32768x256xf32, #tpu.memory_space<hbm>> -> memref<128x256xf32, #tpu.memory_space<hbm>>
          tpu.enqueue_dma source(%dma_start3A_579 : memref<128x256xf32, #tpu.memory_space<hbm>>) target(%arg12 : memref<128x256xf32, #tpu.memory_space<vmem>>) target_semaphore(%run_scoped3A : memref<!tpu.dma_semaphore, #tpu.memory_space<semaphore_mem>>)
          %dma_wait3A_580 = arith.constant 0 : i32
          %dma_wait3A_581 = tpu.memref_slice %arg3[%sub3A_556, %dma_wait3A_580] : memref<32768x256xf32, #tpu.memory_space<hbm>> -> memref<128x256xf32, #tpu.memory_space<hbm>>
          %dma_wait3A_582 = arith.constant 0 : i32
          %dma_wait3A_583 = tpu.memref_slice %arg3[%sub3A_556, %dma_wait3A_582] : memref<32768x256xf32, #tpu.memory_space<hbm>> -> memref<128x256xf32, #tpu.memory_space<hbm>>
          tpu.wait_dma2 semaphore(%run_scoped3A : memref<!tpu.dma_semaphore, #tpu.memory_space<semaphore_mem>>) src(%dma_wait3A_583 : memref<128x256xf32, #tpu.memory_space<hbm>>) dst(%arg12 : memref<128x256xf32, #tpu.memory_space<vmem>>)
          tpu.yield
        }) : () -> ()
      } else {
      }
      %eq3A_564 = arith.constant 2 : i32
      %eq3A_565 = arith.cmpi eq, %select_n3A, %eq3A_564 : i32
      %convert_element_type3A_566 = arith.extui %eq3A_565 : i1 to i32
      %cond3A_567 = arith.constant 0 : i32
      %cond3A_568 = arith.cmpi ne, %convert_element_type3A_566, %cond3A_567 : i32
      scf.if %cond3A_568 {
        "tpu.region"() ({
          %run_scoped3A = tpu.sem_alloc : memref<!tpu.dma_semaphore, #tpu.memory_space<semaphore_mem>>
          %dma_start3A_576 = arith.constant 0 : i32
          %dma_start3A_577 = tpu.memref_slice %arg4[%sub3A_556, %dma_start3A_576] : memref<32768x256xf32, #tpu.memory_space<hbm>> -> memref<128x256xf32, #tpu.memory_space<hbm>>
          %dma_start3A_578 = arith.constant 0 : i32
          %dma_start3A_579 = tpu.memref_slice %arg4[%sub3A_556, %dma_start3A_578] : memref<32768x256xf32, #tpu.memory_space<hbm>> -> memref<128x256xf32, #tpu.memory_space<hbm>>
          tpu.enqueue_dma source(%dma_start3A_579 : memref<128x256xf32, #tpu.memory_space<hbm>>) target(%arg12 : memref<128x256xf32, #tpu.memory_space<vmem>>) target_semaphore(%run_scoped3A : memref<!tpu.dma_semaphore, #tpu.memory_space<semaphore_mem>>)
          %dma_wait3A_580 = arith.constant 0 : i32
          %dma_wait3A_581 = tpu.memref_slice %arg4[%sub3A_556, %dma_wait3A_580] : memref<32768x256xf32, #tpu.memory_space<hbm>> -> memref<128x256xf32, #tpu.memory_space<hbm>>
          %dma_wait3A_582 = arith.constant 0 : i32
          %dma_wait3A_583 = tpu.memref_slice %arg4[%sub3A_556, %dma_wait3A_582] : memref<32768x256xf32, #tpu.memory_space<hbm>> -> memref<128x256xf32, #tpu.memory_space<hbm>>
          tpu.wait_dma2 semaphore(%run_scoped3A : memref<!tpu.dma_semaphore, #tpu.memory_space<semaphore_mem>>) src(%dma_wait3A_583 : memref<128x256xf32, #tpu.memory_space<hbm>>) dst(%arg12 : memref<128x256xf32, #tpu.memory_space<vmem>>)
          tpu.yield
        }) : () -> ()
      } else {
      }
      %dma_start3A_569 = arith.constant 0 : i32
      %dma_start3A_570 = arith.constant 0 : i32
      %dma_start3A_571 = tpu.memref_slice %arg7[%dma_start3A_569, %dma_start3A_570] : memref<98304x256xf32, #tpu.memory_space<hbm>> -> memref<98304x256xf32, #tpu.memory_space<hbm>>
      tpu.enqueue_indirect_dma source(%arg12 : memref<128x256xf32, #tpu.memory_space<vmem>>) target(%dma_start3A_571 : memref<98304x256xf32, #tpu.memory_space<hbm>>) offsets(%arg11 : memref<128xi32, #tpu.memory_space<vmem>>) semaphore(%arg13 : memref<!tpu.dma_semaphore, #tpu.memory_space<semaphore_mem>>)
      %dma_wait3A_572 = arith.constant 0 : i32
      %dma_wait3A_573 = arith.constant 0 : i32
      %dma_wait3A_574 = tpu.memref_slice %arg7[%dma_wait3A_572, %dma_wait3A_573] : memref<98304x256xf32, #tpu.memory_space<hbm>> -> memref<98304x256xf32, #tpu.memory_space<hbm>>
      tpu.wait_indirect_dma semaphore(%arg13 : memref<!tpu.dma_semaphore, #tpu.memory_space<semaphore_mem>>) src(%arg12 : memref<128x256xf32, #tpu.memory_space<vmem>>) dst(%dma_wait3A_574 : memref<98304x256xf32, #tpu.memory_space<hbm>>)
      %scan3A_575 = arith.constant 0 : i32
      scf.yield %scan3A_575 : i32
    }
    %scan3A_525 = arith.constant 24 : i32
    return
  }
}

</mosaic_0001>

<sc_bundles>
// kernel: kernel.11.cloned.1.call-start
scs
__scs_entry_jumppad:
0x0: {  	(pc) =	sbr.rel $0x88, $3  }
0x1: {  	(tag) =	ssettag $0x0;
	lr =	simm.s32 $0x1  }
0x2: {  	[smem:$0x3F9D] =	sst lr;
	_ =	strace $0xD0000000  }
0x3: {  	_ = 	snop  }
0x4: {  	_ = 	snop  }
0x5: {  	_ = 	snop  }
0x6: {  	_ = 	snop  }
0x7: {  	_ = 	snop  }
__scs_overlays_trampoline_lowered:
0x8: {  	[smem:$0x3FAC] =	sst s0  }
0x9: {  	[smem:$0x3FAD] =	sst s1  }
0xa: {  	[smem:$0x3FAE] =	sst s2  }
0xb: {  	[smem:$0x3FAF] =	sst s3  }
0xc: {  	[smem:$0x3FB0] =	sst s4  }
0xd: {  	[smem:$0x3FB1] =	sst s5  }
0xe: {  	[smem:$0x3FB2] =	sst s6  }
0xf: {  	[smem:$0x3FB3] =	sst s7  }
0x10: {  	[smem:$0x3FB4] =	sst s8  }
0x11: {  	[smem:$0x3FB5] =	sst s9;
	s0 =	simm.s32 @!p0 $0x0  }
0x12: {  	s1 =	sld [smem:$0x3F9B];
	s0 =	simm.s32 @p0 $0x1  }
0x13: {  	[smem:$0x3FB6] =	sst s0;
	s0 =	simm.s32 @!p1 $0x0  }
0x14: {  	s2 =	sld [smem:$0x3F9A];
	s0 =	simm.s32 @p1 $0x1  }
0x15: {  	[smem:$0x3FB7] =	sst s0;
	s0 =	simm.s32 @!p2 $0x0  }
0x16: {  	s3 =	sld [smem:$0x3FDB];
	s0 =	simm.s32 @p2 $0x1  }
0x17: {  	s4 =	simm.s32 $0x1BF5;
	[smem:$0x3FB9] =	sst s0  }
0x18: {  	s0 =	sld [smem:$0x3F9C];
	_ =	swait.ge [sflag:s4], $0x0  }
0x19: {  	s7 =	sld [smem:$0x3F9D]  }
0x1a: {  	s8 =	sadd.s32 $0xFFFFE003, lr  }
0x1b: {  	s9 =	sadd.s32 $0xFFFFFEF7, lr;
	s5 =	simm.s32 $0xFFFFFFFF;
	p2 =	slt.u32 s8, $0xFFFFF086  }
0x1c: {  	p1 =	slt.u32 s9, $0xF7A;
	s5 =	simm.s32 @!p2 $0x0  }
0x1d: {  	s5 =	simm.s32 @p1 $0x1;
	p0 =	seq.s32 s7, s2  }
0x1e: {  	s7 =	smul.u32 @!p0 $0xF7A, s2;
	p2 =	seq.s32 @!p0 s5, $0x0  }
0x1f: {  	s9 =	smul.u32 $0xF7A, s1;
	s8 =	simm.s32 @!p0 $0x1BF5;
	p2 =	por !p2, p0  }
0x20: {  	[sflag:s8] =	ssyncset.s32 @!p0 $0xFFFFF086;
	s6 =	sadd.s32 @!p0 s3, s7;
	s7 =	simm.s32 @!p0 $0x108  }
0x21: {  	s3 =	sadd.s32 s3, s9;
	s6 =	sadd.s32 @!p0 $0x88, s6;
	s7 =	simm.s32 @p2 $0x1082  }
0x22: {  	[simem:s7], [sflag:s8] =	dma.local @!p0 [hbm:s6], $0xF7A  }
0x23: {  	s9 =	sor.u32 $0xD0000000, s2;
	s6 =	simm.s32 $0x108;
	_ =	swait.ge @!p0 [sflag:s8], $0x0  }
0x24: {  	s3 =	sadd.s32 $0x88, s3;
	s6 =	simm.s32 @!p1 $0x1082;
	[sflag:s4] =	ssyncset.s32 $0xFFFFF086  }
0x25: {  	[simem:s6], [sflag:s4] =	dma.local [hbm:s3], $0xF7A  }
0x26: {  	[smem:$0x3F9D] =	sst s1;
	(tag) =	ssettag s2;
	_ =	strace s9  }
0x27: {  	s1 =	sld [smem:$0x3FAD]  }
0x28: {  	s2 =	sld [smem:$0x3FAE]  }
0x29: {  	s4 =	sld [smem:$0x3FB0]  }
0x2a: {  	p0 =	seq.s32 s5, $0x0;
	s5 =	sld [smem:$0x3FB1]  }
0x2b: {  	s6 =	sld [smem:$0x3FB2]  }
0x2c: {  	s7 =	sld [smem:$0x3FB3]  }
0x2d: {  	s3 =	simm.s32 $0x108;
	s8 =	sld [smem:$0x3FB4]  }
0x2e: {  	s3 =	simm.s32 @!p0 $0x1082;
	s9 =	sld [smem:$0x3FB5]  }
0x2f: {  	lr =	sadd.s32 s0, s3;
	s0 =	sld [smem:$0x3FAC]  }
0x30: {  	s3 =	sld [smem:$0x3FAF]  }
0x31: {  	[smem:$0x3FB8] =	sst s10  }
0x32: {  	s10 =	sld [smem:$0x3FB6];
	_ =	sdelay $0x3  }
0x33: {  	p0 =	seq.s32 s10, $0x1;
	s10 =	sld [smem:$0x3FB8];
	_ =	sdelay $0x3  }
0x34: {  	[smem:$0x3FB8] =	sst s10  }
0x35: {  	s10 =	sld [smem:$0x3FB7];
	_ =	sdelay $0x3  }
0x36: {  	p1 =	seq.s32 s10, $0x1;
	s10 =	sld [smem:$0x3FB8];
	_ =	sdelay $0x3  }
0x37: {  	[smem:$0x3FB8] =	sst s10  }
0x38: {  	s10 =	sld [smem:$0x3FB9]  }
0x39: {  	_ = 	snop;
	(pc) =	sbr.ind lr, $3  }
0x3a: {  	_ = 	snop  }
0x3b: {  	_ = 	snop  }
0x3c: {  	p2 =	seq.s32 s10, $0x1;
	s10 =	sld [smem:$0x3FB8]  }
0x3d: {  	_ =	shalt  }
0x3e: {  	_ =	shalt  }
0x3f: {  	_ =	shalt  }
0x40: {  	_ =	shalt  }
0x41: {  	_ =	shalt  }
0x42: {  	_ =	shalt  }
0x43: {  	_ =	shalt  }
0x44: {  	_ =	shalt  }
0x45: {  	_ =	shalt  }
0x46: {  	_ =	shalt  }
0x47: {  	_ =	shalt  }
0x48: {  	_ =	shalt  }
0x49: {  	_ =	shalt  }
0x4a: {  	_ =	shalt  }
0x4b: {  	_ =	shalt  }
0x4c: {  	_ =	shalt  }
0x4d: {  	_ =	shalt  }
0x4e: {  	_ =	shalt  }
0x4f: {  	_ =	shalt  }
0x50: {  	_ =	shalt  }
0x51: {  	_ =	shalt  }
0x52: {  	_ =	shalt  }
0x53: {  	_ =	shalt  }
0x54: {  	_ =	shalt  }
0x55: {  	_ =	shalt  }
0x56: {  	_ =	shalt  }
0x57: {  	_ =	shalt  }
0x58: {  	_ =	shalt  }
0x59: {  	_ =	shalt  }
0x5a: {  	_ =	shalt  }
0x5b: {  	_ =	shalt  }
0x5c: {  	_ =	shalt  }
0x5d: {  	_ =	shalt  }
0x5e: {  	_ =	shalt  }
0x5f: {  	_ =	shalt  }
0x60: {  	_ =	shalt  }
0x61: {  	_ =	shalt  }
0x62: {  	_ =	shalt  }
0x63: {  	_ =	shalt  }
0x64: {  	_ =	shalt  }
0x65: {  	_ =	shalt  }
0x66: {  	_ =	shalt  }
0x67: {  	_ =	shalt  }
0x68: {  	_ =	shalt  }
0x69: {  	_ =	shalt  }
0x6a: {  	_ =	shalt  }
0x6b: {  	_ =	shalt  }
0x6c: {  	_ =	shalt  }
0x6d: {  	_ =	shalt  }
0x6e: {  	_ =	shalt  }
0x6f: {  	_ =	shalt  }
0x70: {  	_ =	shalt  }
0x71: {  	_ =	shalt  }
0x72: {  	_ =	shalt  }
0x73: {  	_ =	shalt  }
0x74: {  	_ =	shalt  }
0x75: {  	_ =	shalt  }
0x76: {  	_ =	shalt  }
0x77: {  	_ =	shalt  }
0x78: {  	_ =	shalt  }
0x79: {  	_ =	shalt  }
0x7a: {  	_ =	shalt  }
0x7b: {  	_ =	shalt  }
0x7c: {  	_ =	shalt  }
0x7d: {  	_ =	shalt  }
0x7e: {  	_ =	shalt  }
0x7f: {  	_ =	shalt  }
0x80: {  	_ =	shalt  }
0x81: {  	_ =	shalt  }
0x82: {  	_ =	shalt  }
0x83: {  	_ =	shalt  }
0x84: {  	_ =	shalt  }
0x85: {  	_ =	shalt  }
0x86: {  	_ =	shalt  }
0x87: {  	_ =	shalt  }
.Lfunc_end0:
.L_simem_size_0:
called_computation.2_lowered:
.L_overlay_start_0:
0x88: {  	s2 =	sld [smem:$0x3FD9]  }
0x89: {  	s3 =	sld [smem:$0x3FFE];
	_ =	sdelay $0x1  }
0x8a: {  	s1 =	srdreg.scid  }
0x8b: {  	s0 =	sand.u32 $0x1, s1  }
0x8c: {  	s17 =	sshll.u32 s0, $0xA;
	s2 =	sadd.s32 s3, s2  }
0x8d: {  	s2 =	sadd.s32 s2, s17  }
0x8e: {  	[smem:$0x3FC4] =	sst s2  }
0x8f: {  	_ = 	snop  }
0x90: {  	s2 =	sld [smem:$0x3FC9]  }
0x91: {  	s18 =	sld [smem:$0x3FC8]  }
0x92: {  	s4 =	sld [smem:$0x3FC7]  }
0x93: {  	s5 =	sld [smem:$0x3FD0];
	(tm) =	ssettm $0x1  }
0x94: {  	s6 =	sld [smem:$0x3FFB];
	_ =	sdelay $0x3  }
0x95: {  	_ =	strace s6  }
0x96: {  	s6 =	sld [smem:$0x3FFC];
	_ =	sdelay $0x3  }
0x97: {  	_ =	strace s6  }
0x98: {  	s6 =	sld [smem:$0x3FFD];
	_ =	sdelay $0x3  }
0x99: {  	_ =	strace s6  }
0x9a: {  	_ =	strace $0x8FFFFFFF  }
0x9b: {  	s19 =	sld [smem:$0x3FDB];
	_ =	sdelay $0x1  }
0x9c: {  	s7 =	simm.s32 $_scs_section_size  }
0x9d: {  	s8 =	simm.s32 $_size__tile_overlayer_lowered;
	s9 =	simm.s32 $_tile_overlayer_lowered  }
0x9e: {  	s22 =	simm.s32 $0x1BFF;
	s21 =	sshll.u32 s9, $0x1;
	s6 =	sadd.s32 s7, s19  }
0x9f: {  	s10 =	simm.s32 $0x0;
	s20 =	sshll.u32 s8, $0x1;
	s8 =	sadd.s32 s21, s6  }
0xa0: {  	[timem:s10], [sflag:s22] =	dma.local [hbm:s8], s20  }
0xa1: {  	_ =	swait.ge [sflag:s22], s20  }
0xa2: {  	s7 =	ssub.s32 $0x0, s20;
	[sflag:s22] =	ssyncset.done $0x0  }
0xa3: {  	[sflag:s22] =	ssyncadd.s32 s7;
	_ =	sdelay $0x1  }
0xa4: {  	s23 =	simm.s32 $0x1B8B  }
0xa5: {  	_ =	swait.ge [sflag:s23], $0x1  }
0xa6: {  	[sflag:s23] =	ssyncset.done $0x0  }
0xa7: {  	s25 =	simm.s32 $0x1B8E;
	s24 =	sld [smem:$0x3FFE];
	[sflag:s23] =	ssyncadd.s32 $0xFFFFFFFF  }
0xa8: {  	s26 =	simm.s32 $execute0_lowered;
	[smem:$0x3FD2] =	sst s25  }
0xa9: {  	s8 =	sshll.u32 s26, $0x1;
	_ =	strace $0x8000004C;
	[dreg:$0x1] =	wrdreg $0xFFFFFFFF  }
0xaa: {  	s28 =	simm.s32 $_size_execute0_lowered;
	s6 =	sadd.s32 s6, s8;
	[dreg:$0x0] =	wrdreg $0x0  }
0xab: {  	s8 =	sshll.u32 s28, $0x1;
	[dreg:$0x2] =	wrdreg s6  }
0xac: {  	[dreg:$0x3] =	wrdreg s8  }
0xad: {  	[dreg:$0x4] =	wrdreg $0xC0  }
0xae: {  	_ =	task [dreg:s10], $0x5FFFF  }
0xaf: {  	[dreg:$0x1] =	wrdreg $0xFFFFFFFF  }
0xb0: {  	[dreg:$0x0] =	wrdreg $0x60  }
0xb1: {  	[dreg:$0x2] =	wrdreg s2  }
0xb2: {  	[dreg:$0x3] =	wrdreg s18  }
0xb3: {  	[dreg:$0x4] =	wrdreg s4  }
0xb4: {  	[dreg:$0x5] =	wrdreg s24  }
0xb5: {  	[dreg:$0x6] =	wrdreg s5  }
0xb6: {  	[dreg:$0x7] =	wrdreg $0x9  }
0xb7: {  	_ =	task.clear_ibuf [dreg:s10], $0x8FFFF;
	_ =	strace $0x9000004C  }
0xb8: {  	s29 =	simm.s32 $0x9;
	_ =	strace $0x8000004E  }
0xb9: {  	_ =	swait.ge [sflag:s29], $0x1  }
0xba: {  	[sflag:s29] =	ssyncadd.s32 $0xFFFFFFFF  }
0xbb: {  	_ =	strace $0x9000004E  }
0xbc: {  	_ =	sfence  }
0xbd: {  	s30 =	sld [smem:$0x0];
	_ =	sdelay $0x2  }
0xbe: {  	s31 =	sshll.u32 s1, $0xD;
	s1 =	sshrl.u32 s1, $0x2  }
0xbf: {  	s3 =	sand.u32 $0x4000, s31;
	s1 =	sadd.s32 s1, s30  }
0xc0: {  	s0 =	sor.u32 s3, s0;
	s1 =	sshll.u32 s1, $0x11  }
0xc1: {  	s0 =	sor.u32 s1, s0  }
0xc2: {  	s0 =	sadd.s32 $0x8F2B, s0  }
0xc3: {  	[sflag:s0] =	ssyncadd.remote.s32 $0x1  }
0xc4: {  	_ =	sfence.sel $0xFFFF  }
0xc5: {  	[dreg:$0x0] =	wrdreg $0xFFFFFFFF;
	(pc) =	sbr.abs _section_cstart, $3  }
0xc6: {  	[dreg:$0x1] =	wrdreg $0xFFFFFFFF  }
0xc7: {  	_ =	task.clear_ibuf [dreg:s10], $0x2FFFF;
	_ =	strace $0x9FFFFFFF  }
0xc8: {  	(tm) =	ssettm $0x7FFFFFFF  }
0xc9: {  	_ =	shalt  }
tec
execute0_lowered:
.L_overlay_start_1:
0x0: {  	(tag) =	ssettag $0x1  }
0x1: {  	s1 =	rddreg [dreg:$0x0]  }
0x2: {  	s2 =	rddreg [dreg:$0x1];
	s10 =	stileid.u32  }
0x3: {  	s0 =	srdreg.scid;
	s13 =	smul.u32 $0x1800, s10  }
0x4: {  	s0 =	sand.u32 $0x1, s0;
	s4 =	sshll.u32 s10, $0x1;
	s10 =	smul.u32 $0x30000, s10  }
0x5: {  	s3 =	rddreg [dreg:$0x3];
	s16 =	smul.u32 $0xC00, s0  }
0x6: {  	s4 =	sor.u32 s0, s4;
	s8 =	ssub.s32 $0x2, s0;
	s0 =	smul.u32 $0x18000, s0  }
0x7: {  	s5 =	rddreg [dreg:$0x4];
	s6 =	simm.s32 $0x0;
	s7 =	smul.u32 $0x140, s4  }
0x8: {  	[smem:$0x7FF] =	sst s6  }
0x9: {  	_ =	strace $0x8000004D;
	s0 =	sadd.s32 s0, s10;
	s7 =	sshrl.u32 s7, $0x3  }
0xa: {  	[dreg:$0x13] =	wrdreg s0;
	s7 =	sadd.s32 s7, s3;
	s3 =	sadd.s32 $0x1000, s3  }
0xb: {  	[dreg:$0x6] =	wrdreg s3;
	s11 =	sadd.s32 $0x1200, s7  }
0xc: {  	s12 =	sadd.s32 $0x1700, s7;
	[dreg:$0x7] =	wrdreg s11  }
0xd: {  	s14 =	sadd.s32 $0x1C00, s7;
	[dreg:$0x8] =	wrdreg s12  }
0xe: {  	s15 =	sadd.s32 $0x2100, s7;
	[dreg:$0x9] =	wrdreg s14  }
0xf: {  	s17 =	sadd.s32 $0x2B00, s7;
	[dreg:$0xa] =	wrdreg s15  }
0x10: {  	s18 =	sadd.s32 $0x3000, s7;
	[dreg:$0xc] =	wrdreg s17  }
0x11: {  	s19 =	sadd.s32 $0x3500, s7;
	[dreg:$0xd] =	wrdreg s18  }
0x12: {  	s20 =	sadd.s32 $0x3A00, s7;
	[dreg:$0xe] =	wrdreg s19  }
0x13: {  	s21 =	sadd.s32 $0x3F00, s7;
	[dreg:$0xf] =	wrdreg s20  }
0x14: {  	s22 =	sadd.s32 $0x4400, s7;
	[dreg:$0x10] =	wrdreg s21  }
0x15: {  	s23 =	sadd.s32 $0x4900, s7;
	[dreg:$0x11] =	wrdreg s22  }
0x16: {  	s24 =	sadd.s32 $0x4E00, s7;
	[dreg:$0x12] =	wrdreg s23  }
0x17: {  	s25 =	sadd.s32 $0x5300, s7;
	[dreg:$0x14] =	wrdreg s24  }
0x18: {  	s9 =	sshrl.u32 s8, $0x1;
	s26 =	sadd.s32 $0x5800, s7;
	[dreg:$0x15] =	wrdreg s25  }
0x19: {  	s3 =	ssub.s32 s8, s9;
	s8 =	sadd.s32 $0x5D00, s7;
	[dreg:$0x16] =	wrdreg s26  }
0x1a: {  	s9 =	sadd.s32 $0x6200, s7;
	[dreg:$0x17] =	wrdreg s8  }
0x1b: {  	s10 =	sadd.s32 $0x6700, s7;
	[dreg:$0x18] =	wrdreg s9  }
0x1c: {  	s11 =	sadd.s32 $0x2600, s7;
	[dreg:$0x19] =	wrdreg s10  }
0x1d: {  	s12 =	sadd.s32 $0x7100, s7;
	[dreg:$0xb] =	wrdreg s11  }
0x1e: {  	s19 =	sadd.s32 s16, s13;
	s13 =	sadd.s32 $0x7600, s7;
	[dreg:$0x1b] =	wrdreg s12  }
0x1f: {  	s14 =	sadd.s32 $0x7B00, s7;
	[dreg:$0x1c] =	wrdreg s13  }
0x20: {  	s28 =	simm.s32 $0x6880;
	s15 =	sadd.s32 $0x8000, s7;
	[dreg:$0x1d] =	wrdreg s14  }
0x21: {  	s29 =	simm.s32 $0x7080;
	s16 =	sadd.s32 $0x8500, s7;
	[dreg:$0x1e] =	wrdreg s15  }
0x22: {  	s30 =	simm.s32 $0x7880;
	s17 =	sadd.s32 $0x8A00, s7;
	[dreg:$0x1f] =	wrdreg s16  }
0x23: {  	s31 =	simm.s32 $0x8080;
	s18 =	sadd.s32 $0x8F00, s7;
	[smem:$0x7F5] =	sst s17  }
0x24: {  	s20 =	sadd.s32 $0x9400, s7;
	s21 =	sadd.s32 $0x9900, s7;
	[smem:$0x7F6] =	sst s18  }
0x25: {  	s22 =	sadd.s32 $0x9E00, s7;
	s23 =	sadd.s32 $0xA300, s7;
	[smem:$0x7F7] =	sst s20  }
0x26: {  	s24 =	sadd.s32 $0xA800, s7;
	s25 =	sadd.s32 $0xAD00, s7;
	[smem:$0x7F8] =	sst s21  }
0x27: {  	s26 =	sshll.u32 s4, $0x5;
	s3 =	smax.u32 s3, $0x1;
	[smem:$0x7F9] =	sst s22  }
0x28: {  	s4 =	simm.s32 $0x8880;
	s8 =	simm.s32 $0xA080;
	[smem:$0x7FA] =	sst s23  }
0x29: {  	s9 =	simm.s32 $0xA880;
	s10 =	simm.s32 $0xB080;
	[smem:$0x7FB] =	sst s24  }
0x2a: {  	s11 =	sadd.s32 $0x6C00, s7;
	[smem:$0x7FC] =	sst s25;
	s0 =	sor.u32 $0x2800, s26  }
.Ltmp0:
0x2b: {  	[smem:$0x7FD] =	sst s3;
	s17 =	simm.s32 $0x2;
	(pc) =	sbr.rel .LBB2_1-.Ltmp0, $4  }
0x2c: {  	s18 =	simm.s32 $0x1;
	s20 =	simm.s32 $0x2C00;
	s22 =	simm.s32 $0x3880  }
0x2d: {  	v0 =	vlaneseq.u32;
	s23 =	simm.s32 $0x4080;
	s24 =	simm.s32 $0x4880;
	s25 =	simm.s32 $0x5080  }
0x2e: {  	vm0 =	vmmov $0xffff;
	v2 =	vand.u32 $0x7, v0;
	v3 =	vshrl.u32 v0, $0x3;
	s21 =	simm.s32 $0x5880;
	s26 =	simm.s32 $0x6080;
	s7 =	simm.s32 $0x9880  }
0x2f: {  	v4 =	vor.u32 $0x8, v0;
	v3 =	vmul.u32 $0x8, v3;
	[dreg:$0x1a] =	wrdreg s11;
	v1 =	vmov s0;
	s0 =	simm.s32 $0x9080;
	s11 =	simm.s32 $0x0  }
.LBB2_17:
0x30: {  	s3 =	sld [smem:$0x7FD];
	_ =	sdelay $0x1  }
0x31: {  	s11 =	sadd.s32 $0x1, s11  }
0x32: {  	p0 =	sne.s32 s11, s3  }
.Ltmp1:
0x33: {  	_ = 	snop;
	(pc) =	sbr.rel @!p0 .LBB2_18-.Ltmp1, $1  }
0x34: {  	_ =	sdelay $0x3  }
.LBB2_1:
0x35: {  	s3 =	rddreg [dreg:$0x6];
	s12 =	simm.s32 $0x2800  }
0x36: {  	[tilespmem:s12], [sflag:$0x2] =	stream.linear.gather [hbm4b:s3+s6], $0x400, $0x38;
	[tilespmem:$0xB880] =	vst v63  }
0x37: {  	_ =	swait.ge [sflag:s17], $0x400  }
0x38: {  	[sflag:s17] =	ssyncset.done $0x0;
	s14 =	rddreg [dreg:$0x7]  }
0x39: {  	s15 =	rddreg [dreg:$0x8];
	[sflag:s17] =	ssyncadd.s32 $0xFFFFFC00  }
0x3a: {  	[tilespmem:s6], [sflag:$0x1] =	stream.linear.gather [hbm4b:s14+s6], $0x140, $0x38;
	[tilespmem:$0xB880] =	vst v63  }
0x3b: {  	s16 =	simm.s32 $0x140;
	s13 =	rddreg [dreg:$0x9]  }
0x3c: {  	[tilespmem:s16], [sflag:$0x1] =	stream.linear.gather [hbm4b:s15+s6], $0x140, $0x38;
	[tilespmem:$0xB880] =	vst v63  }
0x3d: {  	s14 =	simm.s32 $0x280;
	s15 =	rddreg [dreg:$0xa]  }
0x3e: {  	[tilespmem:s14], [sflag:$0x1] =	stream.linear.gather [hbm4b:s13+s6], $0x140, $0x38;
	[tilespmem:$0xB880] =	vst v63  }
0x3f: {  	s16 =	simm.s32 $0x3C0;
	s13 =	rddreg [dreg:$0xb]  }
0x40: {  	[tilespmem:s16], [sflag:$0x1] =	stream.linear.gather [hbm4b:s15+s6], $0x140, $0x38;
	[tilespmem:$0xB880] =	vst v63  }
0x41: {  	s14 =	simm.s32 $0x500;
	s15 =	rddreg [dreg:$0xc]  }
0x42: {  	[tilespmem:s14], [sflag:$0x1] =	stream.linear.gather [hbm4b:s13+s6], $0x140, $0x38;
	[tilespmem:$0xB880] =	vst v63  }
0x43: {  	s16 =	simm.s32 $0x640;
	s13 =	rddreg [dreg:$0xd]  }
0x44: {  	[tilespmem:s16], [sflag:$0x1] =	stream.linear.gather [hbm4b:s15+s6], $0x140, $0x38;
	[tilespmem:$0xB880] =	vst v63  }
0x45: {  	s14 =	simm.s32 $0x780;
	s15 =	rddreg [dreg:$0xe]  }
0x46: {  	[tilespmem:s14], [sflag:$0x1] =	stream.linear.gather [hbm4b:s13+s6], $0x140, $0x38;
	[tilespmem:$0xB880] =	vst v63  }
0x47: {  	s16 =	simm.s32 $0x8C0;
	s13 =	rddreg [dreg:$0xf]  }
0x48: {  	[tilespmem:s16], [sflag:$0x1] =	stream.linear.gather [hbm4b:s15+s6], $0x140, $0x38;
	[tilespmem:$0xB880] =	vst v63  }
0x49: {  	s14 =	simm.s32 $0xA00;
	s15 =	rddreg [dreg:$0x10]  }
0x4a: {  	[tilespmem:s14], [sflag:$0x1] =	stream.linear.gather [hbm4b:s13+s6], $0x140, $0x38;
	[tilespmem:$0xB880] =	vst v63  }
0x4b: {  	s16 =	simm.s32 $0xB40;
	s13 =	rddreg [dreg:$0x11]  }
0x4c: {  	[tilespmem:s16], [sflag:$0x1] =	stream.linear.gather [hbm4b:s15+s6], $0x140, $0x38;
	[tilespmem:$0xB880] =	vst v63  }
0x4d: {  	s14 =	simm.s32 $0xC80;
	s15 =	rddreg [dreg:$0x12]  }
0x4e: {  	[tilespmem:s14], [sflag:$0x1] =	stream.linear.gather [hbm4b:s13+s6], $0x140, $0x38;
	[tilespmem:$0xB880] =	vst v63  }
0x4f: {  	s16 =	simm.s32 $0xDC0;
	s13 =	rddreg [dreg:$0x14]  }
0x50: {  	[tilespmem:s16], [sflag:$0x1] =	stream.linear.gather [hbm4b:s15+s6], $0x140, $0x38;
	[tilespmem:$0xB880] =	vst v63  }
0x51: {  	s14 =	simm.s32 $0xF00;
	s15 =	rddreg [dreg:$0x15]  }
0x52: {  	[tilespmem:s14], [sflag:$0x1] =	stream.linear.gather [hbm4b:s13+s6], $0x140, $0x38;
	[tilespmem:$0xB880] =	vst v63  }
0x53: {  	s16 =	simm.s32 $0x1040;
	s13 =	rddreg [dreg:$0x16]  }
0x54: {  	[tilespmem:s16], [sflag:$0x1] =	stream.linear.gather [hbm4b:s15+s6], $0x140, $0x38;
	[tilespmem:$0xB880] =	vst v63  }
0x55: {  	s14 =	simm.s32 $0x1180;
	s15 =	rddreg [dreg:$0x17]  }
0x56: {  	[tilespmem:s14], [sflag:$0x1] =	stream.linear.gather [hbm4b:s13+s6], $0x140, $0x38;
	[tilespmem:$0xB880] =	vst v63  }
0x57: {  	s16 =	simm.s32 $0x12C0;
	s13 =	rddreg [dreg:$0x18]  }
0x58: {  	[tilespmem:s16], [sflag:$0x1] =	stream.linear.gather [hbm4b:s15+s6], $0x140, $0x38;
	[tilespmem:$0xB880] =	vst v63  }
0x59: {  	s14 =	simm.s32 $0x1400;
	s15 =	rddreg [dreg:$0x19]  }
0x5a: {  	[tilespmem:s14], [sflag:$0x1] =	stream.linear.gather [hbm4b:s13+s6], $0x140, $0x38;
	[tilespmem:$0xB880] =	vst v63  }
0x5b: {  	s16 =	simm.s32 $0x1540;
	s13 =	rddreg [dreg:$0x1a]  }
0x5c: {  	[tilespmem:s16], [sflag:$0x1] =	stream.linear.gather [hbm4b:s15+s6], $0x140, $0x38;
	[tilespmem:$0xB880] =	vst v63  }
0x5d: {  	s14 =	simm.s32 $0x1680;
	s15 =	rddreg [dreg:$0x1b]  }
0x5e: {  	[tilespmem:s14], [sflag:$0x1] =	stream.linear.gather [hbm4b:s13+s6], $0x140, $0x38;
	[tilespmem:$0xB880] =	vst v63  }
0x5f: {  	s16 =	simm.s32 $0x17C0;
	s13 =	rddreg [dreg:$0x1c]  }
0x60: {  	[tilespmem:s16], [sflag:$0x1] =	stream.linear.gather [hbm4b:s15+s6], $0x140, $0x38;
	[tilespmem:$0xB880] =	vst v63  }
0x61: {  	s14 =	simm.s32 $0x1900;
	s15 =	rddreg [dreg:$0x1d]  }
0x62: {  	[tilespmem:s14], [sflag:$0x1] =	stream.linear.gather [hbm4b:s13+s6], $0x140, $0x38;
	[tilespmem:$0xB880] =	vst v63  }
0x63: {  	s16 =	simm.s32 $0x1A40;
	s13 =	rddreg [dreg:$0x1e]  }
0x64: {  	[tilespmem:s16], [sflag:$0x1] =	stream.linear.gather [hbm4b:s15+s6], $0x140, $0x38;
	[tilespmem:$0xB880] =	vst v63  }
0x65: {  	s14 =	simm.s32 $0x1B80;
	s15 =	rddreg [dreg:$0x1f]  }
0x66: {  	[tilespmem:s14], [sflag:$0x1] =	stream.linear.gather [hbm4b:s13+s6], $0x140, $0x38;
	[tilespmem:$0xB880] =	vst v63  }
0x67: {  	s16 =	simm.s32 $0x1CC0;
	s13 =	sld [smem:$0x7F5]  }
0x68: {  	[tilespmem:s16], [sflag:$0x1] =	stream.linear.gather [hbm4b:s15+s6], $0x140, $0x38;
	[tilespmem:$0xB880] =	vst v63  }
0x69: {  	s14 =	simm.s32 $0x1E00;
	s15 =	sld [smem:$0x7F6]  }
0x6a: {  	[tilespmem:s14], [sflag:$0x1] =	stream.linear.gather [hbm4b:s13+s6], $0x140, $0x38;
	[tilespmem:$0xB880] =	vst v63  }
0x6b: {  	s16 =	simm.s32 $0x1F40;
	s13 =	sld [smem:$0x7F7]  }
0x6c: {  	[tilespmem:s16], [sflag:$0x1] =	stream.linear.gather [hbm4b:s15+s6], $0x140, $0x38;
	[tilespmem:$0xB880] =	vst v63  }
0x6d: {  	s14 =	simm.s32 $0x2080;
	s15 =	sld [smem:$0x7F8]  }
0x6e: {  	[tilespmem:s14], [sflag:$0x1] =	stream.linear.gather [hbm4b:s13+s6], $0x140, $0x38;
	[tilespmem:$0xB880] =	vst v63  }
0x6f: {  	s16 =	simm.s32 $0x21C0;
	s13 =	sld [smem:$0x7F9]  }
0x70: {  	[tilespmem:s16], [sflag:$0x1] =	stream.linear.gather [hbm4b:s15+s6], $0x140, $0x38;
	[tilespmem:$0xB880] =	vst v63  }
0x71: {  	s14 =	simm.s32 $0x2300;
	s15 =	sld [smem:$0x7FA]  }
0x72: {  	[tilespmem:s14], [sflag:$0x1] =	stream.linear.gather [hbm4b:s13+s6], $0x140, $0x38;
	[tilespmem:$0xB880] =	vst v63  }
0x73: {  	s16 =	simm.s32 $0x2440;
	s13 =	sld [smem:$0x7FB]  }
0x74: {  	[tilespmem:s16], [sflag:$0x1] =	stream.linear.gather [hbm4b:s15+s6], $0x140, $0x38;
	[tilespmem:$0xB880] =	vst v63  }
0x75: {  	s14 =	simm.s32 $0x2580;
	s15 =	sld [smem:$0x7FC]  }
0x76: {  	[tilespmem:s14], [sflag:$0x1] =	stream.linear.gather [hbm4b:s13+s6], $0x140, $0x38;
	[tilespmem:$0xB880] =	vst v63  }
0x77: {  	s16 =	simm.s32 $0x26C0  }
0x78: {  	[tilespmem:s16], [sflag:$0x1] =	stream.linear.gather [hbm4b:s15+s6], $0x140, $0x38;
	[tilespmem:$0xB880] =	vst v63  }
0x79: {  	_ =	swait.ge [sflag:s18], $0x140  }
0x7a: {  	[sflag:s18] =	ssyncset.done $0x0  }
0x7b: {  	[sflag:s18] =	ssyncadd.s32 $0xFFFFFEC0  }
0x7c: {  	_ =	swait.ge [sflag:s18], $0x140  }
0x7d: {  	[sflag:s18] =	ssyncset.done $0x0  }
0x7e: {  	[sflag:s18] =	ssyncadd.s32 $0xFFFFFEC0  }
0x7f: {  	_ =	swait.ge [sflag:s18], $0x140  }
0x80: {  	[sflag:s18] =	ssyncset.done $0x0  }
0x81: {  	[sflag:s18] =	ssyncadd.s32 $0xFFFFFEC0  }
0x82: {  	_ =	swait.ge [sflag:s18], $0x140  }
0x83: {  	[sflag:s18] =	ssyncset.done $0x0  }
0x84: {  	[sflag:s18] =	ssyncadd.s32 $0xFFFFFEC0  }
0x85: {  	_ =	swait.ge [sflag:s18], $0x140  }
0x86: {  	[sflag:s18] =	ssyncset.done $0x0  }
0x87: {  	[sflag:s18] =	ssyncadd.s32 $0xFFFFFEC0  }
0x88: {  	_ =	swait.ge [sflag:s18], $0x140  }
0x89: {  	[sflag:s18] =	ssyncset.done $0x0  }
0x8a: {  	[sflag:s18] =	ssyncadd.s32 $0xFFFFFEC0  }
0x8b: {  	_ =	swait.ge [sflag:s18], $0x140  }
0x8c: {  	[sflag:s18] =	ssyncset.done $0x0  }
0x8d: {  	[sflag:s18] =	ssyncadd.s32 $0xFFFFFEC0  }
0x8e: {  	_ =	swait.ge [sflag:s18], $0x140  }
0x8f: {  	[sflag:s18] =	ssyncset.done $0x0  }
0x90: {  	[sflag:s18] =	ssyncadd.s32 $0xFFFFFEC0  }
0x91: {  	_ =	swait.ge [sflag:s18], $0x140  }
0x92: {  	[sflag:s18] =	ssyncset.done $0x0  }
0x93: {  	[sflag:s18] =	ssyncadd.s32 $0xFFFFFEC0  }
0x94: {  	_ =	swait.ge [sflag:s18], $0x140  }
0x95: {  	[sflag:s18] =	ssyncset.done $0x0  }
0x96: {  	[sflag:s18] =	ssyncadd.s32 $0xFFFFFEC0  }
0x97: {  	_ =	swait.ge [sflag:s18], $0x140  }
0x98: {  	[sflag:s18] =	ssyncset.done $0x0  }
0x99: {  	[sflag:s18] =	ssyncadd.s32 $0xFFFFFEC0  }
0x9a: {  	_ =	swait.ge [sflag:s18], $0x140  }
0x9b: {  	[sflag:s18] =	ssyncset.done $0x0  }
0x9c: {  	[sflag:s18] =	ssyncadd.s32 $0xFFFFFEC0  }
0x9d: {  	_ =	swait.ge [sflag:s18], $0x140  }
0x9e: {  	[sflag:s18] =	ssyncset.done $0x0  }
0x9f: {  	[sflag:s18] =	ssyncadd.s32 $0xFFFFFEC0  }
0xa0: {  	_ =	swait.ge [sflag:s18], $0x140  }
0xa1: {  	[sflag:s18] =	ssyncset.done $0x0  }
0xa2: {  	[sflag:s18] =	ssyncadd.s32 $0xFFFFFEC0  }
0xa3: {  	_ =	swait.ge [sflag:s18], $0x140  }
0xa4: {  	[sflag:s18] =	ssyncset.done $0x0  }
0xa5: {  	[sflag:s18] =	ssyncadd.s32 $0xFFFFFEC0  }
0xa6: {  	_ =	swait.ge [sflag:s18], $0x140  }
0xa7: {  	[sflag:s18] =	ssyncset.done $0x0  }
0xa8: {  	[sflag:s18] =	ssyncadd.s32 $0xFFFFFEC0  }
0xa9: {  	_ =	swait.ge [sflag:s18], $0x140  }
0xaa: {  	[sflag:s18] =	ssyncset.done $0x0  }
0xab: {  	[sflag:s18] =	ssyncadd.s32 $0xFFFFFEC0  }
0xac: {  	_ =	swait.ge [sflag:s18], $0x140  }
0xad: {  	[sflag:s18] =	ssyncset.done $0x0  }
0xae: {  	[sflag:s18] =	ssyncadd.s32 $0xFFFFFEC0  }
0xaf: {  	_ =	swait.ge [sflag:s18], $0x140  }
0xb0: {  	[sflag:s18] =	ssyncset.done $0x0  }
0xb1: {  	[sflag:s18] =	ssyncadd.s32 $0xFFFFFEC0  }
0xb2: {  	_ =	swait.ge [sflag:s18], $0x140  }
0xb3: {  	[sflag:s18] =	ssyncset.done $0x0  }
0xb4: {  	[sflag:s18] =	ssyncadd.s32 $0xFFFFFEC0  }
0xb5: {  	_ =	swait.ge [sflag:s18], $0x140  }
0xb6: {  	[sflag:s18] =	ssyncset.done $0x0  }
0xb7: {  	[sflag:s18] =	ssyncadd.s32 $0xFFFFFEC0  }
0xb8: {  	_ =	swait.ge [sflag:s18], $0x140  }
0xb9: {  	[sflag:s18] =	ssyncset.done $0x0  }
0xba: {  	[sflag:s18] =	ssyncadd.s32 $0xFFFFFEC0  }
0xbb: {  	_ =	swait.ge [sflag:s18], $0x140  }
0xbc: {  	[sflag:s18] =	ssyncset.done $0x0  }
0xbd: {  	[sflag:s18] =	ssyncadd.s32 $0xFFFFFEC0  }
0xbe: {  	_ =	swait.ge [sflag:s18], $0x140  }
0xbf: {  	[sflag:s18] =	ssyncset.done $0x0  }
0xc0: {  	[sflag:s18] =	ssyncadd.s32 $0xFFFFFEC0  }
0xc1: {  	_ =	swait.ge [sflag:s18], $0x140  }
0xc2: {  	[sflag:s18] =	ssyncset.done $0x0  }
0xc3: {  	[sflag:s18] =	ssyncadd.s32 $0xFFFFFEC0  }
0xc4: {  	_ =	swait.ge [sflag:s18], $0x140  }
0xc5: {  	[sflag:s18] =	ssyncset.done $0x0  }
0xc6: {  	[sflag:s18] =	ssyncadd.s32 $0xFFFFFEC0  }
0xc7: {  	_ =	swait.ge [sflag:s18], $0x140  }
0xc8: {  	[sflag:s18] =	ssyncset.done $0x0  }
0xc9: {  	[sflag:s18] =	ssyncadd.s32 $0xFFFFFEC0  }
0xca: {  	_ =	swait.ge [sflag:s18], $0x140  }
0xcb: {  	[sflag:s18] =	ssyncset.done $0x0  }
0xcc: {  	[sflag:s18] =	ssyncadd.s32 $0xFFFFFEC0  }
0xcd: {  	_ =	swait.ge [sflag:s18], $0x140  }
0xce: {  	[sflag:s18] =	ssyncset.done $0x0  }
0xcf: {  	[sflag:s18] =	ssyncadd.s32 $0xFFFFFEC0  }
0xd0: {  	_ =	swait.ge [sflag:s18], $0x140  }
0xd1: {  	[sflag:s18] =	ssyncset.done $0x0  }
0xd2: {  	[sflag:s18] =	ssyncadd.s32 $0xFFFFFEC0  }
0xd3: {  	_ =	swait.ge [sflag:s18], $0x140  }
.Ltmp2:
0xd4: {  	[sflag:s18] =	ssyncset.done $0x0;
	(pc) =	sbr.rel .LBB2_2-.Ltmp2, $4  }
0xd5: {  	[sflag:s18] =	ssyncadd.s32 $0xFFFFFEC0  }
0xd6: {  	_ =	swait.ge [sflag:s18], $0x140  }
0xd7: {  	[sflag:s18] =	ssyncset.done $0x0  }
0xd8: {  	s12 =	simm.s32 $0x0;
	s13 =	simm.s32 $0x0;
	[sflag:s18] =	ssyncadd.s32 $0xFFFFFEC0  }
.LBB2_4:
0xd9: {  	s15 =	simm.s32 $0x0  }
.LBB2_8:
0xda: {  	s3 =	sadd.s32 @p0 $0x10, s15  }
0xdb: {  	s14 =	smov.u32 @p0 s3  }
0xdc: {  	v7 =	vor.u32 s14, v0  }
0xdd: {  	vm1 =	vlt.s32 v7, v5;
	v5 =	vand.u32 $0xFFF, v6  }
0xde: {  	v5 =	vnsel vm1, $0x0, v5;
	_ =	sdelay $0x3  }
0xdf: {  	v6 =	vshra.s32 v6, $0xC  }
0xe0: {  	[tilespmem:v5+s20+$0x0] =	vst.idx.msk vm1, v6  }
.LBB2_9:
0xe1: {  	s13 =	sadd.s32 $0x1, s13  }
0xe2: {  	p0 =	sne.s32 s13, $0x20  }
.Ltmp3:
0xe3: {  	_ = 	snop;
	(pc) =	sbr.rel @!p0 .LBB2_10-.Ltmp3, $2  }
0xe4: {  	_ =	sdelay $0x2  }
0xe5: {  	s12 =	sadd.s32 $0x140, s12  }
.LBB2_2:
0xe6: {  	_ =	sdelay $0x2  }
0xe7: {  	s3 =	sand.u32 $0x10, s13  }
0xe8: {  	v5 =	vld.idx.msk [tilespmem:v1+s3+$0x0 ss:$0x1], $0xffff;
	_ =	sdelay $0x1  }
0xe9: {  	s14 =	sand.u32 $0xF, s13  }
0xea: {  	v6 =	vmov s14  }
0xeb: {  	vm1 =	veq.s32 v6, v0  }
0xec: {  	v5 =	vnsel vm1, $0x0, v5  }
0xed: {  	(xrf0) =	vadd.scan.msk.s32 $0xffff, v5;
	_ =	sdelay $0x5  }
0xee: {  	v5, _, _ =	vpop (xrf0)  }
0xef: {  	(v2sf) =	vpush v5, $0xF;
	_ =	sdelay $0xe  }
0xf0: {  	s15 =	spop (v2sf)  }
0xf1: {  	s3 =	sadd.s32 $0xF, s15  }
0xf2: {  	s14 =	sand.u32 $0xF, s3  }
0xf3: {  	s16 =	sshra.s32 s3, $0x1F;
	p1 =	slt.s32 s3, $0x1;
	p0 =	sne.s32 s14, $0x0  }
0xf4: {  	s14 =	sshrl.u32 s16, $0x1C;
	p0 =	por !p1, !p0  }
0xf5: {  	s3 =	sadd.s32 s14, s3;
	s14 =	simm.s32 $0x1;
	p0 =	por !p0, !p0  }
0xf6: {  	s3 =	sshra.s32 s3, $0x4;
	s14 =	simm.s32 @!p0 $0x0  }
0xf7: {  	s3 =	ssub.s32 s3, s14  }
0xf8: {  	p0 =	slt.s32 s3, $0x1  }
.Ltmp4:
0xf9: {  	_ = 	snop;
	(pc) =	sbr.rel @p0 .LBB2_9-.Ltmp4, $1  }
0xfa: {  	_ =	sdelay $0x3  }
0xfb: {  	p1 =	sne.s32 s3, $0x1  }
.Ltmp5:
0xfc: {  	_ = 	snop;
	(pc) =	sbr.rel @!p1 .LBB2_4-.Ltmp5, $3  }
0xfd: {  	_ =	sdelay $0x1  }
0xfe: {  	v6 =	vld [tilespmem:s12+$0x0]  }
0xff: {  	v5 =	vbroadcast v5, $0xF;
	s14 =	simm.s32 $0x0;
	s3 =	sadd.s32 $0xFFFFFFFF, s3;
	p0 =	por $0x0, $0x0  }
0x100: {  	_ =	sdelay $0x1  }
0x101: {  	v7 =	vor.u32 s14, v0  }
0x102: {  	vm1 =	vlt.s32 v7, v5;
	v7 =	vand.u32 $0xFFF, v6  }
0x103: {  	v7 =	vnsel vm1, $0x0, v7;
	_ =	sdelay $0x1  }
0x104: {  	p1 =	sne.s32 s3, $0x1  }
.Ltmp6:
0x105: {  	_ = 	snop;
	(pc) =	sbr.rel @!p1 .LBB2_6-.Ltmp6, $4  }
0x106: {  	v6 =	vshra.s32 v6, $0xC  }
0x107: {  	s16 =	sadd.s32 $0x10, s12;
	[tilespmem:v7+s20+$0x0] =	vst.idx.msk vm1, v6  }
0x108: {  	v6 =	vld [tilespmem:s16+$0x0]  }
0x109: {  	s3 =	sadd.s32 $0xFFFFFFFF, s3;
	p0 =	por $0x1, $0x1;
	s15 =	simm.s32 $0x0  }
.LBB2_7:
0x10a: {  	p1 =	sne.s32 s3, $0x1;
	_ =	sdelay $0x1  }
0x10b: {  	s15 =	sadd.s32 $0x10, s15  }
0x10c: {  	v7 =	vor.u32 s15, v0  }
0x10d: {  	vm1 =	vlt.s32 v7, v5;
	v7 =	vand.u32 $0xFFF, v6  }
0x10e: {  	v7 =	vnsel vm1, $0x0, v7;
	_ =	sdelay $0x1  }
.Ltmp7:
0x10f: {  	(pc) =	sbr.rel @p1 .LBB2_7-.Ltmp7, $4  }
0x110: {  	_ = 	snop  }
0x111: {  	v6 =	vshra.s32 v6, $0xC  }
0x112: {  	s16 =	sadd.s32 $0x10, s16;
	[tilespmem:v7+s20+$0x0] =	vst.idx.msk vm1, v6  }
0x113: {  	s3 =	sadd.s32 $0xFFFFFFFF, s3;
	v6 =	vld [tilespmem:s16+$0x0]  }
.Ltmp8:
0x114: {  	_ = 	snop;
	(pc) =	sbr.rel .LBB2_8-.Ltmp8, $1  }
0x115: {  	_ =	sdelay $0x3  }
.LBB2_6:
.Ltmp9:
0x116: {  	(pc) =	sbr.rel .LBB2_8-.Ltmp9, $2  }
0x117: {  	_ =	sdelay $0x2  }
0x118: {  	s15 =	simm.s32 $0x0  }
.LBB2_10:
.Ltmp10:
0x119: {  	(pc) =	sbr.rel .LBB2_11-.Ltmp10, $2  }
0x11a: {  	_ =	sdelay $0x2  }
0x11b: {  	s12 =	simm.s32 $0x0;
	s13 =	simm.s32 $0x2C40;
	s14 =	rddreg [dreg:$0x13]  }
.LBB2_14:
0x11c: {  	s15 =	rddreg [dreg:$0x2]  }
.LBB2_15:
0x11d: {  	s3 =	sand.u32 $0xFF000, s14  }
0x11e: {  	s3 =	sadd.s32 s15, s3  }
0x11f: {  	[tilespmem:s22], [sflag:$0x2] =	stream.linear.gather [hbm4b:s3+s6], $0x8000, $0x38;
	[tilespmem:$0xB880] =	vst v63  }
0x120: {  	_ =	swait.ge [sflag:s17], $0x8000  }
0x121: {  	[sflag:s17] =	ssyncset.done $0x0  }
0x122: {  	[sflag:s17] =	ssyncadd.s32 $0xFFFF8000  }
.LBB2_16:
0x123: {  	v5 =	vld [tilespmem:$0x3800];
	_ =	sdelay $0x4  }
0x124: {  	v6 =	vshll.u32 v5, $0x1  }
0x125: {  	v5 =	vand.u32 $0x7, v5;
	v6 =	vand.u32 $0xFFFFFFF0, v6  }
0x126: {  	v5 =	vor.u32 v5, v6  }
0x127: {  	v6 =	vperm.xlane v5, v2;
	_ =	sdelay $0x1  }
0x128: {  	v5 =	vperm.xlane v5, v4;
	v6 =	vadd.s32 v3, v6;
	_ =	sdelay $0x1  }
0x129: {  	v5 =	vadd.s32 v3, v5;
	_ =	sdelay $0x2  }
0x12a: {  	[hbm4b:s5+s6] =	stream.indirect_vreg.scatter [tilespmem:s22], [sflag:$0x1], $0x80, v6, vm0, $0xb8;
	[tilespmem:$0xB880] =	vst v63  }
0x12b: {  	_ = 	snop  }
0x12c: {  	[hbm4b:s5+s6] =	stream.indirect_vreg.scatter [tilespmem:s23], [sflag:$0x1], $0x80, v5, vm0, $0xb8;
	[tilespmem:$0xB880] =	vst v63  }
0x12d: {  	v5 =	vld [tilespmem:$0x3810];
	_ =	sdelay $0x4  }
0x12e: {  	v6 =	vshll.u32 v5, $0x1  }
0x12f: {  	v5 =	vand.u32 $0x7, v5;
	v6 =	vand.u32 $0xFFFFFFF0, v6  }
0x130: {  	v5 =	vor.u32 v5, v6  }
0x131: {  	v6 =	vperm.xlane v5, v2;
	_ =	sdelay $0x1  }
0x132: {  	v5 =	vperm.xlane v5, v4;
	v6 =	vadd.s32 v3, v6;
	_ =	sdelay $0x1  }
0x133: {  	v5 =	vadd.s32 v3, v5;
	_ =	sdelay $0x2  }
0x134: {  	[hbm4b:s5+s6] =	stream.indirect_vreg.scatter [tilespmem:s24], [sflag:$0x1], $0x80, v6, vm0, $0xb8;
	[tilespmem:$0xB880] =	vst v63  }
0x135: {  	_ = 	snop  }
0x136: {  	[hbm4b:s5+s6] =	stream.indirect_vreg.scatter [tilespmem:s25], [sflag:$0x1], $0x80, v5, vm0, $0xb8;
	[tilespmem:$0xB880] =	vst v63  }
0x137: {  	v5 =	vld [tilespmem:$0x3820];
	_ =	sdelay $0x4  }
0x138: {  	v6 =	vshll.u32 v5, $0x1  }
0x139: {  	v5 =	vand.u32 $0x7, v5;
	v6 =	vand.u32 $0xFFFFFFF0, v6  }
0x13a: {  	v5 =	vor.u32 v5, v6  }
0x13b: {  	v6 =	vperm.xlane v5, v2;
	_ =	sdelay $0x1  }
0x13c: {  	v5 =	vperm.xlane v5, v4;
	v6 =	vadd.s32 v3, v6;
	_ =	sdelay $0x1  }
0x13d: {  	v5 =	vadd.s32 v3, v5;
	_ =	sdelay $0x2  }
0x13e: {  	[hbm4b:s5+s6] =	stream.indirect_vreg.scatter [tilespmem:s21], [sflag:$0x1], $0x80, v6, vm0, $0xb8;
	[tilespmem:$0xB880] =	vst v63  }
0x13f: {  	_ = 	snop  }
0x140: {  	[hbm4b:s5+s6] =	stream.indirect_vreg.scatter [tilespmem:s26], [sflag:$0x1], $0x80, v5, vm0, $0xb8;
	[tilespmem:$0xB880] =	vst v63  }
0x141: {  	v5 =	vld [tilespmem:$0x3830];
	_ =	sdelay $0x4  }
0x142: {  	v6 =	vshll.u32 v5, $0x1  }
0x143: {  	v5 =	vand.u32 $0x7, v5;
	v6 =	vand.u32 $0xFFFFFFF0, v6  }
0x144: {  	v5 =	vor.u32 v5, v6  }
0x145: {  	v6 =	vperm.xlane v5, v2;
	_ =	sdelay $0x1  }
0x146: {  	v5 =	vperm.xlane v5, v4;
	v6 =	vadd.s32 v3, v6;
	_ =	sdelay $0x1  }
0x147: {  	v5 =	vadd.s32 v3, v5;
	_ =	sdelay $0x2  }
0x148: {  	[hbm4b:s5+s6] =	stream.indirect_vreg.scatter [tilespmem:s28], [sflag:$0x1], $0x80, v6, vm0, $0xb8;
	[tilespmem:$0xB880] =	vst v63  }
0x149: {  	_ = 	snop  }
0x14a: {  	[hbm4b:s5+s6] =	stream.indirect_vreg.scatter [tilespmem:s29], [sflag:$0x1], $0x80, v5, vm0, $0xb8;
	[tilespmem:$0xB880] =	vst v63  }
0x14b: {  	v5 =	vld [tilespmem:$0x3840];
	_ =	sdelay $0x4  }
0x14c: {  	v6 =	vshll.u32 v5, $0x1  }
0x14d: {  	v5 =	vand.u32 $0x7, v5;
	v6 =	vand.u32 $0xFFFFFFF0, v6  }
0x14e: {  	v5 =	vor.u32 v5, v6  }
0x14f: {  	v6 =	vperm.xlane v5, v2;
	_ =	sdelay $0x1  }
0x150: {  	v5 =	vperm.xlane v5, v4;
	v6 =	vadd.s32 v3, v6;
	_ =	sdelay $0x1  }
0x151: {  	v5 =	vadd.s32 v3, v5;
	_ =	sdelay $0x2  }
0x152: {  	[hbm4b:s5+s6] =	stream.indirect_vreg.scatter [tilespmem:s30], [sflag:$0x1], $0x80, v6, vm0, $0xb8;
	[tilespmem:$0xB880] =	vst v63  }
0x153: {  	_ = 	snop  }
0x154: {  	[hbm4b:s5+s6] =	stream.indirect_vreg.scatter [tilespmem:s31], [sflag:$0x1], $0x80, v5, vm0, $0xb8;
	[tilespmem:$0xB880] =	vst v63  }
0x155: {  	v5 =	vld [tilespmem:$0x3850];
	_ =	sdelay $0x4  }
0x156: {  	v6 =	vshll.u32 v5, $0x1  }
0x157: {  	v5 =	vand.u32 $0x7, v5;
	v6 =	vand.u32 $0xFFFFFFF0, v6  }
0x158: {  	v5 =	vor.u32 v5, v6  }
0x159: {  	v6 =	vperm.xlane v5, v2;
	_ =	sdelay $0x1  }
0x15a: {  	v5 =	vperm.xlane v5, v4;
	v6 =	vadd.s32 v3, v6;
	_ =	sdelay $0x1  }
0x15b: {  	v5 =	vadd.s32 v3, v5;
	_ =	sdelay $0x2  }
0x15c: {  	[hbm4b:s5+s6] =	stream.indirect_vreg.scatter [tilespmem:s4], [sflag:$0x1], $0x80, v6, vm0, $0xb8;
	[tilespmem:$0xB880] =	vst v63  }
0x15d: {  	_ = 	snop  }
0x15e: {  	[hbm4b:s5+s6] =	stream.indirect_vreg.scatter [tilespmem:s0], [sflag:$0x1], $0x80, v5, vm0, $0xb8;
	[tilespmem:$0xB880] =	vst v63  }
0x15f: {  	v5 =	vld [tilespmem:$0x3860];
	_ =	sdelay $0x4  }
0x160: {  	v6 =	vshll.u32 v5, $0x1  }
0x161: {  	v5 =	vand.u32 $0x7, v5;
	v6 =	vand.u32 $0xFFFFFFF0, v6  }
0x162: {  	v5 =	vor.u32 v5, v6  }
0x163: {  	v6 =	vperm.xlane v5, v2;
	_ =	sdelay $0x1  }
0x164: {  	v5 =	vperm.xlane v5, v4;
	v6 =	vadd.s32 v3, v6;
	_ =	sdelay $0x1  }
0x165: {  	v5 =	vadd.s32 v3, v5;
	_ =	sdelay $0x2  }
0x166: {  	[hbm4b:s5+s6] =	stream.indirect_vreg.scatter [tilespmem:s7], [sflag:$0x1], $0x80, v6, vm0, $0xb8;
	[tilespmem:$0xB880] =	vst v63  }
0x167: {  	_ = 	snop  }
0x168: {  	[hbm4b:s5+s6] =	stream.indirect_vreg.scatter [tilespmem:s8], [sflag:$0x1], $0x80, v5, vm0, $0xb8;
	[tilespmem:$0xB880] =	vst v63  }
0x169: {  	v5 =	vld [tilespmem:$0x3870];
	_ =	sdelay $0x4  }
0x16a: {  	v6 =	vshll.u32 v5, $0x1  }
0x16b: {  	v5 =	vand.u32 $0x7, v5;
	v6 =	vand.u32 $0xFFFFFFF0, v6  }
0x16c: {  	v5 =	vor.u32 v5, v6  }
0x16d: {  	v6 =	vperm.xlane v5, v2;
	_ =	sdelay $0x1  }
0x16e: {  	v5 =	vperm.xlane v5, v4;
	v6 =	vadd.s32 v3, v6;
	_ =	sdelay $0x1  }
0x16f: {  	v5 =	vadd.s32 v3, v5  }
0x170: {  	s12 =	sadd.s32 $0x80, s12  }
0x171: {  	p0 =	sne.s32 s12, $0xC00  }
0x172: {  	[hbm4b:s5+s6] =	stream.indirect_vreg.scatter [tilespmem:s9], [sflag:$0x1], $0x80, v6, vm0, $0xb8;
	[tilespmem:$0xB880] =	vst v63  }
.Ltmp11:
0x173: {  	_ = 	snop;
	(pc) =	sbr.rel @!p0 .LBB2_17-.Ltmp11, $4  }
0x174: {  	[hbm4b:s5+s6] =	stream.indirect_vreg.scatter [tilespmem:s10], [sflag:$0x1], $0x80, v5, vm0, $0xb8;
	[tilespmem:$0xB880] =	vst v63  }
0x175: {  	_ =	swait.ge [sflag:s18], $0x8000  }
0x176: {  	[sflag:s18] =	ssyncset.done $0x0  }
0x177: {  	s14 =	sadd.s32 $0x1000, s14;
	s13 =	sadd.s32 $0x80, s13;
	[sflag:s18] =	ssyncadd.s32 $0xFFFF8000  }
.LBB2_11:
0x178: {  	v5 =	vld [tilespmem:s13+$0xFFFFFFC0];
	_ =	sdelay $0x4  }
0x179: {  	[tilespmem:$0x3800] =	vst v5  }
0x17a: {  	v5 =	vld [tilespmem:s13+$0xFFFFFFD0];
	_ =	sdelay $0x4  }
0x17b: {  	[tilespmem:$0x3810] =	vst v5  }
0x17c: {  	v5 =	vld [tilespmem:s13+$0xFFFFFFE0];
	_ =	sdelay $0x4  }
0x17d: {  	[tilespmem:$0x3820] =	vst v5  }
0x17e: {  	v5 =	vld [tilespmem:s13+$0xFFFFFFF0];
	_ =	sdelay $0x4  }
0x17f: {  	[tilespmem:$0x3830] =	vst v5  }
0x180: {  	v5 =	vld [tilespmem:s13+$0x0];
	_ =	sdelay $0x4  }
0x181: {  	[tilespmem:$0x3840] =	vst v5  }
0x182: {  	v5 =	vld [tilespmem:s13+$0x10];
	_ =	sdelay $0x4  }
0x183: {  	[tilespmem:$0x3850] =	vst v5  }
0x184: {  	v5 =	vld [tilespmem:s13+$0x20];
	_ =	sdelay $0x3  }
0x185: {  	s3 =	sadd.s32 s12, s19  }
0x186: {  	s3 =	sshrl.u32 s3, $0xF;
	[tilespmem:$0x3860] =	vst v5  }
0x187: {  	p0 =	seq.s32 s3, $0x0;
	v5 =	vld [tilespmem:s13+$0x30]  }
.Ltmp12:
0x188: {  	_ = 	snop;
	(pc) =	sbr.rel @p0 .LBB2_15-.Ltmp12, $2  }
0x189: {  	_ =	sdelay $0x2  }
0x18a: {  	s15 =	smov.u32 s1;
	[tilespmem:$0x3870] =	vst v5  }
0x18b: {  	p0 =	seq.s32 s3, $0x2  }
.Ltmp13:
0x18c: {  	_ = 	snop;
	(pc) =	sbr.rel @p0 .LBB2_14-.Ltmp13, $1  }
0x18d: {  	_ =	sdelay $0x3  }
0x18e: {  	p0 =	sne.s32 s3, $0x1  }
.Ltmp14:
0x18f: {  	_ = 	snop;
	(pc) =	sbr.rel @p0 .LBB2_16-.Ltmp14, $4  }
.Ltmp15:
0x190: {  	_ = 	snop;
	(pc) =	sbr.rel @!p0 .LBB2_15-.Ltmp15, $4  }
0x191: {  	_ = 	snop  }
0x192: {  	_ = 	snop  }
0x193: {  	s15 =	smov.u32 s2  }
0x194: {  	_ = 	snop  }
.LBB2_18:
0x195: {  	_ =	sfence.sel $0x180000  }
0x196: {  	[bflag:$0x0] =	sbarrier.arrive $0xFFFF  }
0x197: {  	_ =	strace $0x9000004D  }
0x198: {  	s0 =	stileid.u32;
	[bflag:$0x2] =	sbarrier.arrive $0xFFFF  }
0x199: {  	p0 =	sne.s32 s0, $0x0;
	s0 =	rddreg [dreg:$0x5]  }
0x19a: {  	s0 =	sadd.s32 @!p0 $0x100000, s0  }
0x19b: {  	[sflag:s0] =	ssyncadd.tile.s32 @!p0 $0x1;
	_ =	shalt  }
.Lfunc_end2:
_tile_overlayer_lowered:
.L_overlay_start_2:
0x19c: {  	(tag) =	ssettag $0x2  }
0x19d: {  	s0 =	rddreg [dreg:$0x0];
	s2 =	stileid.u32  }
0x19e: {  	s1 =	rddreg [dreg:$0x1];
	p0 =	sne.s32 s2, $0x0  }
0x19f: {  	s3 =	rddreg [dreg:$0x2];
	[bflag:$0x3] =	sbarrier.arrive $0xFFFF;
	s2 =	simm.s32 @!p0 $0x1C02  }
0x1a0: {  	[timem:s3], [sflag:s2] =	dma.local @!p0 [hbm:s0], s1  }
0x1a1: {  	s0 =	simm.s32 @!p0 $0x2  }
0x1a2: {  	_ =	swait.ge @!p0 [sflag:s0], s1  }
0x1a3: {  	s1 =	ssub.s32 @!p0 $0x0, s1;
	[sflag:s0] =	ssyncset.done @!p0 $0x0  }
0x1a4: {  	[sflag:s0] =	ssyncadd.s32 @!p0 s1  }
0x1a5: {  	[bflag:$0x3] =	sbarrier.arrive $0xFFFF  }
0x1a6: {  	_ =	shalt  }

// kernel: kernel.5.cloned.1.call-start
scs
__scs_entry_jumppad:
0x0: {  	(pc) =	sbr.rel $0x88, $3  }
0x1: {  	(tag) =	ssettag $0x0;
	lr =	simm.s32 $0x1  }
0x2: {  	[smem:$0x3F9D] =	sst lr;
	_ =	strace $0xD0000000  }
0x3: {  	_ = 	snop  }
0x4: {  	_ = 	snop  }
0x5: {  	_ = 	snop  }
0x6: {  	_ = 	snop  }
0x7: {  	_ = 	snop  }
__scs_overlays_trampoline_lowered:
0x8: {  	[smem:$0x3FAC] =	sst s0  }
0x9: {  	[smem:$0x3FAD] =	sst s1  }
0xa: {  	[smem:$0x3FAE] =	sst s2  }
0xb: {  	[smem:$0x3FAF] =	sst s3  }
0xc: {  	[smem:$0x3FB0] =	sst s4  }
0xd: {  	[smem:$0x3FB1] =	sst s5  }
0xe: {  	[smem:$0x3FB2] =	sst s6  }
0xf: {  	[smem:$0x3FB3] =	sst s7  }
0x10: {  	[smem:$0x3FB4] =	sst s8  }
0x11: {  	[smem:$0x3FB5] =	sst s9;
	s0 =	simm.s32 @!p0 $0x0  }
0x12: {  	s1 =	sld [smem:$0x3F9B];
	s0 =	simm.s32 @p0 $0x1  }
0x13: {  	[smem:$0x3FB6] =	sst s0;
	s0 =	simm.s32 @!p1 $0x0  }
0x14: {  	s2 =	sld [smem:$0x3F9A];
	s0 =	simm.s32 @p1 $0x1  }
0x15: {  	[smem:$0x3FB7] =	sst s0;
	s0 =	simm.s32 @!p2 $0x0  }
0x16: {  	s3 =	sld [smem:$0x3FDB];
	s0 =	simm.s32 @p2 $0x1  }
0x17: {  	s4 =	simm.s32 $0x1BF5;
	[smem:$0x3FB9] =	sst s0  }
0x18: {  	s0 =	sld [smem:$0x3F9C];
	_ =	swait.ge [sflag:s4], $0x0  }
0x19: {  	s7 =	sld [smem:$0x3F9D]  }
0x1a: {  	s8 =	sadd.s32 $0xFFFFE003, lr  }
0x1b: {  	s9 =	sadd.s32 $0xFFFFFEF7, lr;
	s5 =	simm.s32 $0xFFFFFFFF;
	p2 =	slt.u32 s8, $0xFFFFF086  }
0x1c: {  	p1 =	slt.u32 s9, $0xF7A;
	s5 =	simm.s32 @!p2 $0x0  }
0x1d: {  	s5 =	simm.s32 @p1 $0x1;
	p0 =	seq.s32 s7, s2  }
0x1e: {  	s7 =	smul.u32 @!p0 $0xF7A, s2;
	p2 =	seq.s32 @!p0 s5, $0x0  }
0x1f: {  	s9 =	smul.u32 $0xF7A, s1;
	s8 =	simm.s32 @!p0 $0x1BF5;
	p2 =	por !p2, p0  }
0x20: {  	[sflag:s8] =	ssyncset.s32 @!p0 $0xFFFFF086;
	s6 =	sadd.s32 @!p0 s3, s7;
	s7 =	simm.s32 @!p0 $0x108  }
0x21: {  	s3 =	sadd.s32 s3, s9;
	s6 =	sadd.s32 @!p0 $0x88, s6;
	s7 =	simm.s32 @p2 $0x1082  }
0x22: {  	[simem:s7], [sflag:s8] =	dma.local @!p0 [hbm:s6], $0xF7A  }
0x23: {  	s9 =	sor.u32 $0xD0000000, s2;
	s6 =	simm.s32 $0x108;
	_ =	swait.ge @!p0 [sflag:s8], $0x0  }
0x24: {  	s3 =	sadd.s32 $0x88, s3;
	s6 =	simm.s32 @!p1 $0x1082;
	[sflag:s4] =	ssyncset.s32 $0xFFFFF086  }
0x25: {  	[simem:s6], [sflag:s4] =	dma.local [hbm:s3], $0xF7A  }
0x26: {  	[smem:$0x3F9D] =	sst s1;
	(tag) =	ssettag s2;
	_ =	strace s9  }
0x27: {  	s1 =	sld [smem:$0x3FAD]  }
0x28: {  	s2 =	sld [smem:$0x3FAE]  }
0x29: {  	s4 =	sld [smem:$0x3FB0]  }
0x2a: {  	p0 =	seq.s32 s5, $0x0;
	s5 =	sld [smem:$0x3FB1]  }
0x2b: {  	s6 =	sld [smem:$0x3FB2]  }
0x2c: {  	s7 =	sld [smem:$0x3FB3]  }
0x2d: {  	s3 =	simm.s32 $0x108;
	s8 =	sld [smem:$0x3FB4]  }
0x2e: {  	s3 =	simm.s32 @!p0 $0x1082;
	s9 =	sld [smem:$0x3FB5]  }
0x2f: {  	lr =	sadd.s32 s0, s3;
	s0 =	sld [smem:$0x3FAC]  }
0x30: {  	s3 =	sld [smem:$0x3FAF]  }
0x31: {  	[smem:$0x3FB8] =	sst s10  }
0x32: {  	s10 =	sld [smem:$0x3FB6];
	_ =	sdelay $0x3  }
0x33: {  	p0 =	seq.s32 s10, $0x1;
	s10 =	sld [smem:$0x3FB8];
	_ =	sdelay $0x3  }
0x34: {  	[smem:$0x3FB8] =	sst s10  }
0x35: {  	s10 =	sld [smem:$0x3FB7];
	_ =	sdelay $0x3  }
0x36: {  	p1 =	seq.s32 s10, $0x1;
	s10 =	sld [smem:$0x3FB8];
	_ =	sdelay $0x3  }
0x37: {  	[smem:$0x3FB8] =	sst s10  }
0x38: {  	s10 =	sld [smem:$0x3FB9]  }
0x39: {  	_ = 	snop;
	(pc) =	sbr.ind lr, $3  }
0x3a: {  	_ = 	snop  }
0x3b: {  	_ = 	snop  }
0x3c: {  	p2 =	seq.s32 s10, $0x1;
	s10 =	sld [smem:$0x3FB8]  }
0x3d: {  	_ =	shalt  }
0x3e: {  	_ =	shalt  }
0x3f: {  	_ =	shalt  }
0x40: {  	_ =	shalt  }
0x41: {  	_ =	shalt  }
0x42: {  	_ =	shalt  }
0x43: {  	_ =	shalt  }
0x44: {  	_ =	shalt  }
0x45: {  	_ =	shalt  }
0x46: {  	_ =	shalt  }
0x47: {  	_ =	shalt  }
0x48: {  	_ =	shalt  }
0x49: {  	_ =	shalt  }
0x4a: {  	_ =	shalt  }
0x4b: {  	_ =	shalt  }
0x4c: {  	_ =	shalt  }
0x4d: {  	_ =	shalt  }
0x4e: {  	_ =	shalt  }
0x4f: {  	_ =	shalt  }
0x50: {  	_ =	shalt  }
0x51: {  	_ =	shalt  }
0x52: {  	_ =	shalt  }
0x53: {  	_ =	shalt  }
0x54: {  	_ =	shalt  }
0x55: {  	_ =	shalt  }
0x56: {  	_ =	shalt  }
0x57: {  	_ =	shalt  }
0x58: {  	_ =	shalt  }
0x59: {  	_ =	shalt  }
0x5a: {  	_ =	shalt  }
0x5b: {  	_ =	shalt  }
0x5c: {  	_ =	shalt  }
0x5d: {  	_ =	shalt  }
0x5e: {  	_ =	shalt  }
0x5f: {  	_ =	shalt  }
0x60: {  	_ =	shalt  }
0x61: {  	_ =	shalt  }
0x62: {  	_ =	shalt  }
0x63: {  	_ =	shalt  }
0x64: {  	_ =	shalt  }
0x65: {  	_ =	shalt  }
0x66: {  	_ =	shalt  }
0x67: {  	_ =	shalt  }
0x68: {  	_ =	shalt  }
0x69: {  	_ =	shalt  }
0x6a: {  	_ =	shalt  }
0x6b: {  	_ =	shalt  }
0x6c: {  	_ =	shalt  }
0x6d: {  	_ =	shalt  }
0x6e: {  	_ =	shalt  }
0x6f: {  	_ =	shalt  }
0x70: {  	_ =	shalt  }
0x71: {  	_ =	shalt  }
0x72: {  	_ =	shalt  }
0x73: {  	_ =	shalt  }
0x74: {  	_ =	shalt  }
0x75: {  	_ =	shalt  }
0x76: {  	_ =	shalt  }
0x77: {  	_ =	shalt  }
0x78: {  	_ =	shalt  }
0x79: {  	_ =	shalt  }
0x7a: {  	_ =	shalt  }
0x7b: {  	_ =	shalt  }
0x7c: {  	_ =	shalt  }
0x7d: {  	_ =	shalt  }
0x7e: {  	_ =	shalt  }
0x7f: {  	_ =	shalt  }
0x80: {  	_ =	shalt  }
0x81: {  	_ =	shalt  }
0x82: {  	_ =	shalt  }
0x83: {  	_ =	shalt  }
0x84: {  	_ =	shalt  }
0x85: {  	_ =	shalt  }
0x86: {  	_ =	shalt  }
0x87: {  	_ =	shalt  }
.Lfunc_end0:
.L_simem_size_0:
called_computation_lowered:
.L_overlay_start_0:
0x88: {  	s2 =	sld [smem:$0x3FD9]  }
0x89: {  	s3 =	sld [smem:$0x3FFE];
	_ =	sdelay $0x1  }
0x8a: {  	s1 =	srdreg.scid  }
0x8b: {  	s0 =	sand.u32 $0x1, s1  }
0x8c: {  	s17 =	sshll.u32 s0, $0xA;
	s2 =	sadd.s32 s3, s2  }
0x8d: {  	s2 =	sadd.s32 s2, s17  }
0x8e: {  	[smem:$0x3FC4] =	sst s2  }
0x8f: {  	_ = 	snop  }
0x90: {  	s2 =	sld [smem:$0x3FC6]  }
0x91: {  	s18 =	sld [smem:$0x3FD0];
	(tm) =	ssettm $0x1  }
0x92: {  	s4 =	sld [smem:$0x3FFB];
	_ =	sdelay $0x3  }
0x93: {  	_ =	strace s4  }
0x94: {  	s4 =	sld [smem:$0x3FFC];
	_ =	sdelay $0x3  }
0x95: {  	_ =	strace s4  }
0x96: {  	s4 =	sld [smem:$0x3FFD];
	_ =	sdelay $0x3  }
0x97: {  	_ =	strace s4  }
0x98: {  	_ =	strace $0x8FFFFFFF  }
0x99: {  	s19 =	sld [smem:$0x3FDB];
	_ =	sdelay $0x1  }
0x9a: {  	s5 =	simm.s32 $_scs_section_size  }
0x9b: {  	s6 =	simm.s32 $_size__tile_overlayer_lowered;
	s7 =	simm.s32 $_tile_overlayer_lowered  }
0x9c: {  	s22 =	simm.s32 $0x1BFF;
	s21 =	sshll.u32 s7, $0x1;
	s4 =	sadd.s32 s5, s19  }
0x9d: {  	s8 =	simm.s32 $0x0;
	s20 =	sshll.u32 s6, $0x1;
	s6 =	sadd.s32 s21, s4  }
0x9e: {  	[timem:s8], [sflag:s22] =	dma.local [hbm:s6], s20  }
0x9f: {  	_ =	swait.ge [sflag:s22], s20  }
0xa0: {  	s5 =	ssub.s32 $0x0, s20;
	[sflag:s22] =	ssyncset.done $0x0  }
0xa1: {  	[sflag:s22] =	ssyncadd.s32 s5;
	_ =	sdelay $0x1  }
0xa2: {  	s23 =	simm.s32 $0x1B8B  }
0xa3: {  	_ =	swait.ge [sflag:s23], $0x1  }
0xa4: {  	[sflag:s23] =	ssyncset.done $0x0  }
0xa5: {  	s25 =	simm.s32 $0x1B8E;
	s24 =	sld [smem:$0x3FFE];
	[sflag:s23] =	ssyncadd.s32 $0xFFFFFFFF  }
0xa6: {  	s26 =	simm.s32 $execute0_lowered;
	[smem:$0x3FD2] =	sst s25  }
0xa7: {  	s6 =	sshll.u32 s26, $0x1;
	_ =	strace $0x80000046;
	[dreg:$0x1] =	wrdreg $0xFFFFFFFF  }
0xa8: {  	s28 =	simm.s32 $_size_execute0_lowered;
	s4 =	sadd.s32 s4, s6;
	[dreg:$0x0] =	wrdreg $0x0  }
0xa9: {  	s6 =	sshll.u32 s28, $0x1;
	[dreg:$0x2] =	wrdreg s4  }
0xaa: {  	[dreg:$0x3] =	wrdreg s6  }
0xab: {  	[dreg:$0x4] =	wrdreg $0xC0  }
0xac: {  	_ =	task [dreg:s8], $0x5FFFF  }
0xad: {  	[dreg:$0x1] =	wrdreg $0xFFFFFFFF  }
0xae: {  	[dreg:$0x0] =	wrdreg $0x60  }
0xaf: {  	[dreg:$0x2] =	wrdreg s2  }
0xb0: {  	[dreg:$0x3] =	wrdreg s18  }
0xb1: {  	[dreg:$0x4] =	wrdreg s24  }
0xb2: {  	[dreg:$0x5] =	wrdreg $0x9  }
0xb3: {  	_ =	task.clear_ibuf [dreg:s8], $0x6FFFF;
	_ =	strace $0x90000046  }
0xb4: {  	s29 =	simm.s32 $0x9;
	_ =	strace $0x80000048  }
0xb5: {  	_ =	swait.ge [sflag:s29], $0x1  }
0xb6: {  	[sflag:s29] =	ssyncadd.s32 $0xFFFFFFFF  }
0xb7: {  	_ =	strace $0x90000048  }
0xb8: {  	_ =	sfence  }
0xb9: {  	s30 =	sld [smem:$0x0];
	_ =	sdelay $0x2  }
0xba: {  	s31 =	sshll.u32 s1, $0xD;
	s1 =	sshrl.u32 s1, $0x2  }
0xbb: {  	s3 =	sand.u32 $0x4000, s31;
	s1 =	sadd.s32 s1, s30  }
0xbc: {  	s0 =	sor.u32 s3, s0;
	s1 =	sshll.u32 s1, $0x11  }
0xbd: {  	s0 =	sor.u32 s1, s0  }
0xbe: {  	s0 =	sadd.s32 $0x8F2B, s0  }
0xbf: {  	[sflag:s0] =	ssyncadd.remote.s32 $0x1  }
0xc0: {  	_ =	sfence.sel $0xFFFF  }
0xc1: {  	[dreg:$0x0] =	wrdreg $0xFFFFFFFF;
	(pc) =	sbr.abs _section_cstart, $3  }
0xc2: {  	[dreg:$0x1] =	wrdreg $0xFFFFFFFF  }
0xc3: {  	_ =	task.clear_ibuf [dreg:s8], $0x2FFFF;
	_ =	strace $0x9FFFFFFF  }
0xc4: {  	(tm) =	ssettm $0x7FFFFFFF  }
0xc5: {  	_ =	shalt  }
tec
execute0_lowered:
.L_overlay_start_1:
0x0: {  	(tag) =	ssettag $0x1  }
0x1: {  	s3 =	rddreg [dreg:$0x0]  }
0x2: {  	s4 =	rddreg [dreg:$0x1]  }
0x3: {  	s5 =	rddreg [dreg:$0x2]  }
0x4: {  	s0 =	rddreg [dreg:$0x3]  }
0x5: {  	s6 =	srdreg.scid;
	s1 =	stileid.u32;
	s2 =	simm.s32 $0x0  }
0x6: {  	s6 =	sand.u32 $0x1, s6;
	s7 =	sshll.u32 s1, $0x1;
	s11 =	smul.u32 $0x1800, s1  }
0x7: {  	[smem:$0x7FF] =	sst s2;
	s7 =	sor.u32 s6, s7;
	s31 =	smul.u32 $0xC00, s6  }
0x8: {  	_ =	strace $0x80000047;
	s10 =	ssub.s32 $0x2, s6;
	s8 =	smul.u32 $0xC00, s7  }
0x9: {  	s9 =	sshll.u32 s7, $0x2;
	s7 =	smul.u32 $0x500, s7;
	s30 =	sshrl.u32 s10, $0x1  }
0xa: {  	s5 =	sadd.s32 s9, s5;
	s9 =	ssub.s32 s10, s30;
	s10 =	simm.s32 $0xC00  }
0xb: {  	s8 =	sshrl.u32 s8, $0x3;
	s4 =	sadd.s32 s4, s7;
	s5 =	sadd.s32 $0x1000, s5  }
0xc: {  	s6 =	smax.u32 s9, $0x1;
	s7 =	sadd.s32 s31, s11;
	s9 =	simm.s32 $0x3400  }
0xd: {  	v0 =	vimm.s32 $0x0;
	v1 =	vlaneseq.u32;
	v2 =	vimm.s32 $0x1;
	s11 =	simm.s32 $0x0;
	s3 =	sadd.s32 s3, s8;
	s8 =	simm.s32 $0x1  }
.LBB2_1:
0xe: {  	[tilespmem:s2], [sflag:$0x1] =	stream.linear.gather [hbm4b:s3+s2], $0xC00, $0x38;
	[tilespmem:$0x3480] =	vst v63  }
0xf: {  	_ =	swait.ge [sflag:s8], $0xC00  }
0x10: {  	[sflag:s8] =	ssyncset.done $0x0  }
0x11: {  	[sflag:s8] =	ssyncadd.s32 $0xFFFFF400  }
0x12: {  	[tilespmem:$0x3400] =	vst v0  }
0x13: {  	s12 =	simm.s32 $0x0;
	[tilespmem:$0x3410] =	vst v0  }
0x14: {  	v3 =	vld [tilespmem:s12+$0x0];
	_ =	sdelay $0x4  }
0x15: {  	v4 =	vshra.s32 v3, $0x7  }
0x16: {  	v4 =	vmul.u32 $0x2AB, v4;
	_ =	sdelay $0x1  }
0x17: {  	v4 =	vshra.s32 v4, $0xE  }
0x18: {  	(xrf1) =	vunique.msk.u32 $0xffff, v4;
	_ =	sdelay $0x8  }
0x19: {  	v5 =	vld.idx.msk [tilespmem:v4+s9+$0x0], $0xffff;
	_ =	sdelay $0x2  }
0x1a: {  	v6 =	vmul.u32 $0x140, v4;
	_ =	sdelay $0x1  }
0x1b: {  	v5 =	vadd.s32 v6, v5;
	_, v62, _ =	vpop (xrf1)  }
0x1c: {  	v63 =	vmul.u32 $0x7400, v4;
	v5 =	vadd.s32 v62, v5  }
0x1d: {  	v5 =	vadd.s32 $0xFFFFFFFF, v5  }
0x1e: {  	v3 =	vadd.s32 v3, v63  }
0x1f: {  	v3 =	vshll.u32 v3, $0x11  }
0x20: {  	v3 =	vor.u32 s7, v3  }
0x21: {  	v3 =	vor.u32 v1, v3  }
0x22: {  	[tilespmem:v5+s10+$0x0] =	vst.idx.msk $0xffff, v3  }
0x23: {  	s31 =	simm.s32 $0x10;
	[tilespmem:v4+s9+$0x0] =	vst.idx.add.s32.msk $0xffff, v2  }
0x24: {  	s13 =	simm.s32 $0x80;
	s12 =	smov.u32 s7;
	v3 =	vld [tilespmem:s31+$0x0]  }
.LBB2_2:
0x25: {  	p0 =	sne.s32 s13, $0x2FC0;
	_ =	sdelay $0x3  }
0x26: {  	v4 =	vshra.s32 v3, $0x7  }
0x27: {  	v4 =	vmul.u32 $0x2AB, v4;
	_ =	sdelay $0x1  }
0x28: {  	v4 =	vshra.s32 v4, $0xE  }
0x29: {  	(xrf1) =	vunique.msk.u32 $0xffff, v4;
	_ =	sdelay $0x7  }
0x2a: {  	v5 =	vld.idx.msk [tilespmem:v4+s9+$0x0], $0xffff;
	_ =	sdelay $0x3  }
0x2b: {  	v7 =	vmul.u32 $0x140, v4;
	_ =	sdelay $0x1  }
0x2c: {  	v5 =	vadd.s32 v7, v5;
	_, v6, _ =	vpop (xrf1)  }
0x2d: {  	v5 =	vadd.s32 v6, v5;
	v6 =	vmul.u32 $0x7400, v4  }
0x2e: {  	v5 =	vadd.s32 $0xFFFFFFFF, v5  }
0x2f: {  	v3 =	vadd.s32 v3, v6  }
0x30: {  	s12 =	sadd.s32 $0x10, s12;
	v3 =	vshll.u32 v3, $0x11  }
.Ltmp0:
0x31: {  	v3 =	vor.u32 s12, v3;
	(pc) =	sbr.rel @p0 .LBB2_2-.Ltmp0, $4  }
0x32: {  	v3 =	vor.u32 v1, v3  }
0x33: {  	[tilespmem:v5+s10+$0x0] =	vst.idx.msk $0xffff, v3  }
0x34: {  	s14 =	sshra.s32 s13, $0x2;
	[tilespmem:v4+s9+$0x0] =	vst.idx.add.s32.msk $0xffff, v2  }
0x35: {  	s13 =	sadd.s32 $0x40, s13;
	v3 =	vld [tilespmem:s14+$0x0]  }
0x36: {  	_ =	sdelay $0x3  }
0x37: {  	v4 =	vshra.s32 v3, $0x7  }
0x38: {  	v4 =	vmul.u32 $0x2AB, v4;
	_ =	sdelay $0x1  }
0x39: {  	v4 =	vshra.s32 v4, $0xE  }
0x3a: {  	(xrf1) =	vunique.msk.u32 $0xffff, v4;
	_ =	sdelay $0x8  }
0x3b: {  	v5 =	vld.idx.msk [tilespmem:v4+s9+$0x0], $0xffff;
	_ =	sdelay $0x2  }
0x3c: {  	v6 =	vmul.u32 $0x140, v4;
	_ =	sdelay $0x1  }
0x3d: {  	v5 =	vadd.s32 v6, v5;
	_, v62, _ =	vpop (xrf1)  }
0x3e: {  	v63 =	vmul.u32 $0x7400, v4;
	v5 =	vadd.s32 v62, v5  }
0x3f: {  	v5 =	vadd.s32 $0xFFFFFFFF, v5  }
0x40: {  	v3 =	vadd.s32 v3, v63  }
0x41: {  	s12 =	sadd.s32 $0x10, s12;
	v3 =	vshll.u32 v3, $0x11  }
0x42: {  	v3 =	vor.u32 s12, v3  }
0x43: {  	v3 =	vor.u32 v1, v3  }
0x44: {  	[tilespmem:v5+s10+$0x0] =	vst.idx.msk $0xffff, v3  }
0x45: {  	[tilespmem:v4+s9+$0x0] =	vst.idx.add.s32.msk $0xffff, v2  }
0x46: {  	[hbm4b:s4+s2] =	stream.linear.scatter [tilespmem:s10], [sflag:$0x1], $0x2800, $0x38;
	[tilespmem:$0x3480] =	vst v63  }
0x47: {  	s11 =	sadd.s32 $0x1, s11;
	_ =	swait.ge [sflag:s8], $0x2800  }
0x48: {  	p0 =	sne.s32 s11, s6;
	[sflag:s8] =	ssyncset.done $0x0  }
.Ltmp1:
0x49: {  	[sflag:s8] =	ssyncadd.s32 $0xFFFFD800;
	(pc) =	sbr.rel @p0 .LBB2_1-.Ltmp1, $4  }
0x4a: {  	[hbm4b:s5+s2] =	stream.linear.scatter [tilespmem:s9], [sflag:$0x1], $0x20, $0x38;
	[tilespmem:$0x3480] =	vst v63  }
0x4b: {  	_ =	swait.ge [sflag:s8], $0x20  }
0x4c: {  	[sflag:s8] =	ssyncset.done $0x0  }
0x4d: {  	[sflag:s8] =	ssyncadd.s32 $0xFFFFFFE0  }
0x4e: {  	_ =	sfence.sel $0x180000  }
0x4f: {  	[bflag:$0x0] =	sbarrier.arrive $0xFFFF  }
0x50: {  	p0 =	sne.s32 s1, $0x0;
	_ =	strace $0x90000047  }
0x51: {  	s0 =	sadd.s32 @!p0 $0x100000, s0;
	[bflag:$0x2] =	sbarrier.arrive $0xFFFF  }
0x52: {  	[sflag:s0] =	ssyncadd.tile.s32 @!p0 $0x1;
	_ =	shalt  }
.Lfunc_end2:
_tile_overlayer_lowered:
.L_overlay_start_2:
0x53: {  	(tag) =	ssettag $0x2  }
0x54: {  	s0 =	rddreg [dreg:$0x0];
	s2 =	stileid.u32  }
0x55: {  	s1 =	rddreg [dreg:$0x1];
	p0 =	sne.s32 s2, $0x0  }
0x56: {  	s3 =	rddreg [dreg:$0x2];
	[bflag:$0x3] =	sbarrier.arrive $0xFFFF;
	s2 =	simm.s32 @!p0 $0x1C01  }
0x57: {  	[timem:s3], [sflag:s2] =	dma.local @!p0 [hbm:s0], s1  }
0x58: {  	s0 =	simm.s32 @!p0 $0x1  }
0x59: {  	_ =	swait.ge @!p0 [sflag:s0], s1  }
0x5a: {  	s1 =	ssub.s32 @!p0 $0x0, s1;
	[sflag:s0] =	ssyncset.done @!p0 $0x0  }
0x5b: {  	[sflag:s0] =	ssyncadd.s32 @!p0 s1  }
0x5c: {  	[bflag:$0x3] =	sbarrier.arrive $0xFFFF  }
0x5d: {  	_ =	shalt  }

// kernel: kernel.8.cloned.1.call-start
scs
__scs_entry_jumppad:
0x0: {  	(pc) =	sbr.rel $0x88, $3  }
0x1: {  	(tag) =	ssettag $0x0;
	lr =	simm.s32 $0x1  }
0x2: {  	[smem:$0x3F9D] =	sst lr;
	_ =	strace $0xD0000000  }
0x3: {  	_ = 	snop  }
0x4: {  	_ = 	snop  }
0x5: {  	_ = 	snop  }
0x6: {  	_ = 	snop  }
0x7: {  	_ = 	snop  }
__scs_overlays_trampoline_lowered:
0x8: {  	[smem:$0x3FAC] =	sst s0  }
0x9: {  	[smem:$0x3FAD] =	sst s1  }
0xa: {  	[smem:$0x3FAE] =	sst s2  }
0xb: {  	[smem:$0x3FAF] =	sst s3  }
0xc: {  	[smem:$0x3FB0] =	sst s4  }
0xd: {  	[smem:$0x3FB1] =	sst s5  }
0xe: {  	[smem:$0x3FB2] =	sst s6  }
0xf: {  	[smem:$0x3FB3] =	sst s7  }
0x10: {  	[smem:$0x3FB4] =	sst s8  }
0x11: {  	[smem:$0x3FB5] =	sst s9;
	s0 =	simm.s32 @!p0 $0x0  }
0x12: {  	s1 =	sld [smem:$0x3F9B];
	s0 =	simm.s32 @p0 $0x1  }
0x13: {  	[smem:$0x3FB6] =	sst s0;
	s0 =	simm.s32 @!p1 $0x0  }
0x14: {  	s2 =	sld [smem:$0x3F9A];
	s0 =	simm.s32 @p1 $0x1  }
0x15: {  	[smem:$0x3FB7] =	sst s0;
	s0 =	simm.s32 @!p2 $0x0  }
0x16: {  	s3 =	sld [smem:$0x3FDB];
	s0 =	simm.s32 @p2 $0x1  }
0x17: {  	s4 =	simm.s32 $0x1BF5;
	[smem:$0x3FB9] =	sst s0  }
0x18: {  	s0 =	sld [smem:$0x3F9C];
	_ =	swait.ge [sflag:s4], $0x0  }
0x19: {  	s7 =	sld [smem:$0x3F9D]  }
0x1a: {  	s8 =	sadd.s32 $0xFFFFE003, lr  }
0x1b: {  	s9 =	sadd.s32 $0xFFFFFEF7, lr;
	s5 =	simm.s32 $0xFFFFFFFF;
	p2 =	slt.u32 s8, $0xFFFFF086  }
0x1c: {  	p1 =	slt.u32 s9, $0xF7A;
	s5 =	simm.s32 @!p2 $0x0  }
0x1d: {  	s5 =	simm.s32 @p1 $0x1;
	p0 =	seq.s32 s7, s2  }
0x1e: {  	s7 =	smul.u32 @!p0 $0xF7A, s2;
	p2 =	seq.s32 @!p0 s5, $0x0  }
0x1f: {  	s9 =	smul.u32 $0xF7A, s1;
	s8 =	simm.s32 @!p0 $0x1BF5;
	p2 =	por !p2, p0  }
0x20: {  	[sflag:s8] =	ssyncset.s32 @!p0 $0xFFFFF086;
	s6 =	sadd.s32 @!p0 s3, s7;
	s7 =	simm.s32 @!p0 $0x108  }
0x21: {  	s3 =	sadd.s32 s3, s9;
	s6 =	sadd.s32 @!p0 $0x88, s6;
	s7 =	simm.s32 @p2 $0x1082  }
0x22: {  	[simem:s7], [sflag:s8] =	dma.local @!p0 [hbm:s6], $0xF7A  }
0x23: {  	s9 =	sor.u32 $0xD0000000, s2;
	s6 =	simm.s32 $0x108;
	_ =	swait.ge @!p0 [sflag:s8], $0x0  }
0x24: {  	s3 =	sadd.s32 $0x88, s3;
	s6 =	simm.s32 @!p1 $0x1082;
	[sflag:s4] =	ssyncset.s32 $0xFFFFF086  }
0x25: {  	[simem:s6], [sflag:s4] =	dma.local [hbm:s3], $0xF7A  }
0x26: {  	[smem:$0x3F9D] =	sst s1;
	(tag) =	ssettag s2;
	_ =	strace s9  }
0x27: {  	s1 =	sld [smem:$0x3FAD]  }
0x28: {  	s2 =	sld [smem:$0x3FAE]  }
0x29: {  	s4 =	sld [smem:$0x3FB0]  }
0x2a: {  	p0 =	seq.s32 s5, $0x0;
	s5 =	sld [smem:$0x3FB1]  }
0x2b: {  	s6 =	sld [smem:$0x3FB2]  }
0x2c: {  	s7 =	sld [smem:$0x3FB3]  }
0x2d: {  	s3 =	simm.s32 $0x108;
	s8 =	sld [smem:$0x3FB4]  }
0x2e: {  	s3 =	simm.s32 @!p0 $0x1082;
	s9 =	sld [smem:$0x3FB5]  }
0x2f: {  	lr =	sadd.s32 s0, s3;
	s0 =	sld [smem:$0x3FAC]  }
0x30: {  	s3 =	sld [smem:$0x3FAF]  }
0x31: {  	[smem:$0x3FB8] =	sst s10  }
0x32: {  	s10 =	sld [smem:$0x3FB6];
	_ =	sdelay $0x3  }
0x33: {  	p0 =	seq.s32 s10, $0x1;
	s10 =	sld [smem:$0x3FB8];
	_ =	sdelay $0x3  }
0x34: {  	[smem:$0x3FB8] =	sst s10  }
0x35: {  	s10 =	sld [smem:$0x3FB7];
	_ =	sdelay $0x3  }
0x36: {  	p1 =	seq.s32 s10, $0x1;
	s10 =	sld [smem:$0x3FB8];
	_ =	sdelay $0x3  }
0x37: {  	[smem:$0x3FB8] =	sst s10  }
0x38: {  	s10 =	sld [smem:$0x3FB9]  }
0x39: {  	_ = 	snop;
	(pc) =	sbr.ind lr, $3  }
0x3a: {  	_ = 	snop  }
0x3b: {  	_ = 	snop  }
0x3c: {  	p2 =	seq.s32 s10, $0x1;
	s10 =	sld [smem:$0x3FB8]  }
0x3d: {  	_ =	shalt  }
0x3e: {  	_ =	shalt  }
0x3f: {  	_ =	shalt  }
0x40: {  	_ =	shalt  }
0x41: {  	_ =	shalt  }
0x42: {  	_ =	shalt  }
0x43: {  	_ =	shalt  }
0x44: {  	_ =	shalt  }
0x45: {  	_ =	shalt  }
0x46: {  	_ =	shalt  }
0x47: {  	_ =	shalt  }
0x48: {  	_ =	shalt  }
0x49: {  	_ =	shalt  }
0x4a: {  	_ =	shalt  }
0x4b: {  	_ =	shalt  }
0x4c: {  	_ =	shalt  }
0x4d: {  	_ =	shalt  }
0x4e: {  	_ =	shalt  }
0x4f: {  	_ =	shalt  }
0x50: {  	_ =	shalt  }
0x51: {  	_ =	shalt  }
0x52: {  	_ =	shalt  }
0x53: {  	_ =	shalt  }
0x54: {  	_ =	shalt  }
0x55: {  	_ =	shalt  }
0x56: {  	_ =	shalt  }
0x57: {  	_ =	shalt  }
0x58: {  	_ =	shalt  }
0x59: {  	_ =	shalt  }
0x5a: {  	_ =	shalt  }
0x5b: {  	_ =	shalt  }
0x5c: {  	_ =	shalt  }
0x5d: {  	_ =	shalt  }
0x5e: {  	_ =	shalt  }
0x5f: {  	_ =	shalt  }
0x60: {  	_ =	shalt  }
0x61: {  	_ =	shalt  }
0x62: {  	_ =	shalt  }
0x63: {  	_ =	shalt  }
0x64: {  	_ =	shalt  }
0x65: {  	_ =	shalt  }
0x66: {  	_ =	shalt  }
0x67: {  	_ =	shalt  }
0x68: {  	_ =	shalt  }
0x69: {  	_ =	shalt  }
0x6a: {  	_ =	shalt  }
0x6b: {  	_ =	shalt  }
0x6c: {  	_ =	shalt  }
0x6d: {  	_ =	shalt  }
0x6e: {  	_ =	shalt  }
0x6f: {  	_ =	shalt  }
0x70: {  	_ =	shalt  }
0x71: {  	_ =	shalt  }
0x72: {  	_ =	shalt  }
0x73: {  	_ =	shalt  }
0x74: {  	_ =	shalt  }
0x75: {  	_ =	shalt  }
0x76: {  	_ =	shalt  }
0x77: {  	_ =	shalt  }
0x78: {  	_ =	shalt  }
0x79: {  	_ =	shalt  }
0x7a: {  	_ =	shalt  }
0x7b: {  	_ =	shalt  }
0x7c: {  	_ =	shalt  }
0x7d: {  	_ =	shalt  }
0x7e: {  	_ =	shalt  }
0x7f: {  	_ =	shalt  }
0x80: {  	_ =	shalt  }
0x81: {  	_ =	shalt  }
0x82: {  	_ =	shalt  }
0x83: {  	_ =	shalt  }
0x84: {  	_ =	shalt  }
0x85: {  	_ =	shalt  }
0x86: {  	_ =	shalt  }
0x87: {  	_ =	shalt  }
.Lfunc_end0:
.L_simem_size_0:
called_computation.1_lowered:
.L_overlay_start_0:
0x88: {  	s2 =	sld [smem:$0x3FD9]  }
0x89: {  	s3 =	sld [smem:$0x3FFE];
	_ =	sdelay $0x1  }
0x8a: {  	s1 =	srdreg.scid  }
0x8b: {  	s0 =	sand.u32 $0x1, s1  }
0x8c: {  	s17 =	sshll.u32 s0, $0xA;
	s2 =	sadd.s32 s3, s2  }
0x8d: {  	s2 =	sadd.s32 s2, s17  }
0x8e: {  	[smem:$0x3FC4] =	sst s2  }
0x8f: {  	_ = 	snop  }
0x90: {  	s2 =	sld [smem:$0x3FD0];
	(tm) =	ssettm $0x1  }
0x91: {  	s18 =	sld [smem:$0x3FFB];
	_ =	sdelay $0x3  }
0x92: {  	_ =	strace s18  }
0x93: {  	s3 =	sld [smem:$0x3FFC];
	_ =	sdelay $0x3  }
0x94: {  	_ =	strace s3  }
0x95: {  	s3 =	sld [smem:$0x3FFD];
	_ =	sdelay $0x3  }
0x96: {  	_ =	strace s3  }
0x97: {  	_ =	strace $0x8FFFFFFF  }
0x98: {  	s19 =	sld [smem:$0x3FDB];
	_ =	sdelay $0x1  }
0x99: {  	s4 =	simm.s32 $_scs_section_size  }
0x9a: {  	s5 =	simm.s32 $_size__tile_overlayer_lowered;
	s6 =	simm.s32 $_tile_overlayer_lowered  }
0x9b: {  	s22 =	simm.s32 $0x1BFF;
	s21 =	sshll.u32 s6, $0x1;
	s3 =	sadd.s32 s4, s19  }
0x9c: {  	s7 =	simm.s32 $0x0;
	s20 =	sshll.u32 s5, $0x1;
	s5 =	sadd.s32 s21, s3  }
0x9d: {  	[timem:s7], [sflag:s22] =	dma.local [hbm:s5], s20  }
0x9e: {  	_ =	swait.ge [sflag:s22], s20  }
0x9f: {  	s4 =	ssub.s32 $0x0, s20;
	[sflag:s22] =	ssyncset.done $0x0  }
0xa0: {  	[sflag:s22] =	ssyncadd.s32 s4;
	_ =	sdelay $0x1  }
0xa1: {  	s23 =	simm.s32 $0x1B8B  }
0xa2: {  	_ =	swait.ge [sflag:s23], $0x1  }
0xa3: {  	[sflag:s23] =	ssyncset.done $0x0  }
0xa4: {  	s25 =	simm.s32 $0x1B8E;
	s24 =	sld [smem:$0x3FFE];
	[sflag:s23] =	ssyncadd.s32 $0xFFFFFFFF  }
0xa5: {  	s26 =	simm.s32 $execute0_lowered;
	[smem:$0x3FD2] =	sst s25  }
0xa6: {  	s5 =	sshll.u32 s26, $0x1;
	_ =	strace $0x80000049;
	[dreg:$0x1] =	wrdreg $0xFFFFFFFF  }
0xa7: {  	s28 =	simm.s32 $_size_execute0_lowered;
	s3 =	sadd.s32 s3, s5;
	[dreg:$0x0] =	wrdreg $0x0  }
0xa8: {  	s5 =	sshll.u32 s28, $0x1;
	[dreg:$0x2] =	wrdreg s3  }
0xa9: {  	[dreg:$0x3] =	wrdreg s5  }
0xaa: {  	[dreg:$0x4] =	wrdreg $0xC0  }
0xab: {  	_ =	task [dreg:s7], $0x5FFFF  }
0xac: {  	[dreg:$0x1] =	wrdreg $0xFFFFFFFF  }
0xad: {  	[dreg:$0x0] =	wrdreg $0x60  }
0xae: {  	[dreg:$0x2] =	wrdreg s2  }
0xaf: {  	[dreg:$0x3] =	wrdreg s24  }
0xb0: {  	[dreg:$0x4] =	wrdreg $0x9  }
0xb1: {  	_ =	task.clear_ibuf [dreg:s7], $0x5FFFF;
	_ =	strace $0x90000049  }
0xb2: {  	s29 =	simm.s32 $0x9;
	_ =	strace $0x8000004B  }
0xb3: {  	_ =	swait.ge [sflag:s29], $0x1  }
0xb4: {  	[sflag:s29] =	ssyncadd.s32 $0xFFFFFFFF  }
0xb5: {  	_ =	strace $0x9000004B  }
0xb6: {  	_ =	sfence  }
0xb7: {  	s30 =	sld [smem:$0x0];
	_ =	sdelay $0x2  }
0xb8: {  	s31 =	sshll.u32 s1, $0xD;
	s1 =	sshrl.u32 s1, $0x2  }
0xb9: {  	s3 =	sand.u32 $0x4000, s31;
	s1 =	sadd.s32 s1, s30  }
0xba: {  	s0 =	sor.u32 s3, s0;
	s1 =	sshll.u32 s1, $0x11  }
0xbb: {  	s0 =	sor.u32 s1, s0  }
0xbc: {  	s0 =	sadd.s32 $0x8F2B, s0  }
0xbd: {  	[sflag:s0] =	ssyncadd.remote.s32 $0x1  }
0xbe: {  	_ =	sfence.sel $0xFFFF  }
0xbf: {  	[dreg:$0x0] =	wrdreg $0xFFFFFFFF;
	(pc) =	sbr.abs _section_cstart, $3  }
0xc0: {  	[dreg:$0x1] =	wrdreg $0xFFFFFFFF  }
0xc1: {  	_ =	task.clear_ibuf [dreg:s7], $0x2FFFF;
	_ =	strace $0x9FFFFFFF  }
0xc2: {  	(tm) =	ssettm $0x7FFFFFFF  }
0xc3: {  	_ =	shalt  }
tec
execute0_lowered:
.L_overlay_start_1:
0x0: {  	(tag) =	ssettag $0x1  }
0x1: {  	s1 =	srdreg.scid;
	s2 =	stileid.u32  }
0x2: {  	s1 =	sand.u32 $0x1, s1;
	s5 =	sshll.u32 s2, $0x1  }
0x3: {  	s0 =	rddreg [dreg:$0x0];
	s10 =	sor.u32 s1, s5  }
0x4: {  	s3 =	rddreg [dreg:$0x1];
	s2 =	simm.s32 $0x0;
	s4 =	smul.u32 $0x140, s10  }
0x5: {  	s7 =	sadd.s32 $0x1000, s3;
	[smem:$0x7FF] =	sst s2;
	s6 =	smul.u32 $0x500, s10  }
0x6: {  	s1 =	ssub.s32 $0x2, s1;
	_ =	strace $0x8000004A;
	[dreg:$0x3] =	wrdreg s7  }
0x7: {  	s26 =	sshrl.u32 s1, $0x1;
	s4 =	sshrl.u32 s4, $0x3;
	s3 =	sadd.s32 s6, s3  }
0x8: {  	s6 =	ssub.s32 s1, s26;
	s4 =	sadd.s32 s0, s4;
	s26 =	sadd.s32 $0x1200, s3  }
0x9: {  	s7 =	sadd.s32 $0x500, s4;
	[dreg:$0x15] =	wrdreg s26  }
0xa: {  	s8 =	sadd.s32 $0xA00, s4;
	[dreg:$0x4] =	wrdreg s7  }
0xb: {  	s9 =	sadd.s32 $0xF00, s4;
	[dreg:$0x5] =	wrdreg s8  }
0xc: {  	s11 =	sadd.s32 $0x1400, s4;
	[dreg:$0x6] =	wrdreg s9  }
0xd: {  	s12 =	sadd.s32 $0x1900, s4;
	[dreg:$0x7] =	wrdreg s11  }
0xe: {  	s13 =	sadd.s32 $0x1E00, s4;
	[dreg:$0x8] =	wrdreg s12  }
0xf: {  	s14 =	sadd.s32 $0x2300, s4;
	[dreg:$0x9] =	wrdreg s13  }
0x10: {  	s15 =	sadd.s32 $0x2800, s4;
	[dreg:$0xa] =	wrdreg s14  }
0x11: {  	s16 =	sadd.s32 $0x2D00, s4;
	[dreg:$0xb] =	wrdreg s15  }
0x12: {  	s24 =	sand.u32 $0x10, s5;
	s17 =	sadd.s32 $0x3200, s4;
	[dreg:$0xc] =	wrdreg s16  }
0x13: {  	s18 =	sadd.s32 $0x3700, s4;
	s19 =	sadd.s32 $0x3C00, s4;
	[dreg:$0xd] =	wrdreg s17  }
0x14: {  	s20 =	sadd.s32 $0x4100, s4;
	s21 =	sadd.s32 $0x4600, s4;
	[dreg:$0xe] =	wrdreg s18  }
0x15: {  	s22 =	sadd.s32 $0x4B00, s4;
	s23 =	sadd.s32 $0x5000, s4;
	[dreg:$0xf] =	wrdreg s19  }
0x16: {  	s25 =	sadd.s32 $0x5500, s4;
	s26 =	sadd.s32 $0x6400, s4;
	[dreg:$0x10] =	wrdreg s20  }
0x17: {  	s28 =	sadd.s32 $0x6900, s4;
	s29 =	sadd.s32 $0x6E00, s4;
	[dreg:$0x11] =	wrdreg s21  }
0x18: {  	s30 =	sadd.s32 $0x7300, s4;
	s31 =	sadd.s32 $0x7800, s4;
	[dreg:$0x12] =	wrdreg s22  }
0x19: {  	s1 =	sadd.s32 $0x7D00, s4;
	s0 =	sadd.s32 $0x8200, s4;
	[dreg:$0x13] =	wrdreg s23  }
0x1a: {  	s3 =	sadd.s32 $0x8700, s4;
	s5 =	sadd.s32 $0x8C00, s4;
	[dreg:$0x14] =	wrdreg s25  }
.Ltmp0:
0x1b: {  	v0 =	vlaneseq.u32;
	s11 =	sor.u32 $0x2800, s24;
	s23 =	smax.u32 s6, $0x1;
	(pc) =	sbr.rel .LBB2_1-.Ltmp0, $4  }
0x1c: {  	v4 =	vor.u32 $0x10, v0;
	v2 =	vmov s10;
	s24 =	sadd.s32 $0x5A00, s4;
	s25 =	sadd.s32 $0x5F00, s4;
	s6 =	sadd.s32 $0x9100, s4  }
0x1d: {  	vm0 =	vgt.u32 v2, v4;
	s7 =	sadd.s32 $0x9600, s4;
	s8 =	sadd.s32 $0x9B00, s4;
	s12 =	sand.u32 $0xF, s10  }
0x1e: {  	vm1 =	vgt.u32 v2, v0;
	v2 =	vimm.s32 $0x0;
	s9 =	simm.s32 $0x2;
	s10 =	simm.s32 $0x1;
	s13 =	simm.s32 $0x4400;
	v3 =	vmov s12  }
0x1f: {  	s14 =	simm.s32 $0x0;
	v1 =	vmov s11;
	s11 =	simm.s32 $0x2C00;
	s12 =	simm.s32 $0x3800;
	vm2 =	veq.s32 v3, v0;
	v3 =	vimm.s32 $0x1  }
.LBB2_25:
0x20: {  	s14 =	sadd.s32 $0x1, s14  }
0x21: {  	p0 =	sne.s32 s14, s23  }
.Ltmp1:
0x22: {  	s15 =	rddreg [dreg:$0x15];
	(pc) =	sbr.rel @!p0 .LBB2_26-.Ltmp1, $4  }
0x23: {  	[hbm4b:s15+s2] =	stream.linear.scatter [tilespmem:s13], [sflag:$0x2], $0x2800, $0x38;
	[tilespmem:$0x6C00] =	vst v63  }
0x24: {  	_ =	swait.ge [sflag:s9], $0x2800  }
0x25: {  	[sflag:s9] =	ssyncset.done $0x0  }
0x26: {  	[sflag:s9] =	ssyncadd.s32 $0xFFFFD800  }
.LBB2_1:
0x27: {  	s15 =	rddreg [dreg:$0x3];
	s16 =	simm.s32 $0x2800  }
0x28: {  	[tilespmem:s16], [sflag:$0x2] =	stream.linear.gather [hbm4b:s15+s2], $0x400, $0x38;
	[tilespmem:$0x6C00] =	vst v63  }
0x29: {  	_ =	swait.ge [sflag:s9], $0x400  }
0x2a: {  	[sflag:s9] =	ssyncset.done $0x0  }
0x2b: {  	[sflag:s9] =	ssyncadd.s32 $0xFFFFFC00  }
0x2c: {  	[tilespmem:s2], [sflag:$0x1] =	stream.linear.gather [hbm4b:s4+s2], $0x140, $0x38;
	[tilespmem:$0x6C00] =	vst v63  }
0x2d: {  	s20 =	simm.s32 $0x140;
	s19 =	rddreg [dreg:$0x4]  }
0x2e: {  	[tilespmem:s20], [sflag:$0x1] =	stream.linear.gather [hbm4b:s19+s2], $0x140, $0x38;
	[tilespmem:$0x6C00] =	vst v63  }
0x2f: {  	s22 =	simm.s32 $0x280;
	s21 =	rddreg [dreg:$0x5]  }
0x30: {  	[tilespmem:s22], [sflag:$0x1] =	stream.linear.gather [hbm4b:s21+s2], $0x140, $0x38;
	[tilespmem:$0x6C00] =	vst v63  }
0x31: {  	s18 =	simm.s32 $0x3C0;
	s17 =	rddreg [dreg:$0x6]  }
0x32: {  	[tilespmem:s18], [sflag:$0x1] =	stream.linear.gather [hbm4b:s17+s2], $0x140, $0x38;
	[tilespmem:$0x6C00] =	vst v63  }
0x33: {  	s19 =	rddreg [dreg:$0x7];
	s20 =	simm.s32 $0x500  }
0x34: {  	[tilespmem:s20], [sflag:$0x1] =	stream.linear.gather [hbm4b:s19+s2], $0x140, $0x38;
	[tilespmem:$0x6C00] =	vst v63  }
0x35: {  	s21 =	rddreg [dreg:$0x8];
	s22 =	simm.s32 $0x640  }
0x36: {  	[tilespmem:s22], [sflag:$0x1] =	stream.linear.gather [hbm4b:s21+s2], $0x140, $0x38;
	[tilespmem:$0x6C00] =	vst v63  }
0x37: {  	s17 =	rddreg [dreg:$0x9];
	s18 =	simm.s32 $0x780  }
0x38: {  	[tilespmem:s18], [sflag:$0x1] =	stream.linear.gather [hbm4b:s17+s2], $0x140, $0x38;
	[tilespmem:$0x6C00] =	vst v63  }
0x39: {  	s19 =	rddreg [dreg:$0xa];
	s20 =	simm.s32 $0x8C0  }
0x3a: {  	[tilespmem:s20], [sflag:$0x1] =	stream.linear.gather [hbm4b:s19+s2], $0x140, $0x38;
	[tilespmem:$0x6C00] =	vst v63  }
0x3b: {  	s21 =	rddreg [dreg:$0xb];
	s22 =	simm.s32 $0xA00  }
0x3c: {  	[tilespmem:s22], [sflag:$0x1] =	stream.linear.gather [hbm4b:s21+s2], $0x140, $0x38;
	[tilespmem:$0x6C00] =	vst v63  }
0x3d: {  	s17 =	rddreg [dreg:$0xc];
	s18 =	simm.s32 $0xB40  }
0x3e: {  	[tilespmem:s18], [sflag:$0x1] =	stream.linear.gather [hbm4b:s17+s2], $0x140, $0x38;
	[tilespmem:$0x6C00] =	vst v63  }
0x3f: {  	s19 =	rddreg [dreg:$0xd];
	s20 =	simm.s32 $0xC80  }
0x40: {  	[tilespmem:s20], [sflag:$0x1] =	stream.linear.gather [hbm4b:s19+s2], $0x140, $0x38;
	[tilespmem:$0x6C00] =	vst v63  }
0x41: {  	s21 =	rddreg [dreg:$0xe];
	s22 =	simm.s32 $0xDC0  }
0x42: {  	[tilespmem:s22], [sflag:$0x1] =	stream.linear.gather [hbm4b:s21+s2], $0x140, $0x38;
	[tilespmem:$0x6C00] =	vst v63  }
0x43: {  	s17 =	rddreg [dreg:$0xf];
	s18 =	simm.s32 $0xF00  }
0x44: {  	[tilespmem:s18], [sflag:$0x1] =	stream.linear.gather [hbm4b:s17+s2], $0x140, $0x38;
	[tilespmem:$0x6C00] =	vst v63  }
0x45: {  	s19 =	rddreg [dreg:$0x10];
	s20 =	simm.s32 $0x1040  }
0x46: {  	[tilespmem:s20], [sflag:$0x1] =	stream.linear.gather [hbm4b:s19+s2], $0x140, $0x38;
	[tilespmem:$0x6C00] =	vst v63  }
0x47: {  	s21 =	rddreg [dreg:$0x11];
	s22 =	simm.s32 $0x1180  }
0x48: {  	[tilespmem:s22], [sflag:$0x1] =	stream.linear.gather [hbm4b:s21+s2], $0x140, $0x38;
	[tilespmem:$0x6C00] =	vst v63  }
0x49: {  	s16 =	rddreg [dreg:$0x12];
	s17 =	simm.s32 $0x12C0  }
0x4a: {  	[tilespmem:s17], [sflag:$0x1] =	stream.linear.gather [hbm4b:s16+s2], $0x140, $0x38;
	[tilespmem:$0x6C00] =	vst v63  }
0x4b: {  	s18 =	rddreg [dreg:$0x13];
	s19 =	simm.s32 $0x1400  }
0x4c: {  	[tilespmem:s19], [sflag:$0x1] =	stream.linear.gather [hbm4b:s18+s2], $0x140, $0x38;
	[tilespmem:$0x6C00] =	vst v63  }
0x4d: {  	s20 =	rddreg [dreg:$0x14];
	s21 =	simm.s32 $0x1540  }
0x4e: {  	[tilespmem:s21], [sflag:$0x1] =	stream.linear.gather [hbm4b:s20+s2], $0x140, $0x38;
	[tilespmem:$0x6C00] =	vst v63  }
0x4f: {  	s22 =	simm.s32 $0x1680  }
0x50: {  	[tilespmem:s22], [sflag:$0x1] =	stream.linear.gather [hbm4b:s24+s2], $0x140, $0x38;
	[tilespmem:$0x6C00] =	vst v63  }
0x51: {  	s16 =	simm.s32 $0x17C0  }
0x52: {  	[tilespmem:s16], [sflag:$0x1] =	stream.linear.gather [hbm4b:s25+s2], $0x140, $0x38;
	[tilespmem:$0x6C00] =	vst v63  }
0x53: {  	s17 =	simm.s32 $0x1900  }
0x54: {  	[tilespmem:s17], [sflag:$0x1] =	stream.linear.gather [hbm4b:s26+s2], $0x140, $0x38;
	[tilespmem:$0x6C00] =	vst v63  }
0x55: {  	s18 =	simm.s32 $0x1A40  }
0x56: {  	[tilespmem:s18], [sflag:$0x1] =	stream.linear.gather [hbm4b:s28+s2], $0x140, $0x38;
	[tilespmem:$0x6C00] =	vst v63  }
0x57: {  	s19 =	simm.s32 $0x1B80  }
0x58: {  	[tilespmem:s19], [sflag:$0x1] =	stream.linear.gather [hbm4b:s29+s2], $0x140, $0x38;
	[tilespmem:$0x6C00] =	vst v63  }
0x59: {  	s20 =	simm.s32 $0x1CC0  }
0x5a: {  	[tilespmem:s20], [sflag:$0x1] =	stream.linear.gather [hbm4b:s30+s2], $0x140, $0x38;
	[tilespmem:$0x6C00] =	vst v63  }
0x5b: {  	s21 =	simm.s32 $0x1E00  }
0x5c: {  	[tilespmem:s21], [sflag:$0x1] =	stream.linear.gather [hbm4b:s31+s2], $0x140, $0x38;
	[tilespmem:$0x6C00] =	vst v63  }
0x5d: {  	s22 =	simm.s32 $0x1F40  }
0x5e: {  	[tilespmem:s22], [sflag:$0x1] =	stream.linear.gather [hbm4b:s1+s2], $0x140, $0x38;
	[tilespmem:$0x6C00] =	vst v63  }
0x5f: {  	s16 =	simm.s32 $0x2080  }
0x60: {  	[tilespmem:s16], [sflag:$0x1] =	stream.linear.gather [hbm4b:s0+s2], $0x140, $0x38;
	[tilespmem:$0x6C00] =	vst v63  }
0x61: {  	s17 =	simm.s32 $0x21C0  }
0x62: {  	[tilespmem:s17], [sflag:$0x1] =	stream.linear.gather [hbm4b:s3+s2], $0x140, $0x38;
	[tilespmem:$0x6C00] =	vst v63  }
0x63: {  	s18 =	simm.s32 $0x2300  }
0x64: {  	[tilespmem:s18], [sflag:$0x1] =	stream.linear.gather [hbm4b:s5+s2], $0x140, $0x38;
	[tilespmem:$0x6C00] =	vst v63  }
0x65: {  	s19 =	simm.s32 $0x2440  }
0x66: {  	[tilespmem:s19], [sflag:$0x1] =	stream.linear.gather [hbm4b:s6+s2], $0x140, $0x38;
	[tilespmem:$0x6C00] =	vst v63  }
0x67: {  	s20 =	simm.s32 $0x2580  }
0x68: {  	[tilespmem:s20], [sflag:$0x1] =	stream.linear.gather [hbm4b:s7+s2], $0x140, $0x38;
	[tilespmem:$0x6C00] =	vst v63  }
0x69: {  	s21 =	simm.s32 $0x26C0;
	s22 =	simm.s32 $0x2840  }
0x6a: {  	[tilespmem:s21], [sflag:$0x1] =	stream.linear.gather [hbm4b:s8+s2], $0x140, $0x38;
	[tilespmem:$0x6C00] =	vst v63  }
0x6b: {  	v5 =	vld [tilespmem:s22+$0xFFFFFFC0]  }
0x6c: {  	v6 =	vld [tilespmem:s22+$0xFFFFFFD0]  }
0x6d: {  	v8 =	vld [tilespmem:s22+$0xFFFFFFE0]  }
0x6e: {  	v7 =	vld [tilespmem:s22+$0xFFFFFFF0]  }
0x6f: {  	v4 =	vld [tilespmem:s22+$0x0]  }
0x70: {  	v9 =	vnsel vm1, $0x0, v5;
	v5 =	vld [tilespmem:s22+$0x10]  }
0x71: {  	v10 =	vnsel vm0, $0x0, v6;
	v6 =	vld [tilespmem:s22+$0x20];
	v9 =	vadd.s32 v2, v9  }
0x72: {  	s16 =	simm.s32 $0x0;
	s17 =	simm.s32 $0x28C0;
	v9 =	vadd.s32 v10, v9;
	v10 =	vnsel vm1, $0x0, v8;
	v8 =	vld [tilespmem:s22+$0x30]  }
.LBB2_2:
0x73: {  	v11 =	vld [tilespmem:s17+$0xFFFFFFC0];
	s16 =	sadd.s32 $0x8, s16;
	v9 =	vadd.s32 v10, v9;
	v7 =	vnsel vm0, $0x0, v7  }
0x74: {  	v10 =	vld [tilespmem:s17+$0xFFFFFFD0];
	p0 =	slt.u32 s16, $0x38;
	v7 =	vadd.s32 v7, v9;
	v4 =	vnsel vm1, $0x0, v4  }
0x75: {  	v12 =	vld [tilespmem:s17+$0xFFFFFFE0];
	v4 =	vadd.s32 v4, v7;
	v5 =	vnsel vm0, $0x0, v5  }
.Ltmp2:
0x76: {  	v7 =	vld [tilespmem:s17+$0xFFFFFFF0];
	v5 =	vadd.s32 v5, v4;
	v6 =	vnsel vm1, $0x0, v6;
	(pc) =	sbr.rel @p0 .LBB2_2-.Ltmp2, $4  }
0x77: {  	v4 =	vld [tilespmem:s17+$0x0];
	v6 =	vadd.s32 v6, v5;
	v8 =	vnsel vm0, $0x0, v8  }
0x78: {  	s15 =	simm.s32 $0x2C40;
	v9 =	vnsel vm1, $0x0, v11;
	v5 =	vld [tilespmem:s17+$0x10];
	v6 =	vadd.s32 v8, v6  }
0x79: {  	v8 =	vadd.s32 v6, v9;
	v9 =	vnsel vm0, $0x0, v10;
	v6 =	vld [tilespmem:s17+$0x20]  }
0x7a: {  	v9 =	vadd.s32 v9, v8;
	v10 =	vnsel vm1, $0x0, v12;
	v8 =	vld [tilespmem:s17+$0x30];
	s17 =	sadd.s32 $0x80, s17  }
0x7b: {  	[tilespmem:s15+$0xFFFFFFC0] =	vst v2  }
0x7c: {  	v9 =	vadd.s32 v10, v9;
	v7 =	vnsel vm0, $0x0, v7;
	[tilespmem:s15+$0x30] =	vst v2  }
0x7d: {  	[tilespmem:s15+$0x20] =	vst v2;
	v7 =	vadd.s32 v7, v9;
	v4 =	vnsel vm1, $0x0, v4  }
0x7e: {  	[tilespmem:s15+$0x10] =	vst v2;
	v4 =	vadd.s32 v4, v7;
	v5 =	vnsel vm0, $0x0, v5  }
0x7f: {  	[tilespmem:s15+$0x0] =	vst v2;
	v4 =	vadd.s32 v5, v4;
	v5 =	vnsel vm1, $0x0, v6  }
0x80: {  	[tilespmem:s15+$0xFFFFFFF0] =	vst v2;
	v4 =	vadd.s32 v5, v4;
	v5 =	vnsel vm0, $0x0, v8  }
0x81: {  	s16 =	simm.s32 $0x0;
	[tilespmem:s15+$0xFFFFFFE0] =	vst v2;
	v4 =	vadd.s32 v5, v4  }
.LBB2_4:
0x82: {  	s16 =	sadd.s32 $0x8, s16;
	[tilespmem:s15+$0xFFFFFFD0] =	vst v2;
	s15 =	sadd.s32 $0x80, s15  }
0x83: {  	[tilespmem:s15+$0xFFFFFFC0] =	vst v2;
	p0 =	slt.u32 s16, $0xB8  }
0x84: {  	[tilespmem:s15+$0x30] =	vst v2  }
.Ltmp3:
0x85: {  	[tilespmem:s15+$0x20] =	vst v2;
	(pc) =	sbr.rel @p0 .LBB2_4-.Ltmp3, $4  }
0x86: {  	[tilespmem:s15+$0x10] =	vst v2  }
0x87: {  	[tilespmem:s15+$0x0] =	vst v2  }
0x88: {  	[tilespmem:s15+$0xFFFFFFF0] =	vst v2  }
0x89: {  	[tilespmem:s15+$0xFFFFFFE0] =	vst v2  }
0x8a: {  	[tilespmem:s15+$0xFFFFFFD0] =	vst v2  }
0x8b: {  	_ =	swait.ge [sflag:s10], $0x140  }
0x8c: {  	[sflag:s10] =	ssyncset.done $0x0  }
0x8d: {  	[sflag:s10] =	ssyncadd.s32 $0xFFFFFEC0  }
0x8e: {  	_ =	swait.ge [sflag:s10], $0x140  }
0x8f: {  	[sflag:s10] =	ssyncset.done $0x0  }
0x90: {  	[sflag:s10] =	ssyncadd.s32 $0xFFFFFEC0  }
0x91: {  	_ =	swait.ge [sflag:s10], $0x140  }
0x92: {  	[sflag:s10] =	ssyncset.done $0x0  }
0x93: {  	[sflag:s10] =	ssyncadd.s32 $0xFFFFFEC0  }
0x94: {  	_ =	swait.ge [sflag:s10], $0x140  }
0x95: {  	[sflag:s10] =	ssyncset.done $0x0  }
0x96: {  	[sflag:s10] =	ssyncadd.s32 $0xFFFFFEC0  }
0x97: {  	_ =	swait.ge [sflag:s10], $0x140  }
0x98: {  	[sflag:s10] =	ssyncset.done $0x0  }
0x99: {  	[sflag:s10] =	ssyncadd.s32 $0xFFFFFEC0  }
0x9a: {  	_ =	swait.ge [sflag:s10], $0x140  }
0x9b: {  	[sflag:s10] =	ssyncset.done $0x0  }
0x9c: {  	[sflag:s10] =	ssyncadd.s32 $0xFFFFFEC0  }
0x9d: {  	_ =	swait.ge [sflag:s10], $0x140  }
0x9e: {  	[sflag:s10] =	ssyncset.done $0x0  }
0x9f: {  	[sflag:s10] =	ssyncadd.s32 $0xFFFFFEC0  }
0xa0: {  	_ =	swait.ge [sflag:s10], $0x140  }
0xa1: {  	[sflag:s10] =	ssyncset.done $0x0  }
0xa2: {  	[sflag:s10] =	ssyncadd.s32 $0xFFFFFEC0  }
0xa3: {  	_ =	swait.ge [sflag:s10], $0x140  }
0xa4: {  	[sflag:s10] =	ssyncset.done $0x0  }
0xa5: {  	[sflag:s10] =	ssyncadd.s32 $0xFFFFFEC0  }
0xa6: {  	_ =	swait.ge [sflag:s10], $0x140  }
0xa7: {  	[sflag:s10] =	ssyncset.done $0x0  }
0xa8: {  	[sflag:s10] =	ssyncadd.s32 $0xFFFFFEC0  }
0xa9: {  	_ =	swait.ge [sflag:s10], $0x140  }
0xaa: {  	[sflag:s10] =	ssyncset.done $0x0  }
0xab: {  	[sflag:s10] =	ssyncadd.s32 $0xFFFFFEC0  }
0xac: {  	_ =	swait.ge [sflag:s10], $0x140  }
0xad: {  	[sflag:s10] =	ssyncset.done $0x0  }
0xae: {  	[sflag:s10] =	ssyncadd.s32 $0xFFFFFEC0  }
0xaf: {  	_ =	swait.ge [sflag:s10], $0x140  }
0xb0: {  	[sflag:s10] =	ssyncset.done $0x0  }
0xb1: {  	[sflag:s10] =	ssyncadd.s32 $0xFFFFFEC0  }
0xb2: {  	_ =	swait.ge [sflag:s10], $0x140  }
0xb3: {  	[sflag:s10] =	ssyncset.done $0x0  }
0xb4: {  	[sflag:s10] =	ssyncadd.s32 $0xFFFFFEC0  }
0xb5: {  	_ =	swait.ge [sflag:s10], $0x140  }
0xb6: {  	[sflag:s10] =	ssyncset.done $0x0  }
0xb7: {  	[sflag:s10] =	ssyncadd.s32 $0xFFFFFEC0  }
0xb8: {  	_ =	swait.ge [sflag:s10], $0x140  }
0xb9: {  	[sflag:s10] =	ssyncset.done $0x0  }
0xba: {  	[sflag:s10] =	ssyncadd.s32 $0xFFFFFEC0  }
0xbb: {  	_ =	swait.ge [sflag:s10], $0x140  }
0xbc: {  	[sflag:s10] =	ssyncset.done $0x0  }
0xbd: {  	[sflag:s10] =	ssyncadd.s32 $0xFFFFFEC0  }
0xbe: {  	_ =	swait.ge [sflag:s10], $0x140  }
0xbf: {  	[sflag:s10] =	ssyncset.done $0x0  }
0xc0: {  	[sflag:s10] =	ssyncadd.s32 $0xFFFFFEC0  }
0xc1: {  	_ =	swait.ge [sflag:s10], $0x140  }
0xc2: {  	[sflag:s10] =	ssyncset.done $0x0  }
0xc3: {  	[sflag:s10] =	ssyncadd.s32 $0xFFFFFEC0  }
0xc4: {  	_ =	swait.ge [sflag:s10], $0x140  }
0xc5: {  	[sflag:s10] =	ssyncset.done $0x0  }
0xc6: {  	[sflag:s10] =	ssyncadd.s32 $0xFFFFFEC0  }
0xc7: {  	_ =	swait.ge [sflag:s10], $0x140  }
0xc8: {  	[sflag:s10] =	ssyncset.done $0x0  }
0xc9: {  	[sflag:s10] =	ssyncadd.s32 $0xFFFFFEC0  }
0xca: {  	_ =	swait.ge [sflag:s10], $0x140  }
0xcb: {  	[sflag:s10] =	ssyncset.done $0x0  }
0xcc: {  	[sflag:s10] =	ssyncadd.s32 $0xFFFFFEC0  }
0xcd: {  	_ =	swait.ge [sflag:s10], $0x140  }
0xce: {  	[sflag:s10] =	ssyncset.done $0x0  }
0xcf: {  	[sflag:s10] =	ssyncadd.s32 $0xFFFFFEC0  }
0xd0: {  	_ =	swait.ge [sflag:s10], $0x140  }
0xd1: {  	[sflag:s10] =	ssyncset.done $0x0  }
0xd2: {  	[sflag:s10] =	ssyncadd.s32 $0xFFFFFEC0  }
0xd3: {  	_ =	swait.ge [sflag:s10], $0x140  }
0xd4: {  	[sflag:s10] =	ssyncset.done $0x0  }
0xd5: {  	[sflag:s10] =	ssyncadd.s32 $0xFFFFFEC0  }
0xd6: {  	_ =	swait.ge [sflag:s10], $0x140  }
0xd7: {  	[sflag:s10] =	ssyncset.done $0x0  }
0xd8: {  	[sflag:s10] =	ssyncadd.s32 $0xFFFFFEC0  }
0xd9: {  	_ =	swait.ge [sflag:s10], $0x140  }
0xda: {  	[sflag:s10] =	ssyncset.done $0x0  }
0xdb: {  	[sflag:s10] =	ssyncadd.s32 $0xFFFFFEC0  }
0xdc: {  	_ =	swait.ge [sflag:s10], $0x140  }
0xdd: {  	[sflag:s10] =	ssyncset.done $0x0  }
0xde: {  	[sflag:s10] =	ssyncadd.s32 $0xFFFFFEC0  }
0xdf: {  	_ =	swait.ge [sflag:s10], $0x140  }
0xe0: {  	[sflag:s10] =	ssyncset.done $0x0  }
0xe1: {  	[sflag:s10] =	ssyncadd.s32 $0xFFFFFEC0  }
0xe2: {  	_ =	swait.ge [sflag:s10], $0x140  }
0xe3: {  	[sflag:s10] =	ssyncset.done $0x0  }
0xe4: {  	[sflag:s10] =	ssyncadd.s32 $0xFFFFFEC0  }
0xe5: {  	_ =	swait.ge [sflag:s10], $0x140  }
.Ltmp4:
0xe6: {  	[sflag:s10] =	ssyncset.done $0x0;
	(pc) =	sbr.rel .LBB2_6-.Ltmp4, $4  }
0xe7: {  	[sflag:s10] =	ssyncadd.s32 $0xFFFFFEC0  }
0xe8: {  	_ =	swait.ge [sflag:s10], $0x140  }
0xe9: {  	[sflag:s10] =	ssyncset.done $0x0  }
0xea: {  	s15 =	simm.s32 $0x0;
	s16 =	simm.s32 $0x0;
	[sflag:s10] =	ssyncadd.s32 $0xFFFFFEC0  }
.LBB2_8:
0xeb: {  	s18 =	simm.s32 $0x0  }
.LBB2_12:
0xec: {  	s18 =	sadd.s32 @p0 $0x10, s18  }
0xed: {  	s17 =	smov.u32 @p0 s18  }
0xee: {  	v7 =	vor.u32 s17, v0  }
0xef: {  	vm3 =	vlt.s32 v7, v5;
	v5 =	vshra.s32 v6, $0x11  }
0xf0: {  	v5 =	vnsel vm3, $0x0, v5;
	_ =	sdelay $0x4  }
0xf1: {  	[tilespmem:v5+s11+$0x0] =	vst.idx.add.s32.msk vm3, v3  }
.LBB2_13:
0xf2: {  	s16 =	sadd.s32 $0x1, s16  }
0xf3: {  	p0 =	seq.s32 s16, $0x20  }
.Ltmp5:
0xf4: {  	_ = 	snop;
	(pc) =	sbr.rel @p0 .LBB2_14-.Ltmp5, $2  }
0xf5: {  	_ =	sdelay $0x2  }
0xf6: {  	s15 =	sadd.s32 $0x140, s15  }
.LBB2_6:
0xf7: {  	_ =	sdelay $0x1  }
0xf8: {  	s17 =	sshll.u32 s16, $0x5  }
0xf9: {  	s17 =	sand.u32 $0x3FFFFFE0, s17  }
0xfa: {  	v5 =	vld.idx.msk [tilespmem:v1+s17+$0x0 ss:$0x1], $0xffff;
	_ =	sdelay $0x4  }
0xfb: {  	v5 =	vnsel vm2, $0x0, v5  }
0xfc: {  	(xrf0) =	vadd.scan.msk.s32 $0xffff, v5;
	_ =	sdelay $0x5  }
0xfd: {  	v5, _, _ =	vpop (xrf0)  }
0xfe: {  	(v2sf) =	vpush v5, $0xF;
	_ =	sdelay $0xe  }
0xff: {  	s21 =	spop (v2sf)  }
0x100: {  	s17 =	sadd.s32 $0xF, s21  }
0x101: {  	s18 =	sand.u32 $0xF, s17  }
0x102: {  	s22 =	sshra.s32 s17, $0x1F;
	p1 =	slt.s32 s17, $0x1;
	p0 =	sne.s32 s18, $0x0  }
0x103: {  	s18 =	sshrl.u32 s22, $0x1C;
	p0 =	por !p1, !p0  }
0x104: {  	s17 =	sadd.s32 s18, s17;
	s18 =	simm.s32 $0x1;
	p0 =	por !p0, !p0  }
0x105: {  	s17 =	sshra.s32 s17, $0x4;
	s18 =	simm.s32 @!p0 $0x0  }
0x106: {  	s18 =	ssub.s32 s17, s18  }
0x107: {  	p0 =	slt.s32 s18, $0x1  }
.Ltmp6:
0x108: {  	_ = 	snop;
	(pc) =	sbr.rel @p0 .LBB2_13-.Ltmp6, $1  }
0x109: {  	_ =	sdelay $0x3  }
0x10a: {  	p1 =	sne.s32 s18, $0x1  }
.Ltmp7:
0x10b: {  	_ = 	snop;
	(pc) =	sbr.rel @!p1 .LBB2_8-.Ltmp7, $3  }
0x10c: {  	_ =	sdelay $0x1  }
0x10d: {  	v6 =	vld [tilespmem:s15+$0x0]  }
0x10e: {  	v5 =	vbroadcast v5, $0xF;
	s17 =	simm.s32 $0x0;
	s18 =	sadd.s32 $0xFFFFFFFF, s18;
	p0 =	por $0x0, $0x0  }
0x10f: {  	_ =	sdelay $0x1  }
0x110: {  	v7 =	vor.u32 s17, v0  }
0x111: {  	vm3 =	vlt.s32 v7, v5;
	v6 =	vshra.s32 v6, $0x11  }
0x112: {  	v6 =	vnsel vm3, $0x0, v6;
	_ =	sdelay $0x1  }
0x113: {  	p1 =	sne.s32 s18, $0x1  }
.Ltmp8:
0x114: {  	_ = 	snop;
	(pc) =	sbr.rel @!p1 .LBB2_10-.Ltmp8, $4  }
0x115: {  	_ = 	snop  }
0x116: {  	s19 =	sadd.s32 $0x10, s15;
	[tilespmem:v6+s11+$0x0] =	vst.idx.add.s32.msk vm3, v3  }
0x117: {  	v6 =	vld [tilespmem:s19+$0x0]  }
0x118: {  	s20 =	sadd.s32 $0xFFFFFFFF, s18;
	p0 =	por $0x1, $0x1;
	s18 =	simm.s32 $0x0  }
.LBB2_11:
0x119: {  	p1 =	sne.s32 s20, $0x1;
	_ =	sdelay $0x1  }
0x11a: {  	s18 =	sadd.s32 $0x10, s18  }
0x11b: {  	v7 =	vor.u32 s18, v0  }
0x11c: {  	v6 =	vshra.s32 v6, $0x11;
	vm3 =	vlt.s32 v7, v5  }
0x11d: {  	v6 =	vnsel vm3, $0x0, v6;
	_ =	sdelay $0x1  }
.Ltmp9:
0x11e: {  	(pc) =	sbr.rel @p1 .LBB2_11-.Ltmp9, $3  }
0x11f: {  	_ =	sdelay $0x1  }
0x120: {  	s19 =	sadd.s32 $0x10, s19;
	[tilespmem:v6+s11+$0x0] =	vst.idx.add.s32.msk vm3, v3  }
0x121: {  	s20 =	sadd.s32 $0xFFFFFFFF, s20;
	v6 =	vld [tilespmem:s19+$0x0]  }
.Ltmp10:
0x122: {  	_ = 	snop;
	(pc) =	sbr.rel .LBB2_12-.Ltmp10, $1  }
0x123: {  	_ =	sdelay $0x3  }
.LBB2_10:
.Ltmp11:
0x124: {  	(pc) =	sbr.rel .LBB2_12-.Ltmp11, $2  }
0x125: {  	_ =	sdelay $0x2  }
0x126: {  	s18 =	simm.s32 $0x0  }
.LBB2_14:
0x127: {  	s16 =	simm.s32 $0x2C40  }
0x128: {  	v6 =	vld [tilespmem:s16+$0xFFFFFFC0]  }
0x129: {  	v5 =	vld [tilespmem:s16+$0xFFFFFFD0]  }
0x12a: {  	v7 =	vld [tilespmem:s16+$0xFFFFFFE0]  }
0x12b: {  	v8 =	vld [tilespmem:s16+$0xFFFFFFF0]  }
0x12c: {  	v9 =	vld [tilespmem:s16+$0x0]  }
0x12d: {  	v12 =	vld [tilespmem:s16+$0x10];
	(xrf0) =	vadd.scan.msk.s32 $0xffff, v6  }
0x12e: {  	v13 =	vld [tilespmem:s16+$0x20];
	(xrf0) =	vadd.scan.msk.s32 $0xffff, v5  }
0x12f: {  	(xrf0) =	vadd.scan.msk.s32 $0xffff, v7  }
0x130: {  	(xrf0) =	vadd.scan.msk.s32 $0xffff, v8  }
0x131: {  	v15 =	vld [tilespmem:s16+$0x30];
	(xrf0) =	vadd.scan.msk.s32 $0xffff, v9  }
0x132: {  	(xrf0) =	vadd.scan.msk.s32 $0xffff, v12  }
0x133: {  	v16, _, _ =	vpop (xrf0);
	(xrf0) =	vadd.scan.msk.s32 $0xffff, v13  }
0x134: {  	s19 =	simm.s32 $0x2CC0;
	(v2sf) =	vpush v16, $0xF;
	v11, _, _ =	vpop (xrf0)  }
0x135: {  	v10 =	vld [tilespmem:s19+$0xFFFFFFC0];
	(v2sf) =	vpush v11, $0xF;
	v14, _, _ =	vpop (xrf0)  }
0x136: {  	v18 =	vld [tilespmem:s19+$0xFFFFFFD0];
	(xrf0) =	vadd.scan.msk.s32 $0xffff, v15;
	(v2sf) =	vpush v14, $0xF;
	v17, _, _ =	vpop (xrf0)  }
0x137: {  	v19 =	vld [tilespmem:s19+$0xFFFFFFE0];
	(v2sf) =	vpush v17, $0xF;
	v20, _, _ =	vpop (xrf0)  }
0x138: {  	v21 =	vld [tilespmem:s19+$0xFFFFFFF0];
	(v2sf) =	vpush v20, $0xF;
	v22, _, _ =	vpop (xrf0)  }
0x139: {  	v23 =	vld [tilespmem:s19+$0x0];
	(v2sf) =	vpush v22, $0xF;
	v24, _, _ =	vpop (xrf0)  }
0x13a: {  	v25 =	vld [tilespmem:s19+$0x10];
	(xrf0) =	vadd.scan.msk.s32 $0xffff, v10;
	(v2sf) =	vpush v24, $0xF  }
0x13b: {  	v27 =	vld [tilespmem:s19+$0x20];
	(xrf0) =	vadd.scan.msk.s32 $0xffff, v18  }
0x13c: {  	(xrf0) =	vadd.scan.msk.s32 $0xffff, v19;
	v26, _, _ =	vpop (xrf0)  }
0x13d: {  	v28 =	vld [tilespmem:s19+$0x30];
	(xrf0) =	vadd.scan.msk.s32 $0xffff, v21;
	(v2sf) =	vpush v26, $0xF  }
0x13e: {  	(xrf0) =	vadd.scan.msk.s32 $0xffff, v23  }
0x13f: {  	s17 =	simm.s32 $0x0;
	(xrf0) =	vadd.scan.msk.s32 $0xffff, v25  }
0x140: {  	v30 =	vsub.s32 v14, v7;
	v31 =	vsub.s32 v17, v8;
	v8 =	vsub.s32 s17, v6;
	v14, _, _ =	vpop (xrf0);
	(xrf0) =	vadd.scan.msk.s32 $0xffff, v27  }
0x141: {  	s16 =	simm.s32 $0x2D40;
	v29 =	vsub.s32 v11, v5;
	v32 =	vsub.s32 v20, v9;
	(v2sf) =	vpush v14, $0xF;
	v7, _, _ =	vpop (xrf0)  }
0x142: {  	v11 =	vld [tilespmem:s16+$0xFFFFFFC0];
	v33 =	vsub.s32 v22, v12;
	v12 =	vadd.s32 v16, v8;
	(xrf0) =	vadd.scan.msk.s32 $0xffff, v28;
	(v2sf) =	vpush v7, $0xF;
	v9, _, _ =	vpop (xrf0)  }
0x143: {  	v5 =	vld [tilespmem:s16+$0xFFFFFFD0];
	v17 =	vsub.s32 v26, v15;
	(v2sf) =	vpush v9, $0xF;
	v8, _, _ =	vpop (xrf0);
	s20 =	spop (v2sf)  }
0x144: {  	s15 =	simm.s32 $0x3840;
	v6 =	vld [tilespmem:s16+$0xFFFFFFE0];
	v15 =	vsub.s32 v7, v18;
	v16 =	vsub.s32 v9, v19;
	v9, _, _ =	vpop (xrf0);
	(v2sf) =	vpush v8, $0xF;
	s17 =	sadd.s32 $0x0, s20;
	s18 =	spop (v2sf)  }
0x145: {  	[tilespmem:s15+$0xFFFFFFC0] =	vst v12;
	v7 =	vld [tilespmem:s16+$0xFFFFFFF0];
	v21 =	vsub.s32 v8, v21;
	v19 =	vsub.s32 v9, v23;
	v12, _, _ =	vpop (xrf0);
	(v2sf) =	vpush v9, $0xF;
	s18 =	sadd.s32 s17, s18;
	s19 =	spop (v2sf)  }
0x146: {  	v20 =	vsub.s32 v12, v25;
	v8 =	vld [tilespmem:s16+$0x0];
	(v2sf) =	vpush v12, $0xF;
	v12, _, _ =	vpop (xrf0);
	v22 =	vadd.s32 s17, v29;
	s21 =	sadd.s32 s18, s19;
	s22 =	spop (v2sf)  }
0x147: {  	(xrf0) =	vadd.scan.msk.s32 $0xffff, v11;
	v9 =	vld [tilespmem:s16+$0x10];
	v18 =	vsub.s32 v12, v27;
	(v2sf) =	vpush v12, $0xF;
	v12 =	vadd.s32 s21, v31;
	s17 =	sadd.s32 s21, s22;
	s20 =	spop (v2sf)  }
0x148: {  	v34 =	vsub.s32 v24, v13;
	(xrf0) =	vadd.scan.msk.s32 $0xffff, v5;
	v25, _, _ =	vpop (xrf0);
	[tilespmem:s15+$0xFFFFFFF0] =	vst v12;
	v13 =	vadd.s32 s17, v32;
	s21 =	spop (v2sf);
	v12 =	vld [tilespmem:s16+$0x20]  }
0x149: {  	(xrf0) =	vadd.scan.msk.s32 $0xffff, v6;
	[tilespmem:s15+$0x0] =	vst v13;
	s22 =	spop (v2sf);
	v13 =	vld [tilespmem:s16+$0x30];
	(v2sf) =	vpush v25, $0xF  }
0x14a: {  	(xrf0) =	vadd.scan.msk.s32 $0xffff, v7;
	s17 =	sadd.s32 s17, s20  }
0x14b: {  	v24 =	vadd.s32 s18, v30;
	(xrf0) =	vadd.scan.msk.s32 $0xffff, v8;
	v26 =	vadd.s32 s17, v33;
	s18 =	sadd.s32 s17, s21  }
0x14c: {  	v23 =	vsub.s32 v25, v28;
	s17 =	simm.s32 $0x10;
	(xrf0) =	vadd.scan.msk.s32 $0xffff, v9;
	[tilespmem:s15+$0x10] =	vst v26;
	v25 =	vadd.s32 s18, v34;
	s18 =	sadd.s32 s18, s22;
	s19 =	spop (v2sf)  }
.LBB2_15:
0x14d: {  	s17 =	sadd.s32 $0x8, s17;
	s16 =	sadd.s32 $0x80, s16;
	v26, _, _ =	vpop (xrf0);
	(xrf0) =	vadd.scan.msk.s32 $0xffff, v12;
	[tilespmem:s15+$0x20] =	vst v25;
	v25 =	vadd.s32 s18, v17;
	s18 =	sadd.s32 s18, s19;
	v17 =	vmov v23  }
0x14e: {  	v27 =	vld [tilespmem:s16+$0xFFFFFFC0];
	p0 =	slt.u32 s17, $0xB8;
	(v2sf) =	vpush v26, $0xF;
	v23, _, _ =	vpop (xrf0);
	(xrf0) =	vadd.scan.msk.s32 $0xffff, v13;
	v10 =	vsub.s32 s18, v10;
	[tilespmem:s15+$0x30] =	vst v25  }
0x14f: {  	v25 =	vsub.s32 v23, v5;
	v5 =	vld [tilespmem:s16+$0xFFFFFFD0];
	(v2sf) =	vpush v23, $0xF;
	v23, _, _ =	vpop (xrf0);
	v29 =	vadd.s32 v14, v10;
	[tilespmem:s15+$0xFFFFFFE0] =	vst v24  }
0x150: {  	v14 =	vmov v26;
	v28 =	vsub.s32 v23, v6;
	v6 =	vld [tilespmem:s16+$0xFFFFFFE0];
	(v2sf) =	vpush v23, $0xF;
	v23, _, _ =	vpop (xrf0);
	[tilespmem:s15+$0xFFFFFFD0] =	vst v22;
	s15 =	sadd.s32 $0x80, s15  }
0x151: {  	v26 =	vsub.s32 v23, v7;
	v7 =	vld [tilespmem:s16+$0xFFFFFFF0];
	(v2sf) =	vpush v23, $0xF;
	v22, _, _ =	vpop (xrf0);
	[tilespmem:s15+$0xFFFFFFC0] =	vst v29;
	s19 =	spop (v2sf);
	v10 =	vmov v11  }
0x152: {  	v29 =	vsub.s32 v22, v8;
	v8 =	vld [tilespmem:s16+$0x0];
	(v2sf) =	vpush v22, $0xF;
	v11, _, _ =	vpop (xrf0);
	s18 =	sadd.s32 s18, s19;
	s19 =	spop (v2sf)  }
0x153: {  	(xrf0) =	vadd.scan.msk.s32 $0xffff, v27;
	v30 =	vsub.s32 v11, v9;
	v9 =	vld [tilespmem:s16+$0x10];
	(v2sf) =	vpush v11, $0xF;
	v11, _, _ =	vpop (xrf0);
	v22 =	vadd.s32 s18, v15;
	s18 =	sadd.s32 s18, s19;
	s19 =	spop (v2sf)  }
.Ltmp12:
0x154: {  	(xrf0) =	vadd.scan.msk.s32 $0xffff, v5;
	v31 =	vsub.s32 v11, v12;
	v12 =	vld [tilespmem:s16+$0x20];
	(v2sf) =	vpush v11, $0xF;
	v11, _, _ =	vpop (xrf0);
	v24 =	vadd.s32 s18, v16;
	s18 =	sadd.s32 s18, s19;
	s19 =	spop (v2sf);
	(pc) =	sbr.rel @p0 .LBB2_15-.Ltmp12, $4  }
0x155: {  	(xrf0) =	vadd.scan.msk.s32 $0xffff, v6;
	v23 =	vsub.s32 v11, v13;
	v13 =	vld [tilespmem:s16+$0x30];
	(v2sf) =	vpush v11, $0xF;
	v32 =	vadd.s32 s18, v21;
	s18 =	sadd.s32 s18, s19;
	s19 =	spop (v2sf);
	v11 =	vmovc v27  }
0x156: {  	v15 =	vmovc v25;
	v16 =	vmov v28;
	(xrf0) =	vadd.scan.msk.s32 $0xffff, v7;
	[tilespmem:s15+$0xFFFFFFF0] =	vst v32;
	v27 =	vadd.s32 s18, v19;
	s18 =	sadd.s32 s18, s19;
	s19 =	spop (v2sf)  }
0x157: {  	v21 =	vmovc v26;
	v19 =	vmov v29;
	(xrf0) =	vadd.scan.msk.s32 $0xffff, v8;
	[tilespmem:s15+$0x0] =	vst v27;
	v27 =	vadd.s32 s18, v20;
	s18 =	sadd.s32 s18, s19;
	s19 =	spop (v2sf)  }
0x158: {  	v20 =	vmovc v30;
	(xrf0) =	vadd.scan.msk.s32 $0xffff, v9;
	[tilespmem:s15+$0x10] =	vst v27;
	v25 =	vadd.s32 s18, v18;
	s18 =	sadd.s32 s18, s19;
	s19 =	spop (v2sf);
	v18 =	vmov v31  }
0x159: {  	v26, _, _ =	vpop (xrf0);
	(xrf0) =	vadd.scan.msk.s32 $0xffff, v12  }
0x15a: {  	(v2sf) =	vpush v26, $0xF;
	v27, _, _ =	vpop (xrf0)  }
0x15b: {  	(v2sf) =	vpush v27, $0xF;
	v28, _, _ =	vpop (xrf0)  }
0x15c: {  	(xrf0) =	vadd.scan.msk.s32 $0xffff, v13;
	(v2sf) =	vpush v28, $0xF;
	v29, _, _ =	vpop (xrf0)  }
0x15d: {  	(v2sf) =	vpush v29, $0xF;
	v30, _, _ =	vpop (xrf0)  }
0x15e: {  	(v2sf) =	vpush v30, $0xF;
	v31, _, _ =	vpop (xrf0)  }
0x15f: {  	[tilespmem:s15+$0x20] =	vst v25;
	(v2sf) =	vpush v31, $0xF;
	v32, _, _ =	vpop (xrf0)  }
0x160: {  	s17 =	sadd.s32 s18, s19;
	[tilespmem:s15+$0xFFFFFFE0] =	vst v24;
	s16 =	spop (v2sf);
	(v2sf) =	vpush v32, $0xF  }
0x161: {  	v17 =	vadd.s32 s18, v17;
	[tilespmem:s15+$0xFFFFFFD0] =	vst v22;
	v10 =	vsub.s32 s17, v10;
	s20 =	spop (v2sf);
	s16 =	sadd.s32 s17, s16  }
0x162: {  	[tilespmem:s15+$0x30] =	vst v17;
	s15 =	sadd.s32 $0x80, s15;
	v10 =	vadd.s32 v14, v10;
	s21 =	spop (v2sf);
	s17 =	sadd.s32 s16, s20;
	v55, _, _ =	vpop (xrf0)  }
0x163: {  	[tilespmem:s15+$0xFFFFFFC0] =	vst v10;
	v61 =	vadd.s32 s16, v15;
	s18 =	sadd.s32 s17, s21;
	s22 =	spop (v2sf);
	(v2sf) =	vpush v55, $0xF  }
0x164: {  	v16 =	vadd.s32 s17, v16;
	[tilespmem:s15+$0xFFFFFFD0] =	vst v61;
	v56 =	vadd.s32 s18, v21;
	s18 =	sadd.s32 s18, s22;
	s20 =	spop (v2sf)  }
0x165: {  	[tilespmem:s15+$0xFFFFFFE0] =	vst v16;
	v57 =	vadd.s32 s18, v19;
	s18 =	sadd.s32 s18, s20;
	s21 =	spop (v2sf)  }
0x166: {  	[tilespmem:s15+$0xFFFFFFF0] =	vst v56;
	v58 =	vadd.s32 s18, v20;
	s18 =	sadd.s32 s18, s21;
	s22 =	spop (v2sf)  }
0x167: {  	[tilespmem:s15+$0x0] =	vst v57;
	v59 =	vadd.s32 s18, v18;
	s18 =	sadd.s32 s18, s22;
	s20 =	spop (v2sf)  }
0x168: {  	[tilespmem:s15+$0x10] =	vst v58;
	v60 =	vadd.s32 s18, v23;
	s18 =	sadd.s32 s18, s20  }
0x169: {  	[tilespmem:s15+$0x20] =	vst v59;
	v11 =	vsub.s32 s18, v11;
	s21 =	spop (v2sf)  }
0x16a: {  	v5 =	vsub.s32 v27, v5;
	[tilespmem:s15+$0x30] =	vst v60;
	s15 =	sadd.s32 $0x80, s15;
	v11 =	vadd.s32 v26, v11;
	s17 =	sadd.s32 s18, s21;
	s22 =	spop (v2sf)  }
0x16b: {  	v6 =	vsub.s32 v28, v6;
	(xrf0) =	vadd.scan.msk.s32 $0xffff, v4;
	[tilespmem:s15+$0xFFFFFFC0] =	vst v11;
	s16 =	sadd.s32 s17, s22;
	s20 =	spop (v2sf);
	v5 =	vadd.s32 s17, v5  }
0x16c: {  	v7 =	vsub.s32 v29, v7;
	s18 =	sadd.s32 s16, s20;
	s21 =	spop (v2sf);
	v6 =	vadd.s32 s16, v6;
	[tilespmem:s15+$0xFFFFFFD0] =	vst v5  }
0x16d: {  	v8 =	vsub.s32 v30, v8;
	v7 =	vadd.s32 s18, v7;
	s18 =	sadd.s32 s18, s21;
	s22 =	spop (v2sf);
	[tilespmem:s15+$0xFFFFFFE0] =	vst v6  }
.Ltmp13:
0x16e: {  	v9 =	vsub.s32 v31, v9;
	[tilespmem:s15+$0xFFFFFFF0] =	vst v7;
	v7 =	vadd.s32 s18, v8;
	s18 =	sadd.s32 s18, s22;
	s20 =	spop (v2sf);
	(pc) =	sbr.rel .LBB2_17-.Ltmp13, $4  }
0x16f: {  	v62 =	vsub.s32 v32, v12;
	[tilespmem:s15+$0x0] =	vst v7;
	v7 =	vadd.s32 s18, v9;
	s18 =	sadd.s32 s18, s20;
	s21 =	spop (v2sf)  }
0x170: {  	v63 =	vsub.s32 v55, v13;
	v8 =	vadd.s32 s18, v62;
	s18 =	sadd.s32 s18, s21;
	[tilespmem:s15+$0x10] =	vst v7  }
0x171: {  	v4, _, _ =	vpop (xrf0);
	s17 =	simm.s32 $0x0;
	v7 =	vadd.s32 s18, v63;
	[tilespmem:s15+$0x20] =	vst v8  }
0x172: {  	v4 =	vbroadcast v4, $0xF;
	s16 =	simm.s32 $0x0;
	s22 =	spop (v2sf);
	[tilespmem:s15+$0x30] =	vst v7;
	s15 =	simm.s32 $0x0  }
.LBB2_19:
0x173: {  	s19 =	simm.s32 $0x0  }
.LBB2_23:
0x174: {  	s19 =	sadd.s32 @p0 $0x10, s19  }
0x175: {  	s18 =	smov.u32 @p0 s19  }
0x176: {  	v8 =	vor.u32 s18, v0  }
0x177: {  	vm3 =	vlt.s32 v8, v6;
	v6 =	vshra.s32 v7, $0x11  }
0x178: {  	v6 =	vnsel vm3, $0x0, v6  }
0x179: {  	(xrf1) =	vunique.msk.u32 vm3, v6;
	_ =	sdelay $0x8  }
0x17a: {  	v63 =	vld.idx.msk [tilespmem:v6+s12+$0x0], $0xffff;
	_ =	sdelay $0x3  }
0x17b: {  	s18 =	sadd.s32 s18, s15  }
0x17c: {  	v9 =	vor.u32 s18, v0;
	v8 =	vadd.s32 v4, v63;
	_, v10, _ =	vpop (xrf1)  }
0x17d: {  	v8 =	vadd.s32 v10, v8  }
0x17e: {  	v7 =	vand.u32 $0x1FFFF, v7;
	v8 =	vshll.u32 v8, $0xC  }
0x17f: {  	v5 =	vadd.s32 v5, v7;
	v7 =	vadd.s32 $0xFFFFF000, v8  }
0x180: {  	[tilespmem:v6+s12+$0x0] =	vst.idx.add.s32.msk vm3, v3;
	v5 =	vor.u32 v5, v7  }
0x181: {  	[tilespmem:v9+s13+$0x0] =	vst.idx.msk vm3, v5  }
.LBB2_24:
0x182: {  	s17 =	sadd.s32 $0x1, s17  }
0x183: {  	p0 =	sne.s32 s17, $0x20  }
.Ltmp14:
0x184: {  	_ = 	snop;
	(pc) =	sbr.rel @!p0 .LBB2_25-.Ltmp14, $2  }
0x185: {  	_ =	sdelay $0x2  }
0x186: {  	s16 =	sadd.s32 $0x140, s16;
	s15 =	sadd.s32 $0x140, s15  }
.LBB2_17:
0x187: {  	_ =	sdelay $0x1  }
0x188: {  	s18 =	sshll.u32 s17, $0x5  }
0x189: {  	s18 =	sand.u32 $0x3FFFFFE0, s18  }
0x18a: {  	v5 =	vld.idx.msk [tilespmem:v1+s18+$0x0 ss:$0x1], $0xffff;
	_ =	sdelay $0x4  }
0x18b: {  	v5 =	vnsel vm2, $0x0, v5  }
0x18c: {  	(xrf0) =	vadd.scan.msk.s32 $0xffff, v5;
	_ =	sdelay $0x5  }
0x18d: {  	v5, _, _ =	vpop (xrf0)  }
0x18e: {  	(v2sf) =	vpush v5, $0xF;
	_ =	sdelay $0xe  }
0x18f: {  	s21 =	spop (v2sf)  }
0x190: {  	s18 =	sadd.s32 $0xF, s21  }
0x191: {  	s19 =	sand.u32 $0xF, s18  }
0x192: {  	s22 =	sshra.s32 s18, $0x1F;
	p1 =	slt.s32 s18, $0x1;
	p0 =	sne.s32 s19, $0x0  }
0x193: {  	s19 =	sshrl.u32 s22, $0x1C;
	p0 =	por !p1, !p0  }
0x194: {  	s18 =	sadd.s32 s19, s18;
	s19 =	simm.s32 $0x1;
	p0 =	por !p0, !p0  }
0x195: {  	s18 =	sshra.s32 s18, $0x4;
	s19 =	simm.s32 @!p0 $0x0  }
0x196: {  	s19 =	ssub.s32 s18, s19  }
0x197: {  	p0 =	slt.s32 s19, $0x1  }
.Ltmp15:
0x198: {  	_ = 	snop;
	(pc) =	sbr.rel @p0 .LBB2_24-.Ltmp15, $1  }
0x199: {  	_ =	sdelay $0x3  }
0x19a: {  	p1 =	sne.s32 s19, $0x1  }
.Ltmp16:
0x19b: {  	_ = 	snop;
	(pc) =	sbr.rel @!p1 .LBB2_19-.Ltmp16, $4  }
0x19c: {  	_ = 	snop  }
0x19d: {  	s18 =	smul.u32 $0xFFFFF400, s17  }
0x19e: {  	v7 =	vld [tilespmem:s16+$0x0]  }
0x19f: {  	v6 =	vbroadcast v5, $0xF;
	s19 =	sadd.s32 $0xFFFFFFFF, s19;
	p0 =	por $0x0, $0x0;
	v5 =	vmov s18;
	s18 =	simm.s32 $0x0  }
0x1a0: {  	_ =	sdelay $0x1  }
0x1a1: {  	v8 =	vor.u32 s18, v0  }
0x1a2: {  	vm3 =	vlt.s32 v8, v6;
	v8 =	vshra.s32 v7, $0x11  }
0x1a3: {  	v8 =	vnsel vm3, $0x0, v8  }
0x1a4: {  	(xrf1) =	vunique.msk.u32 vm3, v8;
	_ =	sdelay $0x8  }
0x1a5: {  	v9 =	vld.idx.msk [tilespmem:v8+s12+$0x0], $0xffff;
	_ =	sdelay $0x3  }
0x1a6: {  	s20 =	sadd.s32 $0x0, s15  }
0x1a7: {  	v10 =	vor.u32 s20, v0;
	v9 =	vadd.s32 v4, v9;
	_, v11, _ =	vpop (xrf1)  }
0x1a8: {  	v9 =	vadd.s32 v11, v9  }
0x1a9: {  	p1 =	sne.s32 s19, $0x1;
	v7 =	vand.u32 $0x1FFFF, v7;
	v9 =	vshll.u32 v9, $0xC  }
.Ltmp17:
0x1aa: {  	v7 =	vadd.s32 v5, v7;
	v9 =	vadd.s32 $0xFFFFF000, v9;
	(pc) =	sbr.rel @!p1 .LBB2_21-.Ltmp17, $4  }
0x1ab: {  	[tilespmem:v8+s12+$0x0] =	vst.idx.add.s32.msk vm3, v3;
	v7 =	vor.u32 v7, v9  }
0x1ac: {  	s20 =	sadd.s32 $0x10, s16;
	[tilespmem:v10+s13+$0x0] =	vst.idx.msk vm3, v7  }
0x1ad: {  	v7 =	vld [tilespmem:s20+$0x0]  }
0x1ae: {  	s21 =	sadd.s32 $0xFFFFFFFF, s19;
	p0 =	por $0x1, $0x1;
	s19 =	simm.s32 $0x0  }
.LBB2_22:
0x1af: {  	p1 =	sne.s32 s21, $0x1;
	_ =	sdelay $0x1  }
0x1b0: {  	s19 =	sadd.s32 $0x10, s19  }
0x1b1: {  	v8 =	vor.u32 s19, v0  }
0x1b2: {  	vm3 =	vlt.s32 v8, v6;
	v8 =	vshra.s32 v7, $0x11  }
0x1b3: {  	v8 =	vnsel vm3, $0x0, v8  }
0x1b4: {  	(xrf1) =	vunique.msk.u32 vm3, v8;
	_ =	sdelay $0x7  }
0x1b5: {  	v9 =	vld.idx.msk [tilespmem:v8+s12+$0x0], $0xffff;
	_ =	sdelay $0x4  }
0x1b6: {  	s22 =	sadd.s32 s19, s15  }
0x1b7: {  	v10 =	vor.u32 s22, v0;
	v9 =	vadd.s32 v4, v9;
	_, v11, _ =	vpop (xrf1)  }
0x1b8: {  	v9 =	vadd.s32 v11, v9  }
.Ltmp18:
0x1b9: {  	v7 =	vand.u32 $0x1FFFF, v7;
	v9 =	vshll.u32 v9, $0xC;
	(pc) =	sbr.rel @p1 .LBB2_22-.Ltmp18, $4  }
0x1ba: {  	v7 =	vadd.s32 v5, v7;
	v9 =	vadd.s32 $0xFFFFF000, v9  }
0x1bb: {  	[tilespmem:v8+s12+$0x0] =	vst.idx.add.s32.msk vm3, v3;
	v7 =	vor.u32 v7, v9  }
0x1bc: {  	s20 =	sadd.s32 $0x10, s20;
	[tilespmem:v10+s13+$0x0] =	vst.idx.msk vm3, v7  }
0x1bd: {  	s21 =	sadd.s32 $0xFFFFFFFF, s21;
	v7 =	vld [tilespmem:s20+$0x0]  }
.Ltmp19:
0x1be: {  	_ = 	snop;
	(pc) =	sbr.rel .LBB2_23-.Ltmp19, $1  }
0x1bf: {  	_ =	sdelay $0x3  }
.LBB2_21:
.Ltmp20:
0x1c0: {  	(pc) =	sbr.rel .LBB2_23-.Ltmp20, $2  }
0x1c1: {  	_ =	sdelay $0x2  }
0x1c2: {  	s19 =	simm.s32 $0x0  }
.LBB2_26:
0x1c3: {  	_ =	sfence.sel $0x180000  }
0x1c4: {  	[bflag:$0x0] =	sbarrier.arrive $0xFFFF  }
0x1c5: {  	_ =	strace $0x9000004A  }
0x1c6: {  	s0 =	stileid.u32;
	[bflag:$0x2] =	sbarrier.arrive $0xFFFF  }
0x1c7: {  	p0 =	sne.s32 s0, $0x0;
	s0 =	rddreg [dreg:$0x2]  }
0x1c8: {  	s0 =	sadd.s32 @!p0 $0x100000, s0  }
0x1c9: {  	[sflag:s0] =	ssyncadd.tile.s32 @!p0 $0x1;
	_ =	shalt  }
.Lfunc_end2:
_tile_overlayer_lowered:
.L_overlay_start_2:
0x1ca: {  	(tag) =	ssettag $0x2  }
0x1cb: {  	s0 =	rddreg [dreg:$0x0];
	s2 =	stileid.u32  }
0x1cc: {  	s1 =	rddreg [dreg:$0x1];
	p0 =	sne.s32 s2, $0x0  }
0x1cd: {  	s3 =	rddreg [dreg:$0x2];
	[bflag:$0x3] =	sbarrier.arrive $0xFFFF;
	s2 =	simm.s32 @!p0 $0x1C02  }
0x1ce: {  	[timem:s3], [sflag:s2] =	dma.local @!p0 [hbm:s0], s1  }
0x1cf: {  	s0 =	simm.s32 @!p0 $0x2  }
0x1d0: {  	_ =	swait.ge @!p0 [sflag:s0], s1  }
0x1d1: {  	s1 =	ssub.s32 @!p0 $0x0, s1;
	[sflag:s0] =	ssyncset.done @!p0 $0x0  }
0x1d2: {  	[sflag:s0] =	ssyncadd.s32 @!p0 s1  }
0x1d3: {  	[bflag:$0x3] =	sbarrier.arrive $0xFFFF  }
0x1d4: {  	_ =	shalt  }

</sc_bundles>
